<compile_context>
chip_gen: v7x
topology: tpu7x:2x2x1
jax: 0.10.2.dev20260603
libtpu: 0.0.44.dev20260713+nightly
codegen_flags: <defaults>
</compile_context>

<pallas_src>
import functools
import math

import jax
import jax.numpy as jnp
from jax import lax
from jax.experimental import pallas as pl
from jax.experimental.pallas import tpu as pltpu
from jax.experimental.pallas import tpu_sc as plsc



def _mm_body(x_ref, a_ref, b_ref, y_ref, z_ref):
    xb = x_ref[...]
    dn = (((1,), (0,)), ((), ()))
    y_ref[...] = lax.dot_general(xb, a_ref[...], dn,
                                 precision=lax.Precision.HIGHEST,
                                 preferred_element_type=jnp.float32)
    z_ref[...] = lax.dot_general(xb, b_ref[...], dn,
                                 precision=lax.Precision.HIGHEST,
                                 preferred_element_type=jnp.float32)


def _matmul_yz(x2, a, b):
    nt, d = x2.shape
    bm = 2000
    assert nt % bm == 0
    grid = (nt // bm,)
    return pl.pallas_call(
        _mm_body,
        grid=grid,
        in_specs=[
            pl.BlockSpec((bm, d), lambda i: (i, 0)),
            pl.BlockSpec((d, d), lambda i: (0, 0)),
            pl.BlockSpec((d, d), lambda i: (0, 0)),
        ],
        out_specs=[
            pl.BlockSpec((bm, d), lambda i: (i, 0)),
            pl.BlockSpec((bm, d), lambda i: (i, 0)),
        ],
        out_shape=[
            jax.ShapeDtypeStruct((nt, d), jnp.float32),
            jax.ShapeDtypeStruct((nt, d), jnp.float32),
        ],
    )(x2, a, b)



_CH = 16


def _gather_max(y, idx_flat, npad, k):
    n, d = y.shape
    info = plsc.get_sparse_core_info()
    nw = info.num_cores * info.num_subcores
    rows_per_tile = npad // nw
    nch = rows_per_tile // _CH
    assert rows_per_tile % _CH == 0 and nch % 2 == 0
    ncg = d // 16

    mesh = plsc.VectorSubcoreMesh(core_axis_name="c", subcore_axis_name="s")

    @functools.partial(
        pl.kernel,
        out_type=jax.ShapeDtypeStruct((npad, d), jnp.float32),
        mesh=mesh,
        scratch_types=[
            pltpu.VMEM((_CH * k,), jnp.int32),
            pltpu.VMEM((_CH * k,), jnp.int32),
            pltpu.VMEM((_CH * k, d), jnp.float32),
            pltpu.VMEM((_CH * k, d), jnp.float32),
            pltpu.VMEM((_CH, d), jnp.float32),
            pltpu.SemaphoreType.DMA,
            pltpu.SemaphoreType.DMA,
        ],
    )
    def gm(y_hbm, idx_hbm, out_hbm, i0, i1, r0, r1, outc_v, s0, s1):
        cid = lax.axis_index("c")
        sid = lax.axis_index("s")
        wid = sid * info.num_cores + cid
        base = wid * rows_per_tile
        idxs = (i0, i1)
        rows = (r0, r1)
        sems = (s0, s1)

        def start(g, slot):
            nb = base + g * _CH
            pltpu.sync_copy(idx_hbm.at[pl.ds(nb * k, _CH * k)], idxs[slot])
            pltpu.async_copy(y_hbm.at[idxs[slot]], rows[slot], sems[slot])

        def wait(g, slot):
            pltpu.make_async_copy(y_hbm.at[idxs[slot]], rows[slot],
                                  sems[slot]).wait()

        start(0, 0)

        @pl.loop(0, nch, step=2)
        def pair(g0):
            for bs in range(2):
                g = g0 + bs
                nslot = 1 - bs

                @pl.when(g + 1 < nch)
                def _():
                    start(g + 1, nslot)

                wait(g, bs)
                rv = rows[bs]

                def node(j, carry2):
                    for c in range(ncg):
                        m = rv[j * k, pl.ds(c * 16, 16)]
                        for r in range(1, k):
                            m = jnp.maximum(m, rv[j * k + r, pl.ds(c * 16, 16)])
                        outc_v[j, pl.ds(c * 16, 16)] = m
                    return carry2

                lax.fori_loop(0, _CH, node, 0)
                pltpu.sync_copy(outc_v, out_hbm.at[pl.ds(base + g * _CH, _CH)])

    return gm(y, idx_flat)



def _post_body(m_ref, z_ref, g_ref, bta_ref, o_ref):
    h = m_ref[...] + z_ref[...]
    mu = jnp.mean(h, axis=-1, keepdims=True)
    var = jnp.mean((h - mu) ** 2, axis=-1, keepdims=True)
    hn = (h - mu) / jnp.sqrt(var + 1e-5) * g_ref[...] + bta_ref[...]
    o_ref[...] = 0.5 * hn * (1.0 + lax.erf(hn * (1.0 / math.sqrt(2.0))))


def _post(m, z, gamma, beta):
    nt, d = m.shape
    bm = 2000
    grid = (nt // bm,)
    return pl.pallas_call(
        _post_body,
        grid=grid,
        in_specs=[
            pl.BlockSpec((bm, d), lambda i: (i, 0)),
            pl.BlockSpec((bm, d), lambda i: (i, 0)),
            pl.BlockSpec((1, d), lambda i: (0, 0)),
            pl.BlockSpec((1, d), lambda i: (0, 0)),
        ],
        out_specs=pl.BlockSpec((bm, d), lambda i: (i, 0)),
        out_shape=jax.ShapeDtypeStruct((nt, d), jnp.float32),
    )(m, z, gamma.reshape(1, d), beta.reshape(1, d))



def kernel(x, neighbor_ind, W, ln_gamma, ln_beta):
    b, n, d = x.shape
    k = neighbor_ind.shape[-1]
    nt = b * n
    x2 = x.reshape(nt, d)

    a = W[:, :d].T
    bb = (W[:, d:] - W[:, :d]).T
    y, z = _matmul_yz(x2, a, bb)

    nw = 32
    npad = ((nt + nw * _CH - 1) // (nw * _CH)) * (nw * _CH)
    idx = neighbor_ind.astype(jnp.int32) + (jnp.arange(b, dtype=jnp.int32) * n)[:, None, None]
    idx = jnp.pad(idx.reshape(nt * k), (0, (npad - nt) * k))

    m = _gather_max(y, idx, npad, k)[:nt]
    out = _post(m, z, ln_gamma, ln_beta)
    return out.reshape(b, n, d)

# --- scband reference (transcript-rebuilt; emitter-appended) ---
"""Pipeline reference for scband-edge-conv-55155970015771 (READ-ONLY COPY).

The authoritative reference and input builder live on the scoring server;
editing this copy changes nothing except your own understanding.
"""

import jax, jax.numpy as jnp
import numpy as np


def _layernorm(x, gamma, beta, eps=1e-5):
    mu = jnp.mean(x, axis=-1, keepdims=True)
    var = jnp.var(x, axis=-1, keepdims=True)
    return (x - mu) / jnp.sqrt(var + eps) * gamma + beta


def setup_inputs(seed: int = 0) -> dict:
    key = jax.random.key(seed)
    k1, k2, k3 = jax.random.split(key, 3)
    b, n, d, k = 1, 10000, 128, 16
    x = jax.random.normal(k1, (b, n, d), dtype=jnp.float32)
    neighbor_ind = jax.random.randint(k2, (b, n, k), 0, n)
    # nn.Linear(2*d, d, bias=False): weight shape (out=d, in=2*d)
    W = jax.random.normal(k3, (d, 2 * d), dtype=jnp.float32) * (1.0 / np.sqrt(2 * d))
    ln_gamma = jnp.ones((d,), dtype=jnp.float32)
    ln_beta = jnp.zeros((d,), dtype=jnp.float32)
    return {"x": x, "neighbor_ind": neighbor_ind, "W": W, "ln_gamma": ln_gamma, "ln_beta": ln_beta}


def reference(x, neighbor_ind, W, ln_gamma, ln_beta):
    # route: gather neighbor features along node dim
    # neighbor_x[b, i, j, :] = x[b, neighbor_ind[b, i, j], :]
    neighbor_x = jax.vmap(lambda xb, ib: xb[ib])(x, neighbor_ind)  # (b, n, k, d)
    xc = jnp.broadcast_to(x[:, :, None, :], neighbor_x.shape)  # (b, n, k, d)
    graph_feature = jnp.concatenate([neighbor_x - xc, xc], axis=-1)  # (b, n, k, 2d)
    # mlp: Linear(2d -> d, bias=False)
    h = jnp.einsum('bnkf,df->bnkd', graph_feature, W)
    # max over neighbors
    h = jnp.max(h, axis=2)
    # norm then act (torch GELU default = exact erf form)
    h = _layernorm(h, ln_gamma, ln_beta)
    return jax.nn.gelu(h, approximate=False)

if __name__ == "__main__":
    import jax
    _d = setup_inputs()
    print(jax.jit(kernel)(*tuple(_d.values())))

</pallas_src>

<mosaic_0001>
#map = affine_map<(d0, d1) -> (0, 0)>
#map1 = affine_map<(d0, d1) -> (0)>
module attributes {stable_mosaic.version = 14 : i64} {
  func.func @gm(%arg0: i32, %arg1: i32, %arg2: memref<10000x128xf32, #tpu.memory_space<hbm>>, %arg3: memref<163840xi32, #tpu.memory_space<hbm>>, %arg4: memref<10240x128xf32, #tpu.memory_space<hbm>>, %arg5: memref<256xi32, #tpu.memory_space<vmem>>, %arg6: memref<256xi32, #tpu.memory_space<vmem>>, %arg7: memref<256x128xf32, #tpu.memory_space<vmem>>, %arg8: memref<256x128xf32, #tpu.memory_space<vmem>>, %arg9: memref<16x128xf32, #tpu.memory_space<vmem>>, %arg10: memref<!tpu.dma_semaphore, #tpu.memory_space<semaphore_mem>>, %arg11: memref<!tpu.dma_semaphore, #tpu.memory_space<semaphore_mem>>) attributes {dimension_semantics = [#tpu.dimension_semantics<core_parallel>, #tpu.dimension_semantics<subcore_parallel>], iteration_bounds = array<i64: 2, 16>, scalar_prefetch = 0 : i64, scratch_operands = 7 : i64, tpu.core_type = #tpu.core_type<sc_vector_subcore>, window_params = [{transform_indices = #map}, {transform_indices = #map1}, {transform_indices = #map}]} {
    %mul3A = arith.constant 2 : i32
    %mul3A_0 = arith.muli %arg1, %mul3A : i32
    %add3A = arith.addi %mul3A_0, %arg0 : i32
    %mul3A_1 = arith.constant 320 : i32
    %mul3A_2 = arith.muli %add3A, %mul3A_1 : i32
    %add3A_3 = arith.constant 0 : i32
    %add3A_4 = arith.addi %mul3A_2, %add3A_3 : i32
    %mul3A_5 = arith.constant 16 : i32
    %mul3A_6 = arith.muli %add3A_4, %mul3A_5 : i32
    "tpu.region"() ({
      %run_scoped3A = tpu.sem_alloc : memref<!tpu.dma_semaphore, #tpu.memory_space<semaphore_mem>>
      %dma_start3A_13 = tpu.memref_slice %arg3[%mul3A_6] : memref<163840xi32, #tpu.memory_space<hbm>> -> memref<256xi32, #tpu.memory_space<hbm>>
      %dma_start3A_14 = tpu.memref_slice %arg3[%mul3A_6] : memref<163840xi32, #tpu.memory_space<hbm>> -> memref<256xi32, #tpu.memory_space<hbm>>
      tpu.enqueue_dma source(%dma_start3A_14 : memref<256xi32, #tpu.memory_space<hbm>>) target(%arg5 : memref<256xi32, #tpu.memory_space<vmem>>) target_semaphore(%run_scoped3A : memref<!tpu.dma_semaphore, #tpu.memory_space<semaphore_mem>>)
      %dma_wait3A = tpu.memref_slice %arg3[%mul3A_6] : memref<163840xi32, #tpu.memory_space<hbm>> -> memref<256xi32, #tpu.memory_space<hbm>>
      %dma_wait3A_15 = tpu.memref_slice %arg3[%mul3A_6] : memref<163840xi32, #tpu.memory_space<hbm>> -> memref<256xi32, #tpu.memory_space<hbm>>
      tpu.wait_dma2 semaphore(%run_scoped3A : memref<!tpu.dma_semaphore, #tpu.memory_space<semaphore_mem>>) src(%dma_wait3A_15 : memref<256xi32, #tpu.memory_space<hbm>>) dst(%arg5 : memref<256xi32, #tpu.memory_space<vmem>>)
      tpu.yield
    }) : () -> ()
    %dma_start3A = arith.constant 0 : i32
    %dma_start3A_7 = arith.constant 0 : i32
    %dma_start3A_8 = tpu.memref_slice %arg2[%dma_start3A, %dma_start3A_7] : memref<10000x128xf32, #tpu.memory_space<hbm>> -> memref<10000x128xf32, #tpu.memory_space<hbm>>
    tpu.enqueue_indirect_dma source(%dma_start3A_8 : memref<10000x128xf32, #tpu.memory_space<hbm>>) target(%arg7 : memref<256x128xf32, #tpu.memory_space<vmem>>) offsets(%arg5 : memref<256xi32, #tpu.memory_space<vmem>>) semaphore(%arg10 : memref<!tpu.dma_semaphore, #tpu.memory_space<semaphore_mem>>)
    %scan3A = arith.constant 0 : i32
    %scan3A_9 = arith.constant 10 : i32
    %scan3A_10 = arith.addi %scan3A, %scan3A_9 : i32
    %scan3A_11 = arith.constant 1 : i32
    scf.for %scan3A_13 = %scan3A to %scan3A_10 step %scan3A_11  : i32 {
      %mul3A_14 = arith.constant 2 : i32
      %mul3A_15 = arith.muli %scan3A_13, %mul3A_14 : i32
      %add3A_16 = arith.constant 0 : i32
      %add3A_17 = arith.addi %add3A_16, %mul3A_15 : i32
      %add3A_18 = arith.constant 0 : i32
      %add3A_19 = arith.addi %add3A_17, %add3A_18 : i32
      %add3A_20 = arith.constant 1 : i32
      %add3A_21 = arith.addi %add3A_19, %add3A_20 : i32
      %lt3A = arith.constant 20 : i32
      %lt3A_22 = arith.cmpi slt, %add3A_21, %lt3A : i32
      %convert_element_type3A = arith.extui %lt3A_22 : i1 to i32
      %cond3A = arith.constant 0 : i32
      %cond3A_23 = arith.cmpi ne, %convert_element_type3A, %cond3A : i32
      scf.if %cond3A_23 {
        %add3A_56 = arith.constant 1 : i32
        %add3A_57 = arith.addi %add3A_19, %add3A_56 : i32
        %mul3A_58 = arith.constant 16 : i32
        %mul3A_59 = arith.muli %add3A_57, %mul3A_58 : i32
        %add3A_60 = arith.addi %mul3A_2, %mul3A_59 : i32
        %mul3A_61 = arith.constant 16 : i32
        %mul3A_62 = arith.muli %add3A_60, %mul3A_61 : i32
        "tpu.region"() ({
          %run_scoped3A = tpu.sem_alloc : memref<!tpu.dma_semaphore, #tpu.memory_space<semaphore_mem>>
          %dma_start3A_66 = tpu.memref_slice %arg3[%mul3A_62] : memref<163840xi32, #tpu.memory_space<hbm>> -> memref<256xi32, #tpu.memory_space<hbm>>
          %dma_start3A_67 = tpu.memref_slice %arg3[%mul3A_62] : memref<163840xi32, #tpu.memory_space<hbm>> -> memref<256xi32, #tpu.memory_space<hbm>>
          tpu.enqueue_dma source(%dma_start3A_67 : memref<256xi32, #tpu.memory_space<hbm>>) target(%arg6 : memref<256xi32, #tpu.memory_space<vmem>>) target_semaphore(%run_scoped3A : memref<!tpu.dma_semaphore, #tpu.memory_space<semaphore_mem>>)
          %dma_wait3A_68 = tpu.memref_slice %arg3[%mul3A_62] : memref<163840xi32, #tpu.memory_space<hbm>> -> memref<256xi32, #tpu.memory_space<hbm>>
          %dma_wait3A_69 = tpu.memref_slice %arg3[%mul3A_62] : memref<163840xi32, #tpu.memory_space<hbm>> -> memref<256xi32, #tpu.memory_space<hbm>>
          tpu.wait_dma2 semaphore(%run_scoped3A : memref<!tpu.dma_semaphore, #tpu.memory_space<semaphore_mem>>) src(%dma_wait3A_69 : memref<256xi32, #tpu.memory_space<hbm>>) dst(%arg6 : memref<256xi32, #tpu.memory_space<vmem>>)
          tpu.yield
        }) : () -> ()
        %dma_start3A_63 = arith.constant 0 : i32
        %dma_start3A_64 = arith.constant 0 : i32
        %dma_start3A_65 = tpu.memref_slice %arg2[%dma_start3A_63, %dma_start3A_64] : memref<10000x128xf32, #tpu.memory_space<hbm>> -> memref<10000x128xf32, #tpu.memory_space<hbm>>
        tpu.enqueue_indirect_dma source(%dma_start3A_65 : memref<10000x128xf32, #tpu.memory_space<hbm>>) target(%arg8 : memref<256x128xf32, #tpu.memory_space<vmem>>) offsets(%arg6 : memref<256xi32, #tpu.memory_space<vmem>>) semaphore(%arg11 : memref<!tpu.dma_semaphore, #tpu.memory_space<semaphore_mem>>)
      } else {
      }
      %dma_wait3A = arith.constant 0 : i32
      %dma_wait3A_24 = arith.constant 0 : i32
      %dma_wait3A_25 = tpu.memref_slice %arg2[%dma_wait3A, %dma_wait3A_24] : memref<10000x128xf32, #tpu.memory_space<hbm>> -> memref<10000x128xf32, #tpu.memory_space<hbm>>
      tpu.wait_indirect_dma semaphore(%arg10 : memref<!tpu.dma_semaphore, #tpu.memory_space<semaphore_mem>>) src(%dma_wait3A_25 : memref<10000x128xf32, #tpu.memory_space<hbm>>) dst(%arg7 : memref<256x128xf32, #tpu.memory_space<vmem>>)
      %scan3A_26 = arith.constant 0 : i32
      %scan3A_27 = arith.constant 0 : i32
      %scan3A_28 = arith.constant 16 : i32
      %scan3A_29 = arith.addi %scan3A_27, %scan3A_28 : i32
      %scan3A_30 = arith.constant 1 : i32
      scf.for %scan3A_56 = %scan3A_27 to %scan3A_29 step %scan3A_30  : i32 {
        %mul3A_57 = arith.constant 16 : i32
        %mul3A_58 = arith.muli %scan3A_56, %mul3A_57 : i32
        %get3A = arith.index_cast %mul3A_58 : i32 to index
        %get3A_59 = arith.constant 0 : index
        %get3A_60 = tpu.vector_load %arg7[%get3A, %get3A_59] {strides = array<i32>} : memref<256x128xf32, #tpu.memory_space<vmem>>, vector<1x16xf32>,
        %get3A_61 = vector.shape_cast %get3A_60 : vector<1x16xf32> to vector<16xf32>
        %mul3A_62 = arith.constant 16 : i32
        %mul3A_63 = arith.muli %scan3A_56, %mul3A_62 : i32
        %add3A_64 = arith.constant 1 : i32
        %add3A_65 = arith.addi %mul3A_63, %add3A_64 : i32
        %get3A_66 = arith.index_cast %add3A_65 : i32 to index
        %get3A_67 = arith.constant 0 : index
        %get3A_68 = tpu.vector_load %arg7[%get3A_66, %get3A_67] {strides = array<i32>} : memref<256x128xf32, #tpu.memory_space<vmem>>, vector<1x16xf32>,
        %get3A_69 = vector.shape_cast %get3A_68 : vector<1x16xf32> to vector<16xf32>
        %max3A = arith.maximumf %get3A_61, %get3A_69 : vector<16xf32>
        %mul3A_70 = arith.constant 16 : i32
        %mul3A_71 = arith.muli %scan3A_56, %mul3A_70 : i32
        %add3A_72 = arith.constant 2 : i32
        %add3A_73 = arith.addi %mul3A_71, %add3A_72 : i32
        %get3A_74 = arith.index_cast %add3A_73 : i32 to index
        %get3A_75 = arith.constant 0 : index
        %get3A_76 = tpu.vector_load %arg7[%get3A_74, %get3A_75] {strides = array<i32>} : memref<256x128xf32, #tpu.memory_space<vmem>>, vector<1x16xf32>,
        %get3A_77 = vector.shape_cast %get3A_76 : vector<1x16xf32> to vector<16xf32>
        %max3A_78 = arith.maximumf %max3A, %get3A_77 : vector<16xf32>
        %mul3A_79 = arith.constant 16 : i32
        %mul3A_80 = arith.muli %scan3A_56, %mul3A_79 : i32
        %add3A_81 = arith.constant 3 : i32
        %add3A_82 = arith.addi %mul3A_80, %add3A_81 : i32
        %get3A_83 = arith.index_cast %add3A_82 : i32 to index
        %get3A_84 = arith.constant 0 : index
        %get3A_85 = tpu.vector_load %arg7[%get3A_83, %get3A_84] {strides = array<i32>} : memref<256x128xf32, #tpu.memory_space<vmem>>, vector<1x16xf32>,
        %get3A_86 = vector.shape_cast %get3A_85 : vector<1x16xf32> to vector<16xf32>
        %max3A_87 = arith.maximumf %max3A_78, %get3A_86 : vector<16xf32>
        %mul3A_88 = arith.constant 16 : i32
        %mul3A_89 = arith.muli %scan3A_56, %mul3A_88 : i32
        %add3A_90 = arith.constant 4 : i32
        %add3A_91 = arith.addi %mul3A_89, %add3A_90 : i32
        %get3A_92 = arith.index_cast %add3A_91 : i32 to index
        %get3A_93 = arith.constant 0 : index
        %get3A_94 = tpu.vector_load %arg7[%get3A_92, %get3A_93] {strides = array<i32>} : memref<256x128xf32, #tpu.memory_space<vmem>>, vector<1x16xf32>,
        %get3A_95 = vector.shape_cast %get3A_94 : vector<1x16xf32> to vector<16xf32>
        %max3A_96 = arith.maximumf %max3A_87, %get3A_95 : vector<16xf32>
        %mul3A_97 = arith.constant 16 : i32
        %mul3A_98 = arith.muli %scan3A_56, %mul3A_97 : i32
        %add3A_99 = arith.constant 5 : i32
        %add3A_100 = arith.addi %mul3A_98, %add3A_99 : i32
        %get3A_101 = arith.index_cast %add3A_100 : i32 to index
        %get3A_102 = arith.constant 0 : index
        %get3A_103 = tpu.vector_load %arg7[%get3A_101, %get3A_102] {strides = array<i32>} : memref<256x128xf32, #tpu.memory_space<vmem>>, vector<1x16xf32>,
        %get3A_104 = vector.shape_cast %get3A_103 : vector<1x16xf32> to vector<16xf32>
        %max3A_105 = arith.maximumf %max3A_96, %get3A_104 : vector<16xf32>
        %mul3A_106 = arith.constant 16 : i32
        %mul3A_107 = arith.muli %scan3A_56, %mul3A_106 : i32
        %add3A_108 = arith.constant 6 : i32
        %add3A_109 = arith.addi %mul3A_107, %add3A_108 : i32
        %get3A_110 = arith.index_cast %add3A_109 : i32 to index
        %get3A_111 = arith.constant 0 : index
        %get3A_112 = tpu.vector_load %arg7[%get3A_110, %get3A_111] {strides = array<i32>} : memref<256x128xf32, #tpu.memory_space<vmem>>, vector<1x16xf32>,
        %get3A_113 = vector.shape_cast %get3A_112 : vector<1x16xf32> to vector<16xf32>
        %max3A_114 = arith.maximumf %max3A_105, %get3A_113 : vector<16xf32>
        %mul3A_115 = arith.constant 16 : i32
        %mul3A_116 = arith.muli %scan3A_56, %mul3A_115 : i32
        %add3A_117 = arith.constant 7 : i32
        %add3A_118 = arith.addi %mul3A_116, %add3A_117 : i32
        %get3A_119 = arith.index_cast %add3A_118 : i32 to index
        %get3A_120 = arith.constant 0 : index
        %get3A_121 = tpu.vector_load %arg7[%get3A_119, %get3A_120] {strides = array<i32>} : memref<256x128xf32, #tpu.memory_space<vmem>>, vector<1x16xf32>,
        %get3A_122 = vector.shape_cast %get3A_121 : vector<1x16xf32> to vector<16xf32>
        %max3A_123 = arith.maximumf %max3A_114, %get3A_122 : vector<16xf32>
        %mul3A_124 = arith.constant 16 : i32
        %mul3A_125 = arith.muli %scan3A_56, %mul3A_124 : i32
        %add3A_126 = arith.constant 8 : i32
        %add3A_127 = arith.addi %mul3A_125, %add3A_126 : i32
        %get3A_128 = arith.index_cast %add3A_127 : i32 to index
        %get3A_129 = arith.constant 0 : index
        %get3A_130 = tpu.vector_load %arg7[%get3A_128, %get3A_129] {strides = array<i32>} : memref<256x128xf32, #tpu.memory_space<vmem>>, vector<1x16xf32>,
        %get3A_131 = vector.shape_cast %get3A_130 : vector<1x16xf32> to vector<16xf32>
        %max3A_132 = arith.maximumf %max3A_123, %get3A_131 : vector<16xf32>
        %mul3A_133 = arith.constant 16 : i32
        %mul3A_134 = arith.muli %scan3A_56, %mul3A_133 : i32
        %add3A_135 = arith.constant 9 : i32
        %add3A_136 = arith.addi %mul3A_134, %add3A_135 : i32
        %get3A_137 = arith.index_cast %add3A_136 : i32 to index
        %get3A_138 = arith.constant 0 : index
        %get3A_139 = tpu.vector_load %arg7[%get3A_137, %get3A_138] {strides = array<i32>} : memref<256x128xf32, #tpu.memory_space<vmem>>, vector<1x16xf32>,
        %get3A_140 = vector.shape_cast %get3A_139 : vector<1x16xf32> to vector<16xf32>
        %max3A_141 = arith.maximumf %max3A_132, %get3A_140 : vector<16xf32>
        %mul3A_142 = arith.constant 16 : i32
        %mul3A_143 = arith.muli %scan3A_56, %mul3A_142 : i32
        %add3A_144 = arith.constant 10 : i32
        %add3A_145 = arith.addi %mul3A_143, %add3A_144 : i32
        %get3A_146 = arith.index_cast %add3A_145 : i32 to index
        %get3A_147 = arith.constant 0 : index
        %get3A_148 = tpu.vector_load %arg7[%get3A_146, %get3A_147] {strides = array<i32>} : memref<256x128xf32, #tpu.memory_space<vmem>>, vector<1x16xf32>,
        %get3A_149 = vector.shape_cast %get3A_148 : vector<1x16xf32> to vector<16xf32>
        %max3A_150 = arith.maximumf %max3A_141, %get3A_149 : vector<16xf32>
        %mul3A_151 = arith.constant 16 : i32
        %mul3A_152 = arith.muli %scan3A_56, %mul3A_151 : i32
        %add3A_153 = arith.constant 11 : i32
        %add3A_154 = arith.addi %mul3A_152, %add3A_153 : i32
        %get3A_155 = arith.index_cast %add3A_154 : i32 to index
        %get3A_156 = arith.constant 0 : index
        %get3A_157 = tpu.vector_load %arg7[%get3A_155, %get3A_156] {strides = array<i32>} : memref<256x128xf32, #tpu.memory_space<vmem>>, vector<1x16xf32>,
        %get3A_158 = vector.shape_cast %get3A_157 : vector<1x16xf32> to vector<16xf32>
        %max3A_159 = arith.maximumf %max3A_150, %get3A_158 : vector<16xf32>
        %mul3A_160 = arith.constant 16 : i32
        %mul3A_161 = arith.muli %scan3A_56, %mul3A_160 : i32
        %add3A_162 = arith.constant 12 : i32
        %add3A_163 = arith.addi %mul3A_161, %add3A_162 : i32
        %get3A_164 = arith.index_cast %add3A_163 : i32 to index
        %get3A_165 = arith.constant 0 : index
        %get3A_166 = tpu.vector_load %arg7[%get3A_164, %get3A_165] {strides = array<i32>} : memref<256x128xf32, #tpu.memory_space<vmem>>, vector<1x16xf32>,
        %get3A_167 = vector.shape_cast %get3A_166 : vector<1x16xf32> to vector<16xf32>
        %max3A_168 = arith.maximumf %max3A_159, %get3A_167 : vector<16xf32>
        %mul3A_169 = arith.constant 16 : i32
        %mul3A_170 = arith.muli %scan3A_56, %mul3A_169 : i32
        %add3A_171 = arith.constant 13 : i32
        %add3A_172 = arith.addi %mul3A_170, %add3A_171 : i32
        %get3A_173 = arith.index_cast %add3A_172 : i32 to index
        %get3A_174 = arith.constant 0 : index
        %get3A_175 = tpu.vector_load %arg7[%get3A_173, %get3A_174] {strides = array<i32>} : memref<256x128xf32, #tpu.memory_space<vmem>>, vector<1x16xf32>,
        %get3A_176 = vector.shape_cast %get3A_175 : vector<1x16xf32> to vector<16xf32>
        %max3A_177 = arith.maximumf %max3A_168, %get3A_176 : vector<16xf32>
        %mul3A_178 = arith.constant 16 : i32
        %mul3A_179 = arith.muli %scan3A_56, %mul3A_178 : i32
        %add3A_180 = arith.constant 14 : i32
        %add3A_181 = arith.addi %mul3A_179, %add3A_180 : i32
        %get3A_182 = arith.index_cast %add3A_181 : i32 to index
        %get3A_183 = arith.constant 0 : index
        %get3A_184 = tpu.vector_load %arg7[%get3A_182, %get3A_183] {strides = array<i32>} : memref<256x128xf32, #tpu.memory_space<vmem>>, vector<1x16xf32>,
        %get3A_185 = vector.shape_cast %get3A_184 : vector<1x16xf32> to vector<16xf32>
        %max3A_186 = arith.maximumf %max3A_177, %get3A_185 : vector<16xf32>
        %mul3A_187 = arith.constant 16 : i32
        %mul3A_188 = arith.muli %scan3A_56, %mul3A_187 : i32
        %add3A_189 = arith.constant 15 : i32
        %add3A_190 = arith.addi %mul3A_188, %add3A_189 : i32
        %get3A_191 = arith.index_cast %add3A_190 : i32 to index
        %get3A_192 = arith.constant 0 : index
        %get3A_193 = tpu.vector_load %arg7[%get3A_191, %get3A_192] {strides = array<i32>} : memref<256x128xf32, #tpu.memory_space<vmem>>, vector<1x16xf32>,
        %get3A_194 = vector.shape_cast %get3A_193 : vector<1x16xf32> to vector<16xf32>
        %max3A_195 = arith.maximumf %max3A_186, %get3A_194 : vector<16xf32>
        %swap3A = arith.index_cast %scan3A_56 : i32 to index
        %swap3A_196 = arith.constant 0 : index
        %swap3A_197 = tpu.vector_load %arg9[%swap3A, %swap3A_196] {strides = array<i32>} : memref<16x128xf32, #tpu.memory_space<vmem>>, vector<1x16xf32>,
        %swap3A_198 = vector.shape_cast %swap3A_197 : vector<1x16xf32> to vector<16xf32>
        %swap3A_199 = vector.shape_cast %max3A_195 : vector<16xf32> to vector<1x16xf32>
        tpu.vector_store %arg9[%swap3A, %swap3A_196], %swap3A_199 {strides = array<i32>} : memref<16x128xf32, #tpu.memory_space<vmem>>, vector<1x16xf32>,
        %mul3A_200 = arith.constant 16 : i32
        %mul3A_201 = arith.muli %scan3A_56, %mul3A_200 : i32
        %get3A_202 = arith.index_cast %mul3A_201 : i32 to index
        %get3A_203 = arith.constant 16 : index
        %get3A_204 = tpu.vector_load %arg7[%get3A_202, %get3A_203] {strides = array<i32>} : memref<256x128xf32, #tpu.memory_space<vmem>>, vector<1x16xf32>,
        %get3A_205 = vector.shape_cast %get3A_204 : vector<1x16xf32> to vector<16xf32>
        %mul3A_206 = arith.constant 16 : i32
        %mul3A_207 = arith.muli %scan3A_56, %mul3A_206 : i32
        %add3A_208 = arith.constant 1 : i32
        %add3A_209 = arith.addi %mul3A_207, %add3A_208 : i32
        %get3A_210 = arith.index_cast %add3A_209 : i32 to index
        %get3A_211 = arith.constant 16 : index
        %get3A_212 = tpu.vector_load %arg7[%get3A_210, %get3A_211] {strides = array<i32>} : memref<256x128xf32, #tpu.memory_space<vmem>>, vector<1x16xf32>,
        %get3A_213 = vector.shape_cast %get3A_212 : vector<1x16xf32> to vector<16xf32>
        %max3A_214 = arith.maximumf %get3A_205, %get3A_213 : vector<16xf32>
        %mul3A_215 = arith.constant 16 : i32
        %mul3A_216 = arith.muli %scan3A_56, %mul3A_215 : i32
        %add3A_217 = arith.constant 2 : i32
        %add3A_218 = arith.addi %mul3A_216, %add3A_217 : i32
        %get3A_219 = arith.index_cast %add3A_218 : i32 to index
        %get3A_220 = arith.constant 16 : index
        %get3A_221 = tpu.vector_load %arg7[%get3A_219, %get3A_220] {strides = array<i32>} : memref<256x128xf32, #tpu.memory_space<vmem>>, vector<1x16xf32>,
        %get3A_222 = vector.shape_cast %get3A_221 : vector<1x16xf32> to vector<16xf32>
        %max3A_223 = arith.maximumf %max3A_214, %get3A_222 : vector<16xf32>
        %mul3A_224 = arith.constant 16 : i32
        %mul3A_225 = arith.muli %scan3A_56, %mul3A_224 : i32
        %add3A_226 = arith.constant 3 : i32
        %add3A_227 = arith.addi %mul3A_225, %add3A_226 : i32
        %get3A_228 = arith.index_cast %add3A_227 : i32 to index
        %get3A_229 = arith.constant 16 : index
        %get3A_230 = tpu.vector_load %arg7[%get3A_228, %get3A_229] {strides = array<i32>} : memref<256x128xf32, #tpu.memory_space<vmem>>, vector<1x16xf32>,
        %get3A_231 = vector.shape_cast %get3A_230 : vector<1x16xf32> to vector<16xf32>
        %max3A_232 = arith.maximumf %max3A_223, %get3A_231 : vector<16xf32>
        %mul3A_233 = arith.constant 16 : i32
        %mul3A_234 = arith.muli %scan3A_56, %mul3A_233 : i32
        %add3A_235 = arith.constant 4 : i32
        %add3A_236 = arith.addi %mul3A_234, %add3A_235 : i32
        %get3A_237 = arith.index_cast %add3A_236 : i32 to index
        %get3A_238 = arith.constant 16 : index
        %get3A_239 = tpu.vector_load %arg7[%get3A_237, %get3A_238] {strides = array<i32>} : memref<256x128xf32, #tpu.memory_space<vmem>>, vector<1x16xf32>,
        %get3A_240 = vector.shape_cast %get3A_239 : vector<1x16xf32> to vector<16xf32>
        %max3A_241 = arith.maximumf %max3A_232, %get3A_240 : vector<16xf32>
        %mul3A_242 = arith.constant 16 : i32
        %mul3A_243 = arith.muli %scan3A_56, %mul3A_242 : i32
        %add3A_244 = arith.constant 5 : i32
        %add3A_245 = arith.addi %mul3A_243, %add3A_244 : i32
        %get3A_246 = arith.index_cast %add3A_245 : i32 to index
        %get3A_247 = arith.constant 16 : index
        %get3A_248 = tpu.vector_load %arg7[%get3A_246, %get3A_247] {strides = array<i32>} : memref<256x128xf32, #tpu.memory_space<vmem>>, vector<1x16xf32>,
        %get3A_249 = vector.shape_cast %get3A_248 : vector<1x16xf32> to vector<16xf32>
        %max3A_250 = arith.maximumf %max3A_241, %get3A_249 : vector<16xf32>
        %mul3A_251 = arith.constant 16 : i32
        %mul3A_252 = arith.muli %scan3A_56, %mul3A_251 : i32
        %add3A_253 = arith.constant 6 : i32
        %add3A_254 = arith.addi %mul3A_252, %add3A_253 : i32
        %get3A_255 = arith.index_cast %add3A_254 : i32 to index
        %get3A_256 = arith.constant 16 : index
        %get3A_257 = tpu.vector_load %arg7[%get3A_255, %get3A_256] {strides = array<i32>} : memref<256x128xf32, #tpu.memory_space<vmem>>, vector<1x16xf32>,
        %get3A_258 = vector.shape_cast %get3A_257 : vector<1x16xf32> to vector<16xf32>
        %max3A_259 = arith.maximumf %max3A_250, %get3A_258 : vector<16xf32>
        %mul3A_260 = arith.constant 16 : i32
        %mul3A_261 = arith.muli %scan3A_56, %mul3A_260 : i32
        %add3A_262 = arith.constant 7 : i32
        %add3A_263 = arith.addi %mul3A_261, %add3A_262 : i32
        %get3A_264 = arith.index_cast %add3A_263 : i32 to index
        %get3A_265 = arith.constant 16 : index
        %get3A_266 = tpu.vector_load %arg7[%get3A_264, %get3A_265] {strides = array<i32>} : memref<256x128xf32, #tpu.memory_space<vmem>>, vector<1x16xf32>,
        %get3A_267 = vector.shape_cast %get3A_266 : vector<1x16xf32> to vector<16xf32>
        %max3A_268 = arith.maximumf %max3A_259, %get3A_267 : vector<16xf32>
        %mul3A_269 = arith.constant 16 : i32
        %mul3A_270 = arith.muli %scan3A_56, %mul3A_269 : i32
        %add3A_271 = arith.constant 8 : i32
        %add3A_272 = arith.addi %mul3A_270, %add3A_271 : i32
        %get3A_273 = arith.index_cast %add3A_272 : i32 to index
        %get3A_274 = arith.constant 16 : index
        %get3A_275 = tpu.vector_load %arg7[%get3A_273, %get3A_274] {strides = array<i32>} : memref<256x128xf32, #tpu.memory_space<vmem>>, vector<1x16xf32>,
        %get3A_276 = vector.shape_cast %get3A_275 : vector<1x16xf32> to vector<16xf32>
        %max3A_277 = arith.maximumf %max3A_268, %get3A_276 : vector<16xf32>
        %mul3A_278 = arith.constant 16 : i32
        %mul3A_279 = arith.muli %scan3A_56, %mul3A_278 : i32
        %add3A_280 = arith.constant 9 : i32
        %add3A_281 = arith.addi %mul3A_279, %add3A_280 : i32
        %get3A_282 = arith.index_cast %add3A_281 : i32 to index
        %get3A_283 = arith.constant 16 : index
        %get3A_284 = tpu.vector_load %arg7[%get3A_282, %get3A_283] {strides = array<i32>} : memref<256x128xf32, #tpu.memory_space<vmem>>, vector<1x16xf32>,
        %get3A_285 = vector.shape_cast %get3A_284 : vector<1x16xf32> to vector<16xf32>
        %max3A_286 = arith.maximumf %max3A_277, %get3A_285 : vector<16xf32>
        %mul3A_287 = arith.constant 16 : i32
        %mul3A_288 = arith.muli %scan3A_56, %mul3A_287 : i32
        %add3A_289 = arith.constant 10 : i32
        %add3A_290 = arith.addi %mul3A_288, %add3A_289 : i32
        %get3A_291 = arith.index_cast %add3A_290 : i32 to index
        %get3A_292 = arith.constant 16 : index
        %get3A_293 = tpu.vector_load %arg7[%get3A_291, %get3A_292] {strides = array<i32>} : memref<256x128xf32, #tpu.memory_space<vmem>>, vector<1x16xf32>,
        %get3A_294 = vector.shape_cast %get3A_293 : vector<1x16xf32> to vector<16xf32>
        %max3A_295 = arith.maximumf %max3A_286, %get3A_294 : vector<16xf32>
        %mul3A_296 = arith.constant 16 : i32
        %mul3A_297 = arith.muli %scan3A_56, %mul3A_296 : i32
        %add3A_298 = arith.constant 11 : i32
        %add3A_299 = arith.addi %mul3A_297, %add3A_298 : i32
        %get3A_300 = arith.index_cast %add3A_299 : i32 to index
        %get3A_301 = arith.constant 16 : index
        %get3A_302 = tpu.vector_load %arg7[%get3A_300, %get3A_301] {strides = array<i32>} : memref<256x128xf32, #tpu.memory_space<vmem>>, vector<1x16xf32>,
        %get3A_303 = vector.shape_cast %get3A_302 : vector<1x16xf32> to vector<16xf32>
        %max3A_304 = arith.maximumf %max3A_295, %get3A_303 : vector<16xf32>
        %mul3A_305 = arith.constant 16 : i32
        %mul3A_306 = arith.muli %scan3A_56, %mul3A_305 : i32
        %add3A_307 = arith.constant 12 : i32
        %add3A_308 = arith.addi %mul3A_306, %add3A_307 : i32
        %get3A_309 = arith.index_cast %add3A_308 : i32 to index
        %get3A_310 = arith.constant 16 : index
        %get3A_311 = tpu.vector_load %arg7[%get3A_309, %get3A_310] {strides = array<i32>} : memref<256x128xf32, #tpu.memory_space<vmem>>, vector<1x16xf32>,
        %get3A_312 = vector.shape_cast %get3A_311 : vector<1x16xf32> to vector<16xf32>
        %max3A_313 = arith.maximumf %max3A_304, %get3A_312 : vector<16xf32>
        %mul3A_314 = arith.constant 16 : i32
        %mul3A_315 = arith.muli %scan3A_56, %mul3A_314 : i32
        %add3A_316 = arith.constant 13 : i32
        %add3A_317 = arith.addi %mul3A_315, %add3A_316 : i32
        %get3A_318 = arith.index_cast %add3A_317 : i32 to index
        %get3A_319 = arith.constant 16 : index
        %get3A_320 = tpu.vector_load %arg7[%get3A_318, %get3A_319] {strides = array<i32>} : memref<256x128xf32, #tpu.memory_space<vmem>>, vector<1x16xf32>,
        %get3A_321 = vector.shape_cast %get3A_320 : vector<1x16xf32> to vector<16xf32>
        %max3A_322 = arith.maximumf %max3A_313, %get3A_321 : vector<16xf32>
        %mul3A_323 = arith.constant 16 : i32
        %mul3A_324 = arith.muli %scan3A_56, %mul3A_323 : i32
        %add3A_325 = arith.constant 14 : i32
        %add3A_326 = arith.addi %mul3A_324, %add3A_325 : i32
        %get3A_327 = arith.index_cast %add3A_326 : i32 to index
        %get3A_328 = arith.constant 16 : index
        %get3A_329 = tpu.vector_load %arg7[%get3A_327, %get3A_328] {strides = array<i32>} : memref<256x128xf32, #tpu.memory_space<vmem>>, vector<1x16xf32>,
        %get3A_330 = vector.shape_cast %get3A_329 : vector<1x16xf32> to vector<16xf32>
        %max3A_331 = arith.maximumf %max3A_322, %get3A_330 : vector<16xf32>
        %mul3A_332 = arith.constant 16 : i32
        %mul3A_333 = arith.muli %scan3A_56, %mul3A_332 : i32
        %add3A_334 = arith.constant 15 : i32
        %add3A_335 = arith.addi %mul3A_333, %add3A_334 : i32
        %get3A_336 = arith.index_cast %add3A_335 : i32 to index
        %get3A_337 = arith.constant 16 : index
        %get3A_338 = tpu.vector_load %arg7[%get3A_336, %get3A_337] {strides = array<i32>} : memref<256x128xf32, #tpu.memory_space<vmem>>, vector<1x16xf32>,
        %get3A_339 = vector.shape_cast %get3A_338 : vector<1x16xf32> to vector<16xf32>
        %max3A_340 = arith.maximumf %max3A_331, %get3A_339 : vector<16xf32>
        %swap3A_341 = arith.index_cast %scan3A_56 : i32 to index
        %swap3A_342 = arith.constant 16 : index
        %swap3A_343 = tpu.vector_load %arg9[%swap3A_341, %swap3A_342] {strides = array<i32>} : memref<16x128xf32, #tpu.memory_space<vmem>>, vector<1x16xf32>,
        %swap3A_344 = vector.shape_cast %swap3A_343 : vector<1x16xf32> to vector<16xf32>
        %swap3A_345 = vector.shape_cast %max3A_340 : vector<16xf32> to vector<1x16xf32>
        tpu.vector_store %arg9[%swap3A_341, %swap3A_342], %swap3A_345 {strides = array<i32>} : memref<16x128xf32, #tpu.memory_space<vmem>>, vector<1x16xf32>,
        %mul3A_346 = arith.constant 16 : i32
        %mul3A_347 = arith.muli %scan3A_56, %mul3A_346 : i32
        %get3A_348 = arith.index_cast %mul3A_347 : i32 to index
        %get3A_349 = arith.constant 32 : index
        %get3A_350 = tpu.vector_load %arg7[%get3A_348, %get3A_349] {strides = array<i32>} : memref<256x128xf32, #tpu.memory_space<vmem>>, vector<1x16xf32>,
        %get3A_351 = vector.shape_cast %get3A_350 : vector<1x16xf32> to vector<16xf32>
        %mul3A_352 = arith.constant 16 : i32
        %mul3A_353 = arith.muli %scan3A_56, %mul3A_352 : i32
        %add3A_354 = arith.constant 1 : i32
        %add3A_355 = arith.addi %mul3A_353, %add3A_354 : i32
        %get3A_356 = arith.index_cast %add3A_355 : i32 to index
        %get3A_357 = arith.constant 32 : index
        %get3A_358 = tpu.vector_load %arg7[%get3A_356, %get3A_357] {strides = array<i32>} : memref<256x128xf32, #tpu.memory_space<vmem>>, vector<1x16xf32>,
        %get3A_359 = vector.shape_cast %get3A_358 : vector<1x16xf32> to vector<16xf32>
        %max3A_360 = arith.maximumf %get3A_351, %get3A_359 : vector<16xf32>
        %mul3A_361 = arith.constant 16 : i32
        %mul3A_362 = arith.muli %scan3A_56, %mul3A_361 : i32
        %add3A_363 = arith.constant 2 : i32
        %add3A_364 = arith.addi %mul3A_362, %add3A_363 : i32
        %get3A_365 = arith.index_cast %add3A_364 : i32 to index
        %get3A_366 = arith.constant 32 : index
        %get3A_367 = tpu.vector_load %arg7[%get3A_365, %get3A_366] {strides = array<i32>} : memref<256x128xf32, #tpu.memory_space<vmem>>, vector<1x16xf32>,
        %get3A_368 = vector.shape_cast %get3A_367 : vector<1x16xf32> to vector<16xf32>
        %max3A_369 = arith.maximumf %max3A_360, %get3A_368 : vector<16xf32>
        %mul3A_370 = arith.constant 16 : i32
        %mul3A_371 = arith.muli %scan3A_56, %mul3A_370 : i32
        %add3A_372 = arith.constant 3 : i32
        %add3A_373 = arith.addi %mul3A_371, %add3A_372 : i32
        %get3A_374 = arith.index_cast %add3A_373 : i32 to index
        %get3A_375 = arith.constant 32 : index
        %get3A_376 = tpu.vector_load %arg7[%get3A_374, %get3A_375] {strides = array<i32>} : memref<256x128xf32, #tpu.memory_space<vmem>>, vector<1x16xf32>,
        %get3A_377 = vector.shape_cast %get3A_376 : vector<1x16xf32> to vector<16xf32>
        %max3A_378 = arith.maximumf %max3A_369, %get3A_377 : vector<16xf32>
        %mul3A_379 = arith.constant 16 : i32
        %mul3A_380 = arith.muli %scan3A_56, %mul3A_379 : i32
        %add3A_381 = arith.constant 4 : i32
        %add3A_382 = arith.addi %mul3A_380, %add3A_381 : i32
        %get3A_383 = arith.index_cast %add3A_382 : i32 to index
        %get3A_384 = arith.constant 32 : index
        %get3A_385 = tpu.vector_load %arg7[%get3A_383, %get3A_384] {strides = array<i32>} : memref<256x128xf32, #tpu.memory_space<vmem>>, vector<1x16xf32>,
        %get3A_386 = vector.shape_cast %get3A_385 : vector<1x16xf32> to vector<16xf32>
        %max3A_387 = arith.maximumf %max3A_378, %get3A_386 : vector<16xf32>
        %mul3A_388 = arith.constant 16 : i32
        %mul3A_389 = arith.muli %scan3A_56, %mul3A_388 : i32
        %add3A_390 = arith.constant 5 : i32
        %add3A_391 = arith.addi %mul3A_389, %add3A_390 : i32
        %get3A_392 = arith.index_cast %add3A_391 : i32 to index
        %get3A_393 = arith.constant 32 : index
        %get3A_394 = tpu.vector_load %arg7[%get3A_392, %get3A_393] {strides = array<i32>} : memref<256x128xf32, #tpu.memory_space<vmem>>, vector<1x16xf32>,
        %get3A_395 = vector.shape_cast %get3A_394 : vector<1x16xf32> to vector<16xf32>
        %max3A_396 = arith.maximumf %max3A_387, %get3A_395 : vector<16xf32>
        %mul3A_397 = arith.constant 16 : i32
        %mul3A_398 = arith.muli %scan3A_56, %mul3A_397 : i32
        %add3A_399 = arith.constant 6 : i32
        %add3A_400 = arith.addi %mul3A_398, %add3A_399 : i32
        %get3A_401 = arith.index_cast %add3A_400 : i32 to index
        %get3A_402 = arith.constant 32 : index
        %get3A_403 = tpu.vector_load %arg7[%get3A_401, %get3A_402] {strides = array<i32>} : memref<256x128xf32, #tpu.memory_space<vmem>>, vector<1x16xf32>,
        %get3A_404 = vector.shape_cast %get3A_403 : vector<1x16xf32> to vector<16xf32>
        %max3A_405 = arith.maximumf %max3A_396, %get3A_404 : vector<16xf32>
        %mul3A_406 = arith.constant 16 : i32
        %mul3A_407 = arith.muli %scan3A_56, %mul3A_406 : i32
        %add3A_408 = arith.constant 7 : i32
        %add3A_409 = arith.addi %mul3A_407, %add3A_408 : i32
        %get3A_410 = arith.index_cast %add3A_409 : i32 to index
        %get3A_411 = arith.constant 32 : index
        %get3A_412 = tpu.vector_load %arg7[%get3A_410, %get3A_411] {strides = array<i32>} : memref<256x128xf32, #tpu.memory_space<vmem>>, vector<1x16xf32>,
        %get3A_413 = vector.shape_cast %get3A_412 : vector<1x16xf32> to vector<16xf32>
        %max3A_414 = arith.maximumf %max3A_405, %get3A_413 : vector<16xf32>
        %mul3A_415 = arith.constant 16 : i32
        %mul3A_416 = arith.muli %scan3A_56, %mul3A_415 : i32
        %add3A_417 = arith.constant 8 : i32
        %add3A_418 = arith.addi %mul3A_416, %add3A_417 : i32
        %get3A_419 = arith.index_cast %add3A_418 : i32 to index
        %get3A_420 = arith.constant 32 : index
        %get3A_421 = tpu.vector_load %arg7[%get3A_419, %get3A_420] {strides = array<i32>} : memref<256x128xf32, #tpu.memory_space<vmem>>, vector<1x16xf32>,
        %get3A_422 = vector.shape_cast %get3A_421 : vector<1x16xf32> to vector<16xf32>
        %max3A_423 = arith.maximumf %max3A_414, %get3A_422 : vector<16xf32>
        %mul3A_424 = arith.constant 16 : i32
        %mul3A_425 = arith.muli %scan3A_56, %mul3A_424 : i32
        %add3A_426 = arith.constant 9 : i32
        %add3A_427 = arith.addi %mul3A_425, %add3A_426 : i32
        %get3A_428 = arith.index_cast %add3A_427 : i32 to index
        %get3A_429 = arith.constant 32 : index
        %get3A_430 = tpu.vector_load %arg7[%get3A_428, %get3A_429] {strides = array<i32>} : memref<256x128xf32, #tpu.memory_space<vmem>>, vector<1x16xf32>,
        %get3A_431 = vector.shape_cast %get3A_430 : vector<1x16xf32> to vector<16xf32>
        %max3A_432 = arith.maximumf %max3A_423, %get3A_431 : vector<16xf32>
        %mul3A_433 = arith.constant 16 : i32
        %mul3A_434 = arith.muli %scan3A_56, %mul3A_433 : i32
        %add3A_435 = arith.constant 10 : i32
        %add3A_436 = arith.addi %mul3A_434, %add3A_435 : i32
        %get3A_437 = arith.index_cast %add3A_436 : i32 to index
        %get3A_438 = arith.constant 32 : index
        %get3A_439 = tpu.vector_load %arg7[%get3A_437, %get3A_438] {strides = array<i32>} : memref<256x128xf32, #tpu.memory_space<vmem>>, vector<1x16xf32>,
        %get3A_440 = vector.shape_cast %get3A_439 : vector<1x16xf32> to vector<16xf32>
        %max3A_441 = arith.maximumf %max3A_432, %get3A_440 : vector<16xf32>
        %mul3A_442 = arith.constant 16 : i32
        %mul3A_443 = arith.muli %scan3A_56, %mul3A_442 : i32
        %add3A_444 = arith.constant 11 : i32
        %add3A_445 = arith.addi %mul3A_443, %add3A_444 : i32
        %get3A_446 = arith.index_cast %add3A_445 : i32 to index
        %get3A_447 = arith.constant 32 : index
        %get3A_448 = tpu.vector_load %arg7[%get3A_446, %get3A_447] {strides = array<i32>} : memref<256x128xf32, #tpu.memory_space<vmem>>, vector<1x16xf32>,
        %get3A_449 = vector.shape_cast %get3A_448 : vector<1x16xf32> to vector<16xf32>
        %max3A_450 = arith.maximumf %max3A_441, %get3A_449 : vector<16xf32>
        %mul3A_451 = arith.constant 16 : i32
        %mul3A_452 = arith.muli %scan3A_56, %mul3A_451 : i32
        %add3A_453 = arith.constant 12 : i32
        %add3A_454 = arith.addi %mul3A_452, %add3A_453 : i32
        %get3A_455 = arith.index_cast %add3A_454 : i32 to index
        %get3A_456 = arith.constant 32 : index
        %get3A_457 = tpu.vector_load %arg7[%get3A_455, %get3A_456] {strides = array<i32>} : memref<256x128xf32, #tpu.memory_space<vmem>>, vector<1x16xf32>,
        %get3A_458 = vector.shape_cast %get3A_457 : vector<1x16xf32> to vector<16xf32>
        %max3A_459 = arith.maximumf %max3A_450, %get3A_458 : vector<16xf32>
        %mul3A_460 = arith.constant 16 : i32
        %mul3A_461 = arith.muli %scan3A_56, %mul3A_460 : i32
        %add3A_462 = arith.constant 13 : i32
        %add3A_463 = arith.addi %mul3A_461, %add3A_462 : i32
        %get3A_464 = arith.index_cast %add3A_463 : i32 to index
        %get3A_465 = arith.constant 32 : index
        %get3A_466 = tpu.vector_load %arg7[%get3A_464, %get3A_465] {strides = array<i32>} : memref<256x128xf32, #tpu.memory_space<vmem>>, vector<1x16xf32>,
        %get3A_467 = vector.shape_cast %get3A_466 : vector<1x16xf32> to vector<16xf32>
        %max3A_468 = arith.maximumf %max3A_459, %get3A_467 : vector<16xf32>
        %mul3A_469 = arith.constant 16 : i32
        %mul3A_470 = arith.muli %scan3A_56, %mul3A_469 : i32
        %add3A_471 = arith.constant 14 : i32
        %add3A_472 = arith.addi %mul3A_470, %add3A_471 : i32
        %get3A_473 = arith.index_cast %add3A_472 : i32 to index
        %get3A_474 = arith.constant 32 : index
        %get3A_475 = tpu.vector_load %arg7[%get3A_473, %get3A_474] {strides = array<i32>} : memref<256x128xf32, #tpu.memory_space<vmem>>, vector<1x16xf32>,
        %get3A_476 = vector.shape_cast %get3A_475 : vector<1x16xf32> to vector<16xf32>
        %max3A_477 = arith.maximumf %max3A_468, %get3A_476 : vector<16xf32>
        %mul3A_478 = arith.constant 16 : i32
        %mul3A_479 = arith.muli %scan3A_56, %mul3A_478 : i32
        %add3A_480 = arith.constant 15 : i32
        %add3A_481 = arith.addi %mul3A_479, %add3A_480 : i32
        %get3A_482 = arith.index_cast %add3A_481 : i32 to index
        %get3A_483 = arith.constant 32 : index
        %get3A_484 = tpu.vector_load %arg7[%get3A_482, %get3A_483] {strides = array<i32>} : memref<256x128xf32, #tpu.memory_space<vmem>>, vector<1x16xf32>,
        %get3A_485 = vector.shape_cast %get3A_484 : vector<1x16xf32> to vector<16xf32>
        %max3A_486 = arith.maximumf %max3A_477, %get3A_485 : vector<16xf32>
        %swap3A_487 = arith.index_cast %scan3A_56 : i32 to index
        %swap3A_488 = arith.constant 32 : index
        %swap3A_489 = tpu.vector_load %arg9[%swap3A_487, %swap3A_488] {strides = array<i32>} : memref<16x128xf32, #tpu.memory_space<vmem>>, vector<1x16xf32>,
        %swap3A_490 = vector.shape_cast %swap3A_489 : vector<1x16xf32> to vector<16xf32>
        %swap3A_491 = vector.shape_cast %max3A_486 : vector<16xf32> to vector<1x16xf32>
        tpu.vector_store %arg9[%swap3A_487, %swap3A_488], %swap3A_491 {strides = array<i32>} : memref<16x128xf32, #tpu.memory_space<vmem>>, vector<1x16xf32>,
        %mul3A_492 = arith.constant 16 : i32
        %mul3A_493 = arith.muli %scan3A_56, %mul3A_492 : i32
        %get3A_494 = arith.index_cast %mul3A_493 : i32 to index
        %get3A_495 = arith.constant 48 : index
        %get3A_496 = tpu.vector_load %arg7[%get3A_494, %get3A_495] {strides = array<i32>} : memref<256x128xf32, #tpu.memory_space<vmem>>, vector<1x16xf32>,
        %get3A_497 = vector.shape_cast %get3A_496 : vector<1x16xf32> to vector<16xf32>
        %mul3A_498 = arith.constant 16 : i32
        %mul3A_499 = arith.muli %scan3A_56, %mul3A_498 : i32
        %add3A_500 = arith.constant 1 : i32
        %add3A_501 = arith.addi %mul3A_499, %add3A_500 : i32
        %get3A_502 = arith.index_cast %add3A_501 : i32 to index
        %get3A_503 = arith.constant 48 : index
        %get3A_504 = tpu.vector_load %arg7[%get3A_502, %get3A_503] {strides = array<i32>} : memref<256x128xf32, #tpu.memory_space<vmem>>, vector<1x16xf32>,
        %get3A_505 = vector.shape_cast %get3A_504 : vector<1x16xf32> to vector<16xf32>
        %max3A_506 = arith.maximumf %get3A_497, %get3A_505 : vector<16xf32>
        %mul3A_507 = arith.constant 16 : i32
        %mul3A_508 = arith.muli %scan3A_56, %mul3A_507 : i32
        %add3A_509 = arith.constant 2 : i32
        %add3A_510 = arith.addi %mul3A_508, %add3A_509 : i32
        %get3A_511 = arith.index_cast %add3A_510 : i32 to index
        %get3A_512 = arith.constant 48 : index
        %get3A_513 = tpu.vector_load %arg7[%get3A_511, %get3A_512] {strides = array<i32>} : memref<256x128xf32, #tpu.memory_space<vmem>>, vector<1x16xf32>,
        %get3A_514 = vector.shape_cast %get3A_513 : vector<1x16xf32> to vector<16xf32>
        %max3A_515 = arith.maximumf %max3A_506, %get3A_514 : vector<16xf32>
        %mul3A_516 = arith.constant 16 : i32
        %mul3A_517 = arith.muli %scan3A_56, %mul3A_516 : i32
        %add3A_518 = arith.constant 3 : i32
        %add3A_519 = arith.addi %mul3A_517, %add3A_518 : i32
        %get3A_520 = arith.index_cast %add3A_519 : i32 to index
        %get3A_521 = arith.constant 48 : index
        %get3A_522 = tpu.vector_load %arg7[%get3A_520, %get3A_521] {strides = array<i32>} : memref<256x128xf32, #tpu.memory_space<vmem>>, vector<1x16xf32>,
        %get3A_523 = vector.shape_cast %get3A_522 : vector<1x16xf32> to vector<16xf32>
        %max3A_524 = arith.maximumf %max3A_515, %get3A_523 : vector<16xf32>
        %mul3A_525 = arith.constant 16 : i32
        %mul3A_526 = arith.muli %scan3A_56, %mul3A_525 : i32
        %add3A_527 = arith.constant 4 : i32
        %add3A_528 = arith.addi %mul3A_526, %add3A_527 : i32
        %get3A_529 = arith.index_cast %add3A_528 : i32 to index
        %get3A_530 = arith.constant 48 : index
        %get3A_531 = tpu.vector_load %arg7[%get3A_529, %get3A_530] {strides = array<i32>} : memref<256x128xf32, #tpu.memory_space<vmem>>, vector<1x16xf32>,
        %get3A_532 = vector.shape_cast %get3A_531 : vector<1x16xf32> to vector<16xf32>
        %max3A_533 = arith.maximumf %max3A_524, %get3A_532 : vector<16xf32>
        %mul3A_534 = arith.constant 16 : i32
        %mul3A_535 = arith.muli %scan3A_56, %mul3A_534 : i32
        %add3A_536 = arith.constant 5 : i32
        %add3A_537 = arith.addi %mul3A_535, %add3A_536 : i32
        %get3A_538 = arith.index_cast %add3A_537 : i32 to index
        %get3A_539 = arith.constant 48 : index
        %get3A_540 = tpu.vector_load %arg7[%get3A_538, %get3A_539] {strides = array<i32>} : memref<256x128xf32, #tpu.memory_space<vmem>>, vector<1x16xf32>,
        %get3A_541 = vector.shape_cast %get3A_540 : vector<1x16xf32> to vector<16xf32>
        %max3A_542 = arith.maximumf %max3A_533, %get3A_541 : vector<16xf32>
        %mul3A_543 = arith.constant 16 : i32
        %mul3A_544 = arith.muli %scan3A_56, %mul3A_543 : i32
        %add3A_545 = arith.constant 6 : i32
        %add3A_546 = arith.addi %mul3A_544, %add3A_545 : i32
        %get3A_547 = arith.index_cast %add3A_546 : i32 to index
        %get3A_548 = arith.constant 48 : index
        %get3A_549 = tpu.vector_load %arg7[%get3A_547, %get3A_548] {strides = array<i32>} : memref<256x128xf32, #tpu.memory_space<vmem>>, vector<1x16xf32>,
        %get3A_550 = vector.shape_cast %get3A_549 : vector<1x16xf32> to vector<16xf32>
        %max3A_551 = arith.maximumf %max3A_542, %get3A_550 : vector<16xf32>
        %mul3A_552 = arith.constant 16 : i32
        %mul3A_553 = arith.muli %scan3A_56, %mul3A_552 : i32
        %add3A_554 = arith.constant 7 : i32
        %add3A_555 = arith.addi %mul3A_553, %add3A_554 : i32
        %get3A_556 = arith.index_cast %add3A_555 : i32 to index
        %get3A_557 = arith.constant 48 : index
        %get3A_558 = tpu.vector_load %arg7[%get3A_556, %get3A_557] {strides = array<i32>} : memref<256x128xf32, #tpu.memory_space<vmem>>, vector<1x16xf32>,
        %get3A_559 = vector.shape_cast %get3A_558 : vector<1x16xf32> to vector<16xf32>
        %max3A_560 = arith.maximumf %max3A_551, %get3A_559 : vector<16xf32>
        %mul3A_561 = arith.constant 16 : i32
        %mul3A_562 = arith.muli %scan3A_56, %mul3A_561 : i32
        %add3A_563 = arith.constant 8 : i32
        %add3A_564 = arith.addi %mul3A_562, %add3A_563 : i32
        %get3A_565 = arith.index_cast %add3A_564 : i32 to index
        %get3A_566 = arith.constant 48 : index
        %get3A_567 = tpu.vector_load %arg7[%get3A_565, %get3A_566] {strides = array<i32>} : memref<256x128xf32, #tpu.memory_space<vmem>>, vector<1x16xf32>,
        %get3A_568 = vector.shape_cast %get3A_567 : vector<1x16xf32> to vector<16xf32>
        %max3A_569 = arith.maximumf %max3A_560, %get3A_568 : vector<16xf32>
        %mul3A_570 = arith.constant 16 : i32
        %mul3A_571 = arith.muli %scan3A_56, %mul3A_570 : i32
        %add3A_572 = arith.constant 9 : i32
        %add3A_573 = arith.addi %mul3A_571, %add3A_572 : i32
        %get3A_574 = arith.index_cast %add3A_573 : i32 to index
        %get3A_575 = arith.constant 48 : index
        %get3A_576 = tpu.vector_load %arg7[%get3A_574, %get3A_575] {strides = array<i32>} : memref<256x128xf32, #tpu.memory_space<vmem>>, vector<1x16xf32>,
        %get3A_577 = vector.shape_cast %get3A_576 : vector<1x16xf32> to vector<16xf32>
        %max3A_578 = arith.maximumf %max3A_569, %get3A_577 : vector<16xf32>
        %mul3A_579 = arith.constant 16 : i32
        %mul3A_580 = arith.muli %scan3A_56, %mul3A_579 : i32
        %add3A_581 = arith.constant 10 : i32
        %add3A_582 = arith.addi %mul3A_580, %add3A_581 : i32
        %get3A_583 = arith.index_cast %add3A_582 : i32 to index
        %get3A_584 = arith.constant 48 : index
        %get3A_585 = tpu.vector_load %arg7[%get3A_583, %get3A_584] {strides = array<i32>} : memref<256x128xf32, #tpu.memory_space<vmem>>, vector<1x16xf32>,
        %get3A_586 = vector.shape_cast %get3A_585 : vector<1x16xf32> to vector<16xf32>
        %max3A_587 = arith.maximumf %max3A_578, %get3A_586 : vector<16xf32>
        %mul3A_588 = arith.constant 16 : i32
        %mul3A_589 = arith.muli %scan3A_56, %mul3A_588 : i32
        %add3A_590 = arith.constant 11 : i32
        %add3A_591 = arith.addi %mul3A_589, %add3A_590 : i32
        %get3A_592 = arith.index_cast %add3A_591 : i32 to index
        %get3A_593 = arith.constant 48 : index
        %get3A_594 = tpu.vector_load %arg7[%get3A_592, %get3A_593] {strides = array<i32>} : memref<256x128xf32, #tpu.memory_space<vmem>>, vector<1x16xf32>,
        %get3A_595 = vector.shape_cast %get3A_594 : vector<1x16xf32> to vector<16xf32>
        %max3A_596 = arith.maximumf %max3A_587, %get3A_595 : vector<16xf32>
        %mul3A_597 = arith.constant 16 : i32
        %mul3A_598 = arith.muli %scan3A_56, %mul3A_597 : i32
        %add3A_599 = arith.constant 12 : i32
        %add3A_600 = arith.addi %mul3A_598, %add3A_599 : i32
        %get3A_601 = arith.index_cast %add3A_600 : i32 to index
        %get3A_602 = arith.constant 48 : index
        %get3A_603 = tpu.vector_load %arg7[%get3A_601, %get3A_602] {strides = array<i32>} : memref<256x128xf32, #tpu.memory_space<vmem>>, vector<1x16xf32>,
        %get3A_604 = vector.shape_cast %get3A_603 : vector<1x16xf32> to vector<16xf32>
        %max3A_605 = arith.maximumf %max3A_596, %get3A_604 : vector<16xf32>
        %mul3A_606 = arith.constant 16 : i32
        %mul3A_607 = arith.muli %scan3A_56, %mul3A_606 : i32
        %add3A_608 = arith.constant 13 : i32
        %add3A_609 = arith.addi %mul3A_607, %add3A_608 : i32
        %get3A_610 = arith.index_cast %add3A_609 : i32 to index
        %get3A_611 = arith.constant 48 : index
        %get3A_612 = tpu.vector_load %arg7[%get3A_610, %get3A_611] {strides = array<i32>} : memref<256x128xf32, #tpu.memory_space<vmem>>, vector<1x16xf32>,
        %get3A_613 = vector.shape_cast %get3A_612 : vector<1x16xf32> to vector<16xf32>
        %max3A_614 = arith.maximumf %max3A_605, %get3A_613 : vector<16xf32>
        %mul3A_615 = arith.constant 16 : i32
        %mul3A_616 = arith.muli %scan3A_56, %mul3A_615 : i32
        %add3A_617 = arith.constant 14 : i32
        %add3A_618 = arith.addi %mul3A_616, %add3A_617 : i32
        %get3A_619 = arith.index_cast %add3A_618 : i32 to index
        %get3A_620 = arith.constant 48 : index
        %get3A_621 = tpu.vector_load %arg7[%get3A_619, %get3A_620] {strides = array<i32>} : memref<256x128xf32, #tpu.memory_space<vmem>>, vector<1x16xf32>,
        %get3A_622 = vector.shape_cast %get3A_621 : vector<1x16xf32> to vector<16xf32>
        %max3A_623 = arith.maximumf %max3A_614, %get3A_622 : vector<16xf32>
        %mul3A_624 = arith.constant 16 : i32
        %mul3A_625 = arith.muli %scan3A_56, %mul3A_624 : i32
        %add3A_626 = arith.constant 15 : i32
        %add3A_627 = arith.addi %mul3A_625, %add3A_626 : i32
        %get3A_628 = arith.index_cast %add3A_627 : i32 to index
        %get3A_629 = arith.constant 48 : index
        %get3A_630 = tpu.vector_load %arg7[%get3A_628, %get3A_629] {strides = array<i32>} : memref<256x128xf32, #tpu.memory_space<vmem>>, vector<1x16xf32>,
        %get3A_631 = vector.shape_cast %get3A_630 : vector<1x16xf32> to vector<16xf32>
        %max3A_632 = arith.maximumf %max3A_623, %get3A_631 : vector<16xf32>
        %swap3A_633 = arith.index_cast %scan3A_56 : i32 to index
        %swap3A_634 = arith.constant 48 : index
        %swap3A_635 = tpu.vector_load %arg9[%swap3A_633, %swap3A_634] {strides = array<i32>} : memref<16x128xf32, #tpu.memory_space<vmem>>, vector<1x16xf32>,
        %swap3A_636 = vector.shape_cast %swap3A_635 : vector<1x16xf32> to vector<16xf32>
        %swap3A_637 = vector.shape_cast %max3A_632 : vector<16xf32> to vector<1x16xf32>
        tpu.vector_store %arg9[%swap3A_633, %swap3A_634], %swap3A_637 {strides = array<i32>} : memref<16x128xf32, #tpu.memory_space<vmem>>, vector<1x16xf32>,
        %mul3A_638 = arith.constant 16 : i32
        %mul3A_639 = arith.muli %scan3A_56, %mul3A_638 : i32
        %get3A_640 = arith.index_cast %mul3A_639 : i32 to index
        %get3A_641 = arith.constant 64 : index
        %get3A_642 = tpu.vector_load %arg7[%get3A_640, %get3A_641] {strides = array<i32>} : memref<256x128xf32, #tpu.memory_space<vmem>>, vector<1x16xf32>,
        %get3A_643 = vector.shape_cast %get3A_642 : vector<1x16xf32> to vector<16xf32>
        %mul3A_644 = arith.constant 16 : i32
        %mul3A_645 = arith.muli %scan3A_56, %mul3A_644 : i32
        %add3A_646 = arith.constant 1 : i32
        %add3A_647 = arith.addi %mul3A_645, %add3A_646 : i32
        %get3A_648 = arith.index_cast %add3A_647 : i32 to index
        %get3A_649 = arith.constant 64 : index
        %get3A_650 = tpu.vector_load %arg7[%get3A_648, %get3A_649] {strides = array<i32>} : memref<256x128xf32, #tpu.memory_space<vmem>>, vector<1x16xf32>,
        %get3A_651 = vector.shape_cast %get3A_650 : vector<1x16xf32> to vector<16xf32>
        %max3A_652 = arith.maximumf %get3A_643, %get3A_651 : vector<16xf32>
        %mul3A_653 = arith.constant 16 : i32
        %mul3A_654 = arith.muli %scan3A_56, %mul3A_653 : i32
        %add3A_655 = arith.constant 2 : i32
        %add3A_656 = arith.addi %mul3A_654, %add3A_655 : i32
        %get3A_657 = arith.index_cast %add3A_656 : i32 to index
        %get3A_658 = arith.constant 64 : index
        %get3A_659 = tpu.vector_load %arg7[%get3A_657, %get3A_658] {strides = array<i32>} : memref<256x128xf32, #tpu.memory_space<vmem>>, vector<1x16xf32>,
        %get3A_660 = vector.shape_cast %get3A_659 : vector<1x16xf32> to vector<16xf32>
        %max3A_661 = arith.maximumf %max3A_652, %get3A_660 : vector<16xf32>
        %mul3A_662 = arith.constant 16 : i32
        %mul3A_663 = arith.muli %scan3A_56, %mul3A_662 : i32
        %add3A_664 = arith.constant 3 : i32
        %add3A_665 = arith.addi %mul3A_663, %add3A_664 : i32
        %get3A_666 = arith.index_cast %add3A_665 : i32 to index
        %get3A_667 = arith.constant 64 : index
        %get3A_668 = tpu.vector_load %arg7[%get3A_666, %get3A_667] {strides = array<i32>} : memref<256x128xf32, #tpu.memory_space<vmem>>, vector<1x16xf32>,
        %get3A_669 = vector.shape_cast %get3A_668 : vector<1x16xf32> to vector<16xf32>
        %max3A_670 = arith.maximumf %max3A_661, %get3A_669 : vector<16xf32>
        %mul3A_671 = arith.constant 16 : i32
        %mul3A_672 = arith.muli %scan3A_56, %mul3A_671 : i32
        %add3A_673 = arith.constant 4 : i32
        %add3A_674 = arith.addi %mul3A_672, %add3A_673 : i32
        %get3A_675 = arith.index_cast %add3A_674 : i32 to index
        %get3A_676 = arith.constant 64 : index
        %get3A_677 = tpu.vector_load %arg7[%get3A_675, %get3A_676] {strides = array<i32>} : memref<256x128xf32, #tpu.memory_space<vmem>>, vector<1x16xf32>,
        %get3A_678 = vector.shape_cast %get3A_677 : vector<1x16xf32> to vector<16xf32>
        %max3A_679 = arith.maximumf %max3A_670, %get3A_678 : vector<16xf32>
        %mul3A_680 = arith.constant 16 : i32
        %mul3A_681 = arith.muli %scan3A_56, %mul3A_680 : i32
        %add3A_682 = arith.constant 5 : i32
        %add3A_683 = arith.addi %mul3A_681, %add3A_682 : i32
        %get3A_684 = arith.index_cast %add3A_683 : i32 to index
        %get3A_685 = arith.constant 64 : index
        %get3A_686 = tpu.vector_load %arg7[%get3A_684, %get3A_685] {strides = array<i32>} : memref<256x128xf32, #tpu.memory_space<vmem>>, vector<1x16xf32>,
        %get3A_687 = vector.shape_cast %get3A_686 : vector<1x16xf32> to vector<16xf32>
        %max3A_688 = arith.maximumf %max3A_679, %get3A_687 : vector<16xf32>
        %mul3A_689 = arith.constant 16 : i32
        %mul3A_690 = arith.muli %scan3A_56, %mul3A_689 : i32
        %add3A_691 = arith.constant 6 : i32
        %add3A_692 = arith.addi %mul3A_690, %add3A_691 : i32
        %get3A_693 = arith.index_cast %add3A_692 : i32 to index
        %get3A_694 = arith.constant 64 : index
        %get3A_695 = tpu.vector_load %arg7[%get3A_693, %get3A_694] {strides = array<i32>} : memref<256x128xf32, #tpu.memory_space<vmem>>, vector<1x16xf32>,
        %get3A_696 = vector.shape_cast %get3A_695 : vector<1x16xf32> to vector<16xf32>
        %max3A_697 = arith.maximumf %max3A_688, %get3A_696 : vector<16xf32>
        %mul3A_698 = arith.constant 16 : i32
        %mul3A_699 = arith.muli %scan3A_56, %mul3A_698 : i32
        %add3A_700 = arith.constant 7 : i32
        %add3A_701 = arith.addi %mul3A_699, %add3A_700 : i32
        %get3A_702 = arith.index_cast %add3A_701 : i32 to index
        %get3A_703 = arith.constant 64 : index
        %get3A_704 = tpu.vector_load %arg7[%get3A_702, %get3A_703] {strides = array<i32>} : memref<256x128xf32, #tpu.memory_space<vmem>>, vector<1x16xf32>,
        %get3A_705 = vector.shape_cast %get3A_704 : vector<1x16xf32> to vector<16xf32>
        %max3A_706 = arith.maximumf %max3A_697, %get3A_705 : vector<16xf32>
        %mul3A_707 = arith.constant 16 : i32
        %mul3A_708 = arith.muli %scan3A_56, %mul3A_707 : i32
        %add3A_709 = arith.constant 8 : i32
        %add3A_710 = arith.addi %mul3A_708, %add3A_709 : i32
        %get3A_711 = arith.index_cast %add3A_710 : i32 to index
        %get3A_712 = arith.constant 64 : index
        %get3A_713 = tpu.vector_load %arg7[%get3A_711, %get3A_712] {strides = array<i32>} : memref<256x128xf32, #tpu.memory_space<vmem>>, vector<1x16xf32>,
        %get3A_714 = vector.shape_cast %get3A_713 : vector<1x16xf32> to vector<16xf32>
        %max3A_715 = arith.maximumf %max3A_706, %get3A_714 : vector<16xf32>
        %mul3A_716 = arith.constant 16 : i32
        %mul3A_717 = arith.muli %scan3A_56, %mul3A_716 : i32
        %add3A_718 = arith.constant 9 : i32
        %add3A_719 = arith.addi %mul3A_717, %add3A_718 : i32
        %get3A_720 = arith.index_cast %add3A_719 : i32 to index
        %get3A_721 = arith.constant 64 : index
        %get3A_722 = tpu.vector_load %arg7[%get3A_720, %get3A_721] {strides = array<i32>} : memref<256x128xf32, #tpu.memory_space<vmem>>, vector<1x16xf32>,
        %get3A_723 = vector.shape_cast %get3A_722 : vector<1x16xf32> to vector<16xf32>
        %max3A_724 = arith.maximumf %max3A_715, %get3A_723 : vector<16xf32>
        %mul3A_725 = arith.constant 16 : i32
        %mul3A_726 = arith.muli %scan3A_56, %mul3A_725 : i32
        %add3A_727 = arith.constant 10 : i32
        %add3A_728 = arith.addi %mul3A_726, %add3A_727 : i32
        %get3A_729 = arith.index_cast %add3A_728 : i32 to index
        %get3A_730 = arith.constant 64 : index
        %get3A_731 = tpu.vector_load %arg7[%get3A_729, %get3A_730] {strides = array<i32>} : memref<256x128xf32, #tpu.memory_space<vmem>>, vector<1x16xf32>,
        %get3A_732 = vector.shape_cast %get3A_731 : vector<1x16xf32> to vector<16xf32>
        %max3A_733 = arith.maximumf %max3A_724, %get3A_732 : vector<16xf32>
        %mul3A_734 = arith.constant 16 : i32
        %mul3A_735 = arith.muli %scan3A_56, %mul3A_734 : i32
        %add3A_736 = arith.constant 11 : i32
        %add3A_737 = arith.addi %mul3A_735, %add3A_736 : i32
        %get3A_738 = arith.index_cast %add3A_737 : i32 to index
        %get3A_739 = arith.constant 64 : index
        %get3A_740 = tpu.vector_load %arg7[%get3A_738, %get3A_739] {strides = array<i32>} : memref<256x128xf32, #tpu.memory_space<vmem>>, vector<1x16xf32>,
        %get3A_741 = vector.shape_cast %get3A_740 : vector<1x16xf32> to vector<16xf32>
        %max3A_742 = arith.maximumf %max3A_733, %get3A_741 : vector<16xf32>
        %mul3A_743 = arith.constant 16 : i32
        %mul3A_744 = arith.muli %scan3A_56, %mul3A_743 : i32
        %add3A_745 = arith.constant 12 : i32
        %add3A_746 = arith.addi %mul3A_744, %add3A_745 : i32
        %get3A_747 = arith.index_cast %add3A_746 : i32 to index
        %get3A_748 = arith.constant 64 : index
        %get3A_749 = tpu.vector_load %arg7[%get3A_747, %get3A_748] {strides = array<i32>} : memref<256x128xf32, #tpu.memory_space<vmem>>, vector<1x16xf32>,
        %get3A_750 = vector.shape_cast %get3A_749 : vector<1x16xf32> to vector<16xf32>
        %max3A_751 = arith.maximumf %max3A_742, %get3A_750 : vector<16xf32>
        %mul3A_752 = arith.constant 16 : i32
        %mul3A_753 = arith.muli %scan3A_56, %mul3A_752 : i32
        %add3A_754 = arith.constant 13 : i32
        %add3A_755 = arith.addi %mul3A_753, %add3A_754 : i32
        %get3A_756 = arith.index_cast %add3A_755 : i32 to index
        %get3A_757 = arith.constant 64 : index
        %get3A_758 = tpu.vector_load %arg7[%get3A_756, %get3A_757] {strides = array<i32>} : memref<256x128xf32, #tpu.memory_space<vmem>>, vector<1x16xf32>,
        %get3A_759 = vector.shape_cast %get3A_758 : vector<1x16xf32> to vector<16xf32>
        %max3A_760 = arith.maximumf %max3A_751, %get3A_759 : vector<16xf32>
        %mul3A_761 = arith.constant 16 : i32
        %mul3A_762 = arith.muli %scan3A_56, %mul3A_761 : i32
        %add3A_763 = arith.constant 14 : i32
        %add3A_764 = arith.addi %mul3A_762, %add3A_763 : i32
        %get3A_765 = arith.index_cast %add3A_764 : i32 to index
        %get3A_766 = arith.constant 64 : index
        %get3A_767 = tpu.vector_load %arg7[%get3A_765, %get3A_766] {strides = array<i32>} : memref<256x128xf32, #tpu.memory_space<vmem>>, vector<1x16xf32>,
        %get3A_768 = vector.shape_cast %get3A_767 : vector<1x16xf32> to vector<16xf32>
        %max3A_769 = arith.maximumf %max3A_760, %get3A_768 : vector<16xf32>
        %mul3A_770 = arith.constant 16 : i32
        %mul3A_771 = arith.muli %scan3A_56, %mul3A_770 : i32
        %add3A_772 = arith.constant 15 : i32
        %add3A_773 = arith.addi %mul3A_771, %add3A_772 : i32
        %get3A_774 = arith.index_cast %add3A_773 : i32 to index
        %get3A_775 = arith.constant 64 : index
        %get3A_776 = tpu.vector_load %arg7[%get3A_774, %get3A_775] {strides = array<i32>} : memref<256x128xf32, #tpu.memory_space<vmem>>, vector<1x16xf32>,
        %get3A_777 = vector.shape_cast %get3A_776 : vector<1x16xf32> to vector<16xf32>
        %max3A_778 = arith.maximumf %max3A_769, %get3A_777 : vector<16xf32>
        %swap3A_779 = arith.index_cast %scan3A_56 : i32 to index
        %swap3A_780 = arith.constant 64 : index
        %swap3A_781 = tpu.vector_load %arg9[%swap3A_779, %swap3A_780] {strides = array<i32>} : memref<16x128xf32, #tpu.memory_space<vmem>>, vector<1x16xf32>,
        %swap3A_782 = vector.shape_cast %swap3A_781 : vector<1x16xf32> to vector<16xf32>
        %swap3A_783 = vector.shape_cast %max3A_778 : vector<16xf32> to vector<1x16xf32>
        tpu.vector_store %arg9[%swap3A_779, %swap3A_780], %swap3A_783 {strides = array<i32>} : memref<16x128xf32, #tpu.memory_space<vmem>>, vector<1x16xf32>,
        %mul3A_784 = arith.constant 16 : i32
        %mul3A_785 = arith.muli %scan3A_56, %mul3A_784 : i32
        %get3A_786 = arith.index_cast %mul3A_785 : i32 to index
        %get3A_787 = arith.constant 80 : index
        %get3A_788 = tpu.vector_load %arg7[%get3A_786, %get3A_787] {strides = array<i32>} : memref<256x128xf32, #tpu.memory_space<vmem>>, vector<1x16xf32>,
        %get3A_789 = vector.shape_cast %get3A_788 : vector<1x16xf32> to vector<16xf32>
        %mul3A_790 = arith.constant 16 : i32
        %mul3A_791 = arith.muli %scan3A_56, %mul3A_790 : i32
        %add3A_792 = arith.constant 1 : i32
        %add3A_793 = arith.addi %mul3A_791, %add3A_792 : i32
        %get3A_794 = arith.index_cast %add3A_793 : i32 to index
        %get3A_795 = arith.constant 80 : index
        %get3A_796 = tpu.vector_load %arg7[%get3A_794, %get3A_795] {strides = array<i32>} : memref<256x128xf32, #tpu.memory_space<vmem>>, vector<1x16xf32>,
        %get3A_797 = vector.shape_cast %get3A_796 : vector<1x16xf32> to vector<16xf32>
        %max3A_798 = arith.maximumf %get3A_789, %get3A_797 : vector<16xf32>
        %mul3A_799 = arith.constant 16 : i32
        %mul3A_800 = arith.muli %scan3A_56, %mul3A_799 : i32
        %add3A_801 = arith.constant 2 : i32
        %add3A_802 = arith.addi %mul3A_800, %add3A_801 : i32
        %get3A_803 = arith.index_cast %add3A_802 : i32 to index
        %get3A_804 = arith.constant 80 : index
        %get3A_805 = tpu.vector_load %arg7[%get3A_803, %get3A_804] {strides = array<i32>} : memref<256x128xf32, #tpu.memory_space<vmem>>, vector<1x16xf32>,
        %get3A_806 = vector.shape_cast %get3A_805 : vector<1x16xf32> to vector<16xf32>
        %max3A_807 = arith.maximumf %max3A_798, %get3A_806 : vector<16xf32>
        %mul3A_808 = arith.constant 16 : i32
        %mul3A_809 = arith.muli %scan3A_56, %mul3A_808 : i32
        %add3A_810 = arith.constant 3 : i32
        %add3A_811 = arith.addi %mul3A_809, %add3A_810 : i32
        %get3A_812 = arith.index_cast %add3A_811 : i32 to index
        %get3A_813 = arith.constant 80 : index
        %get3A_814 = tpu.vector_load %arg7[%get3A_812, %get3A_813] {strides = array<i32>} : memref<256x128xf32, #tpu.memory_space<vmem>>, vector<1x16xf32>,
        %get3A_815 = vector.shape_cast %get3A_814 : vector<1x16xf32> to vector<16xf32>
        %max3A_816 = arith.maximumf %max3A_807, %get3A_815 : vector<16xf32>
        %mul3A_817 = arith.constant 16 : i32
        %mul3A_818 = arith.muli %scan3A_56, %mul3A_817 : i32
        %add3A_819 = arith.constant 4 : i32
        %add3A_820 = arith.addi %mul3A_818, %add3A_819 : i32
        %get3A_821 = arith.index_cast %add3A_820 : i32 to index
        %get3A_822 = arith.constant 80 : index
        %get3A_823 = tpu.vector_load %arg7[%get3A_821, %get3A_822] {strides = array<i32>} : memref<256x128xf32, #tpu.memory_space<vmem>>, vector<1x16xf32>,
        %get3A_824 = vector.shape_cast %get3A_823 : vector<1x16xf32> to vector<16xf32>
        %max3A_825 = arith.maximumf %max3A_816, %get3A_824 : vector<16xf32>
        %mul3A_826 = arith.constant 16 : i32
        %mul3A_827 = arith.muli %scan3A_56, %mul3A_826 : i32
        %add3A_828 = arith.constant 5 : i32
        %add3A_829 = arith.addi %mul3A_827, %add3A_828 : i32
        %get3A_830 = arith.index_cast %add3A_829 : i32 to index
        %get3A_831 = arith.constant 80 : index
        %get3A_832 = tpu.vector_load %arg7[%get3A_830, %get3A_831] {strides = array<i32>} : memref<256x128xf32, #tpu.memory_space<vmem>>, vector<1x16xf32>,
        %get3A_833 = vector.shape_cast %get3A_832 : vector<1x16xf32> to vector<16xf32>
        %max3A_834 = arith.maximumf %max3A_825, %get3A_833 : vector<16xf32>
        %mul3A_835 = arith.constant 16 : i32
        %mul3A_836 = arith.muli %scan3A_56, %mul3A_835 : i32
        %add3A_837 = arith.constant 6 : i32
        %add3A_838 = arith.addi %mul3A_836, %add3A_837 : i32
        %get3A_839 = arith.index_cast %add3A_838 : i32 to index
        %get3A_840 = arith.constant 80 : index
        %get3A_841 = tpu.vector_load %arg7[%get3A_839, %get3A_840] {strides = array<i32>} : memref<256x128xf32, #tpu.memory_space<vmem>>, vector<1x16xf32>,
        %get3A_842 = vector.shape_cast %get3A_841 : vector<1x16xf32> to vector<16xf32>
        %max3A_843 = arith.maximumf %max3A_834, %get3A_842 : vector<16xf32>
        %mul3A_844 = arith.constant 16 : i32
        %mul3A_845 = arith.muli %scan3A_56, %mul3A_844 : i32
        %add3A_846 = arith.constant 7 : i32
        %add3A_847 = arith.addi %mul3A_845, %add3A_846 : i32
        %get3A_848 = arith.index_cast %add3A_847 : i32 to index
        %get3A_849 = arith.constant 80 : index
        %get3A_850 = tpu.vector_load %arg7[%get3A_848, %get3A_849] {strides = array<i32>} : memref<256x128xf32, #tpu.memory_space<vmem>>, vector<1x16xf32>,
        %get3A_851 = vector.shape_cast %get3A_850 : vector<1x16xf32> to vector<16xf32>
        %max3A_852 = arith.maximumf %max3A_843, %get3A_851 : vector<16xf32>
        %mul3A_853 = arith.constant 16 : i32
        %mul3A_854 = arith.muli %scan3A_56, %mul3A_853 : i32
        %add3A_855 = arith.constant 8 : i32
        %add3A_856 = arith.addi %mul3A_854, %add3A_855 : i32
        %get3A_857 = arith.index_cast %add3A_856 : i32 to index
        %get3A_858 = arith.constant 80 : index
        %get3A_859 = tpu.vector_load %arg7[%get3A_857, %get3A_858] {strides = array<i32>} : memref<256x128xf32, #tpu.memory_space<vmem>>, vector<1x16xf32>,
        %get3A_860 = vector.shape_cast %get3A_859 : vector<1x16xf32> to vector<16xf32>
        %max3A_861 = arith.maximumf %max3A_852, %get3A_860 : vector<16xf32>
        %mul3A_862 = arith.constant 16 : i32
        %mul3A_863 = arith.muli %scan3A_56, %mul3A_862 : i32
        %add3A_864 = arith.constant 9 : i32
        %add3A_865 = arith.addi %mul3A_863, %add3A_864 : i32
        %get3A_866 = arith.index_cast %add3A_865 : i32 to index
        %get3A_867 = arith.constant 80 : index
        %get3A_868 = tpu.vector_load %arg7[%get3A_866, %get3A_867] {strides = array<i32>} : memref<256x128xf32, #tpu.memory_space<vmem>>, vector<1x16xf32>,
        %get3A_869 = vector.shape_cast %get3A_868 : vector<1x16xf32> to vector<16xf32>
        %max3A_870 = arith.maximumf %max3A_861, %get3A_869 : vector<16xf32>
        %mul3A_871 = arith.constant 16 : i32
        %mul3A_872 = arith.muli %scan3A_56, %mul3A_871 : i32
        %add3A_873 = arith.constant 10 : i32
        %add3A_874 = arith.addi %mul3A_872, %add3A_873 : i32
        %get3A_875 = arith.index_cast %add3A_874 : i32 to index
        %get3A_876 = arith.constant 80 : index
        %get3A_877 = tpu.vector_load %arg7[%get3A_875, %get3A_876] {strides = array<i32>} : memref<256x128xf32, #tpu.memory_space<vmem>>, vector<1x16xf32>,
        %get3A_878 = vector.shape_cast %get3A_877 : vector<1x16xf32> to vector<16xf32>
        %max3A_879 = arith.maximumf %max3A_870, %get3A_878 : vector<16xf32>
        %mul3A_880 = arith.constant 16 : i32
        %mul3A_881 = arith.muli %scan3A_56, %mul3A_880 : i32
        %add3A_882 = arith.constant 11 : i32
        %add3A_883 = arith.addi %mul3A_881, %add3A_882 : i32
        %get3A_884 = arith.index_cast %add3A_883 : i32 to index
        %get3A_885 = arith.constant 80 : index
        %get3A_886 = tpu.vector_load %arg7[%get3A_884, %get3A_885] {strides = array<i32>} : memref<256x128xf32, #tpu.memory_space<vmem>>, vector<1x16xf32>,
        %get3A_887 = vector.shape_cast %get3A_886 : vector<1x16xf32> to vector<16xf32>
        %max3A_888 = arith.maximumf %max3A_879, %get3A_887 : vector<16xf32>
        %mul3A_889 = arith.constant 16 : i32
        %mul3A_890 = arith.muli %scan3A_56, %mul3A_889 : i32
        %add3A_891 = arith.constant 12 : i32
        %add3A_892 = arith.addi %mul3A_890, %add3A_891 : i32
        %get3A_893 = arith.index_cast %add3A_892 : i32 to index
        %get3A_894 = arith.constant 80 : index
        %get3A_895 = tpu.vector_load %arg7[%get3A_893, %get3A_894] {strides = array<i32>} : memref<256x128xf32, #tpu.memory_space<vmem>>, vector<1x16xf32>,
        %get3A_896 = vector.shape_cast %get3A_895 : vector<1x16xf32> to vector<16xf32>
        %max3A_897 = arith.maximumf %max3A_888, %get3A_896 : vector<16xf32>
        %mul3A_898 = arith.constant 16 : i32
        %mul3A_899 = arith.muli %scan3A_56, %mul3A_898 : i32
        %add3A_900 = arith.constant 13 : i32
        %add3A_901 = arith.addi %mul3A_899, %add3A_900 : i32
        %get3A_902 = arith.index_cast %add3A_901 : i32 to index
        %get3A_903 = arith.constant 80 : index
        %get3A_904 = tpu.vector_load %arg7[%get3A_902, %get3A_903] {strides = array<i32>} : memref<256x128xf32, #tpu.memory_space<vmem>>, vector<1x16xf32>,
        %get3A_905 = vector.shape_cast %get3A_904 : vector<1x16xf32> to vector<16xf32>
        %max3A_906 = arith.maximumf %max3A_897, %get3A_905 : vector<16xf32>
        %mul3A_907 = arith.constant 16 : i32
        %mul3A_908 = arith.muli %scan3A_56, %mul3A_907 : i32
        %add3A_909 = arith.constant 14 : i32
        %add3A_910 = arith.addi %mul3A_908, %add3A_909 : i32
        %get3A_911 = arith.index_cast %add3A_910 : i32 to index
        %get3A_912 = arith.constant 80 : index
        %get3A_913 = tpu.vector_load %arg7[%get3A_911, %get3A_912] {strides = array<i32>} : memref<256x128xf32, #tpu.memory_space<vmem>>, vector<1x16xf32>,
        %get3A_914 = vector.shape_cast %get3A_913 : vector<1x16xf32> to vector<16xf32>
        %max3A_915 = arith.maximumf %max3A_906, %get3A_914 : vector<16xf32>
        %mul3A_916 = arith.constant 16 : i32
        %mul3A_917 = arith.muli %scan3A_56, %mul3A_916 : i32
        %add3A_918 = arith.constant 15 : i32
        %add3A_919 = arith.addi %mul3A_917, %add3A_918 : i32
        %get3A_920 = arith.index_cast %add3A_919 : i32 to index
        %get3A_921 = arith.constant 80 : index
        %get3A_922 = tpu.vector_load %arg7[%get3A_920, %get3A_921] {strides = array<i32>} : memref<256x128xf32, #tpu.memory_space<vmem>>, vector<1x16xf32>,
        %get3A_923 = vector.shape_cast %get3A_922 : vector<1x16xf32> to vector<16xf32>
        %max3A_924 = arith.maximumf %max3A_915, %get3A_923 : vector<16xf32>
        %swap3A_925 = arith.index_cast %scan3A_56 : i32 to index
        %swap3A_926 = arith.constant 80 : index
        %swap3A_927 = tpu.vector_load %arg9[%swap3A_925, %swap3A_926] {strides = array<i32>} : memref<16x128xf32, #tpu.memory_space<vmem>>, vector<1x16xf32>,
        %swap3A_928 = vector.shape_cast %swap3A_927 : vector<1x16xf32> to vector<16xf32>
        %swap3A_929 = vector.shape_cast %max3A_924 : vector<16xf32> to vector<1x16xf32>
        tpu.vector_store %arg9[%swap3A_925, %swap3A_926], %swap3A_929 {strides = array<i32>} : memref<16x128xf32, #tpu.memory_space<vmem>>, vector<1x16xf32>,
        %mul3A_930 = arith.constant 16 : i32
        %mul3A_931 = arith.muli %scan3A_56, %mul3A_930 : i32
        %get3A_932 = arith.index_cast %mul3A_931 : i32 to index
        %get3A_933 = arith.constant 96 : index
        %get3A_934 = tpu.vector_load %arg7[%get3A_932, %get3A_933] {strides = array<i32>} : memref<256x128xf32, #tpu.memory_space<vmem>>, vector<1x16xf32>,
        %get3A_935 = vector.shape_cast %get3A_934 : vector<1x16xf32> to vector<16xf32>
        %mul3A_936 = arith.constant 16 : i32
        %mul3A_937 = arith.muli %scan3A_56, %mul3A_936 : i32
        %add3A_938 = arith.constant 1 : i32
        %add3A_939 = arith.addi %mul3A_937, %add3A_938 : i32
        %get3A_940 = arith.index_cast %add3A_939 : i32 to index
        %get3A_941 = arith.constant 96 : index
        %get3A_942 = tpu.vector_load %arg7[%get3A_940, %get3A_941] {strides = array<i32>} : memref<256x128xf32, #tpu.memory_space<vmem>>, vector<1x16xf32>,
        %get3A_943 = vector.shape_cast %get3A_942 : vector<1x16xf32> to vector<16xf32>
        %max3A_944 = arith.maximumf %get3A_935, %get3A_943 : vector<16xf32>
        %mul3A_945 = arith.constant 16 : i32
        %mul3A_946 = arith.muli %scan3A_56, %mul3A_945 : i32
        %add3A_947 = arith.constant 2 : i32
        %add3A_948 = arith.addi %mul3A_946, %add3A_947 : i32
        %get3A_949 = arith.index_cast %add3A_948 : i32 to index
        %get3A_950 = arith.constant 96 : index
        %get3A_951 = tpu.vector_load %arg7[%get3A_949, %get3A_950] {strides = array<i32>} : memref<256x128xf32, #tpu.memory_space<vmem>>, vector<1x16xf32>,
        %get3A_952 = vector.shape_cast %get3A_951 : vector<1x16xf32> to vector<16xf32>
        %max3A_953 = arith.maximumf %max3A_944, %get3A_952 : vector<16xf32>
        %mul3A_954 = arith.constant 16 : i32
        %mul3A_955 = arith.muli %scan3A_56, %mul3A_954 : i32
        %add3A_956 = arith.constant 3 : i32
        %add3A_957 = arith.addi %mul3A_955, %add3A_956 : i32
        %get3A_958 = arith.index_cast %add3A_957 : i32 to index
        %get3A_959 = arith.constant 96 : index
        %get3A_960 = tpu.vector_load %arg7[%get3A_958, %get3A_959] {strides = array<i32>} : memref<256x128xf32, #tpu.memory_space<vmem>>, vector<1x16xf32>,
        %get3A_961 = vector.shape_cast %get3A_960 : vector<1x16xf32> to vector<16xf32>
        %max3A_962 = arith.maximumf %max3A_953, %get3A_961 : vector<16xf32>
        %mul3A_963 = arith.constant 16 : i32
        %mul3A_964 = arith.muli %scan3A_56, %mul3A_963 : i32
        %add3A_965 = arith.constant 4 : i32
        %add3A_966 = arith.addi %mul3A_964, %add3A_965 : i32
        %get3A_967 = arith.index_cast %add3A_966 : i32 to index
        %get3A_968 = arith.constant 96 : index
        %get3A_969 = tpu.vector_load %arg7[%get3A_967, %get3A_968] {strides = array<i32>} : memref<256x128xf32, #tpu.memory_space<vmem>>, vector<1x16xf32>,
        %get3A_970 = vector.shape_cast %get3A_969 : vector<1x16xf32> to vector<16xf32>
        %max3A_971 = arith.maximumf %max3A_962, %get3A_970 : vector<16xf32>
        %mul3A_972 = arith.constant 16 : i32
        %mul3A_973 = arith.muli %scan3A_56, %mul3A_972 : i32
        %add3A_974 = arith.constant 5 : i32
        %add3A_975 = arith.addi %mul3A_973, %add3A_974 : i32
        %get3A_976 = arith.index_cast %add3A_975 : i32 to index
        %get3A_977 = arith.constant 96 : index
        %get3A_978 = tpu.vector_load %arg7[%get3A_976, %get3A_977] {strides = array<i32>} : memref<256x128xf32, #tpu.memory_space<vmem>>, vector<1x16xf32>,
        %get3A_979 = vector.shape_cast %get3A_978 : vector<1x16xf32> to vector<16xf32>
        %max3A_980 = arith.maximumf %max3A_971, %get3A_979 : vector<16xf32>
        %mul3A_981 = arith.constant 16 : i32
        %mul3A_982 = arith.muli %scan3A_56, %mul3A_981 : i32
        %add3A_983 = arith.constant 6 : i32
        %add3A_984 = arith.addi %mul3A_982, %add3A_983 : i32
        %get3A_985 = arith.index_cast %add3A_984 : i32 to index
        %get3A_986 = arith.constant 96 : index
        %get3A_987 = tpu.vector_load %arg7[%get3A_985, %get3A_986] {strides = array<i32>} : memref<256x128xf32, #tpu.memory_space<vmem>>, vector<1x16xf32>,
        %get3A_988 = vector.shape_cast %get3A_987 : vector<1x16xf32> to vector<16xf32>
        %max3A_989 = arith.maximumf %max3A_980, %get3A_988 : vector<16xf32>
        %mul3A_990 = arith.constant 16 : i32
        %mul3A_991 = arith.muli %scan3A_56, %mul3A_990 : i32
        %add3A_992 = arith.constant 7 : i32
        %add3A_993 = arith.addi %mul3A_991, %add3A_992 : i32
        %get3A_994 = arith.index_cast %add3A_993 : i32 to index
        %get3A_995 = arith.constant 96 : index
        %get3A_996 = tpu.vector_load %arg7[%get3A_994, %get3A_995] {strides = array<i32>} : memref<256x128xf32, #tpu.memory_space<vmem>>, vector<1x16xf32>,
        %get3A_997 = vector.shape_cast %get3A_996 : vector<1x16xf32> to vector<16xf32>
        %max3A_998 = arith.maximumf %max3A_989, %get3A_997 : vector<16xf32>
        %mul3A_999 = arith.constant 16 : i32
        %mul3A_1000 = arith.muli %scan3A_56, %mul3A_999 : i32
        %add3A_1001 = arith.constant 8 : i32
        %add3A_1002 = arith.addi %mul3A_1000, %add3A_1001 : i32
        %get3A_1003 = arith.index_cast %add3A_1002 : i32 to index
        %get3A_1004 = arith.constant 96 : index
        %get3A_1005 = tpu.vector_load %arg7[%get3A_1003, %get3A_1004] {strides = array<i32>} : memref<256x128xf32, #tpu.memory_space<vmem>>, vector<1x16xf32>,
        %get3A_1006 = vector.shape_cast %get3A_1005 : vector<1x16xf32> to vector<16xf32>
        %max3A_1007 = arith.maximumf %max3A_998, %get3A_1006 : vector<16xf32>
        %mul3A_1008 = arith.constant 16 : i32
        %mul3A_1009 = arith.muli %scan3A_56, %mul3A_1008 : i32
        %add3A_1010 = arith.constant 9 : i32
        %add3A_1011 = arith.addi %mul3A_1009, %add3A_1010 : i32
        %get3A_1012 = arith.index_cast %add3A_1011 : i32 to index
        %get3A_1013 = arith.constant 96 : index
        %get3A_1014 = tpu.vector_load %arg7[%get3A_1012, %get3A_1013] {strides = array<i32>} : memref<256x128xf32, #tpu.memory_space<vmem>>, vector<1x16xf32>,
        %get3A_1015 = vector.shape_cast %get3A_1014 : vector<1x16xf32> to vector<16xf32>
        %max3A_1016 = arith.maximumf %max3A_1007, %get3A_1015 : vector<16xf32>
        %mul3A_1017 = arith.constant 16 : i32
        %mul3A_1018 = arith.muli %scan3A_56, %mul3A_1017 : i32
        %add3A_1019 = arith.constant 10 : i32
        %add3A_1020 = arith.addi %mul3A_1018, %add3A_1019 : i32
        %get3A_1021 = arith.index_cast %add3A_1020 : i32 to index
        %get3A_1022 = arith.constant 96 : index
        %get3A_1023 = tpu.vector_load %arg7[%get3A_1021, %get3A_1022] {strides = array<i32>} : memref<256x128xf32, #tpu.memory_space<vmem>>, vector<1x16xf32>,
        %get3A_1024 = vector.shape_cast %get3A_1023 : vector<1x16xf32> to vector<16xf32>
        %max3A_1025 = arith.maximumf %max3A_1016, %get3A_1024 : vector<16xf32>
        %mul3A_1026 = arith.constant 16 : i32
        %mul3A_1027 = arith.muli %scan3A_56, %mul3A_1026 : i32
        %add3A_1028 = arith.constant 11 : i32
        %add3A_1029 = arith.addi %mul3A_1027, %add3A_1028 : i32
        %get3A_1030 = arith.index_cast %add3A_1029 : i32 to index
        %get3A_1031 = arith.constant 96 : index
        %get3A_1032 = tpu.vector_load %arg7[%get3A_1030, %get3A_1031] {strides = array<i32>} : memref<256x128xf32, #tpu.memory_space<vmem>>, vector<1x16xf32>,
        %get3A_1033 = vector.shape_cast %get3A_1032 : vector<1x16xf32> to vector<16xf32>
        %max3A_1034 = arith.maximumf %max3A_1025, %get3A_1033 : vector<16xf32>
        %mul3A_1035 = arith.constant 16 : i32
        %mul3A_1036 = arith.muli %scan3A_56, %mul3A_1035 : i32
        %add3A_1037 = arith.constant 12 : i32
        %add3A_1038 = arith.addi %mul3A_1036, %add3A_1037 : i32
        %get3A_1039 = arith.index_cast %add3A_1038 : i32 to index
        %get3A_1040 = arith.constant 96 : index
        %get3A_1041 = tpu.vector_load %arg7[%get3A_1039, %get3A_1040] {strides = array<i32>} : memref<256x128xf32, #tpu.memory_space<vmem>>, vector<1x16xf32>,
        %get3A_1042 = vector.shape_cast %get3A_1041 : vector<1x16xf32> to vector<16xf32>
        %max3A_1043 = arith.maximumf %max3A_1034, %get3A_1042 : vector<16xf32>
        %mul3A_1044 = arith.constant 16 : i32
        %mul3A_1045 = arith.muli %scan3A_56, %mul3A_1044 : i32
        %add3A_1046 = arith.constant 13 : i32
        %add3A_1047 = arith.addi %mul3A_1045, %add3A_1046 : i32
        %get3A_1048 = arith.index_cast %add3A_1047 : i32 to index
        %get3A_1049 = arith.constant 96 : index
        %get3A_1050 = tpu.vector_load %arg7[%get3A_1048, %get3A_1049] {strides = array<i32>} : memref<256x128xf32, #tpu.memory_space<vmem>>, vector<1x16xf32>,
        %get3A_1051 = vector.shape_cast %get3A_1050 : vector<1x16xf32> to vector<16xf32>
        %max3A_1052 = arith.maximumf %max3A_1043, %get3A_1051 : vector<16xf32>
        %mul3A_1053 = arith.constant 16 : i32
        %mul3A_1054 = arith.muli %scan3A_56, %mul3A_1053 : i32
        %add3A_1055 = arith.constant 14 : i32
        %add3A_1056 = arith.addi %mul3A_1054, %add3A_1055 : i32
        %get3A_1057 = arith.index_cast %add3A_1056 : i32 to index
        %get3A_1058 = arith.constant 96 : index
        %get3A_1059 = tpu.vector_load %arg7[%get3A_1057, %get3A_1058] {strides = array<i32>} : memref<256x128xf32, #tpu.memory_space<vmem>>, vector<1x16xf32>,
        %get3A_1060 = vector.shape_cast %get3A_1059 : vector<1x16xf32> to vector<16xf32>
        %max3A_1061 = arith.maximumf %max3A_1052, %get3A_1060 : vector<16xf32>
        %mul3A_1062 = arith.constant 16 : i32
        %mul3A_1063 = arith.muli %scan3A_56, %mul3A_1062 : i32
        %add3A_1064 = arith.constant 15 : i32
        %add3A_1065 = arith.addi %mul3A_1063, %add3A_1064 : i32
        %get3A_1066 = arith.index_cast %add3A_1065 : i32 to index
        %get3A_1067 = arith.constant 96 : index
        %get3A_1068 = tpu.vector_load %arg7[%get3A_1066, %get3A_1067] {strides = array<i32>} : memref<256x128xf32, #tpu.memory_space<vmem>>, vector<1x16xf32>,
        %get3A_1069 = vector.shape_cast %get3A_1068 : vector<1x16xf32> to vector<16xf32>
        %max3A_1070 = arith.maximumf %max3A_1061, %get3A_1069 : vector<16xf32>
        %swap3A_1071 = arith.index_cast %scan3A_56 : i32 to index
        %swap3A_1072 = arith.constant 96 : index
        %swap3A_1073 = tpu.vector_load %arg9[%swap3A_1071, %swap3A_1072] {strides = array<i32>} : memref<16x128xf32, #tpu.memory_space<vmem>>, vector<1x16xf32>,
        %swap3A_1074 = vector.shape_cast %swap3A_1073 : vector<1x16xf32> to vector<16xf32>
        %swap3A_1075 = vector.shape_cast %max3A_1070 : vector<16xf32> to vector<1x16xf32>
        tpu.vector_store %arg9[%swap3A_1071, %swap3A_1072], %swap3A_1075 {strides = array<i32>} : memref<16x128xf32, #tpu.memory_space<vmem>>, vector<1x16xf32>,
        %mul3A_1076 = arith.constant 16 : i32
        %mul3A_1077 = arith.muli %scan3A_56, %mul3A_1076 : i32
        %get3A_1078 = arith.index_cast %mul3A_1077 : i32 to index
        %get3A_1079 = arith.constant 112 : index
        %get3A_1080 = tpu.vector_load %arg7[%get3A_1078, %get3A_1079] {strides = array<i32>} : memref<256x128xf32, #tpu.memory_space<vmem>>, vector<1x16xf32>,
        %get3A_1081 = vector.shape_cast %get3A_1080 : vector<1x16xf32> to vector<16xf32>
        %mul3A_1082 = arith.constant 16 : i32
        %mul3A_1083 = arith.muli %scan3A_56, %mul3A_1082 : i32
        %add3A_1084 = arith.constant 1 : i32
        %add3A_1085 = arith.addi %mul3A_1083, %add3A_1084 : i32
        %get3A_1086 = arith.index_cast %add3A_1085 : i32 to index
        %get3A_1087 = arith.constant 112 : index
        %get3A_1088 = tpu.vector_load %arg7[%get3A_1086, %get3A_1087] {strides = array<i32>} : memref<256x128xf32, #tpu.memory_space<vmem>>, vector<1x16xf32>,
        %get3A_1089 = vector.shape_cast %get3A_1088 : vector<1x16xf32> to vector<16xf32>
        %max3A_1090 = arith.maximumf %get3A_1081, %get3A_1089 : vector<16xf32>
        %mul3A_1091 = arith.constant 16 : i32
        %mul3A_1092 = arith.muli %scan3A_56, %mul3A_1091 : i32
        %add3A_1093 = arith.constant 2 : i32
        %add3A_1094 = arith.addi %mul3A_1092, %add3A_1093 : i32
        %get3A_1095 = arith.index_cast %add3A_1094 : i32 to index
        %get3A_1096 = arith.constant 112 : index
        %get3A_1097 = tpu.vector_load %arg7[%get3A_1095, %get3A_1096] {strides = array<i32>} : memref<256x128xf32, #tpu.memory_space<vmem>>, vector<1x16xf32>,
        %get3A_1098 = vector.shape_cast %get3A_1097 : vector<1x16xf32> to vector<16xf32>
        %max3A_1099 = arith.maximumf %max3A_1090, %get3A_1098 : vector<16xf32>
        %mul3A_1100 = arith.constant 16 : i32
        %mul3A_1101 = arith.muli %scan3A_56, %mul3A_1100 : i32
        %add3A_1102 = arith.constant 3 : i32
        %add3A_1103 = arith.addi %mul3A_1101, %add3A_1102 : i32
        %get3A_1104 = arith.index_cast %add3A_1103 : i32 to index
        %get3A_1105 = arith.constant 112 : index
        %get3A_1106 = tpu.vector_load %arg7[%get3A_1104, %get3A_1105] {strides = array<i32>} : memref<256x128xf32, #tpu.memory_space<vmem>>, vector<1x16xf32>,
        %get3A_1107 = vector.shape_cast %get3A_1106 : vector<1x16xf32> to vector<16xf32>
        %max3A_1108 = arith.maximumf %max3A_1099, %get3A_1107 : vector<16xf32>
        %mul3A_1109 = arith.constant 16 : i32
        %mul3A_1110 = arith.muli %scan3A_56, %mul3A_1109 : i32
        %add3A_1111 = arith.constant 4 : i32
        %add3A_1112 = arith.addi %mul3A_1110, %add3A_1111 : i32
        %get3A_1113 = arith.index_cast %add3A_1112 : i32 to index
        %get3A_1114 = arith.constant 112 : index
        %get3A_1115 = tpu.vector_load %arg7[%get3A_1113, %get3A_1114] {strides = array<i32>} : memref<256x128xf32, #tpu.memory_space<vmem>>, vector<1x16xf32>,
        %get3A_1116 = vector.shape_cast %get3A_1115 : vector<1x16xf32> to vector<16xf32>
        %max3A_1117 = arith.maximumf %max3A_1108, %get3A_1116 : vector<16xf32>
        %mul3A_1118 = arith.constant 16 : i32
        %mul3A_1119 = arith.muli %scan3A_56, %mul3A_1118 : i32
        %add3A_1120 = arith.constant 5 : i32
        %add3A_1121 = arith.addi %mul3A_1119, %add3A_1120 : i32
        %get3A_1122 = arith.index_cast %add3A_1121 : i32 to index
        %get3A_1123 = arith.constant 112 : index
        %get3A_1124 = tpu.vector_load %arg7[%get3A_1122, %get3A_1123] {strides = array<i32>} : memref<256x128xf32, #tpu.memory_space<vmem>>, vector<1x16xf32>,
        %get3A_1125 = vector.shape_cast %get3A_1124 : vector<1x16xf32> to vector<16xf32>
        %max3A_1126 = arith.maximumf %max3A_1117, %get3A_1125 : vector<16xf32>
        %mul3A_1127 = arith.constant 16 : i32
        %mul3A_1128 = arith.muli %scan3A_56, %mul3A_1127 : i32
        %add3A_1129 = arith.constant 6 : i32
        %add3A_1130 = arith.addi %mul3A_1128, %add3A_1129 : i32
        %get3A_1131 = arith.index_cast %add3A_1130 : i32 to index
        %get3A_1132 = arith.constant 112 : index
        %get3A_1133 = tpu.vector_load %arg7[%get3A_1131, %get3A_1132] {strides = array<i32>} : memref<256x128xf32, #tpu.memory_space<vmem>>, vector<1x16xf32>,
        %get3A_1134 = vector.shape_cast %get3A_1133 : vector<1x16xf32> to vector<16xf32>
        %max3A_1135 = arith.maximumf %max3A_1126, %get3A_1134 : vector<16xf32>
        %mul3A_1136 = arith.constant 16 : i32
        %mul3A_1137 = arith.muli %scan3A_56, %mul3A_1136 : i32
        %add3A_1138 = arith.constant 7 : i32
        %add3A_1139 = arith.addi %mul3A_1137, %add3A_1138 : i32
        %get3A_1140 = arith.index_cast %add3A_1139 : i32 to index
        %get3A_1141 = arith.constant 112 : index
        %get3A_1142 = tpu.vector_load %arg7[%get3A_1140, %get3A_1141] {strides = array<i32>} : memref<256x128xf32, #tpu.memory_space<vmem>>, vector<1x16xf32>,
        %get3A_1143 = vector.shape_cast %get3A_1142 : vector<1x16xf32> to vector<16xf32>
        %max3A_1144 = arith.maximumf %max3A_1135, %get3A_1143 : vector<16xf32>
        %mul3A_1145 = arith.constant 16 : i32
        %mul3A_1146 = arith.muli %scan3A_56, %mul3A_1145 : i32
        %add3A_1147 = arith.constant 8 : i32
        %add3A_1148 = arith.addi %mul3A_1146, %add3A_1147 : i32
        %get3A_1149 = arith.index_cast %add3A_1148 : i32 to index
        %get3A_1150 = arith.constant 112 : index
        %get3A_1151 = tpu.vector_load %arg7[%get3A_1149, %get3A_1150] {strides = array<i32>} : memref<256x128xf32, #tpu.memory_space<vmem>>, vector<1x16xf32>,
        %get3A_1152 = vector.shape_cast %get3A_1151 : vector<1x16xf32> to vector<16xf32>
        %max3A_1153 = arith.maximumf %max3A_1144, %get3A_1152 : vector<16xf32>
        %mul3A_1154 = arith.constant 16 : i32
        %mul3A_1155 = arith.muli %scan3A_56, %mul3A_1154 : i32
        %add3A_1156 = arith.constant 9 : i32
        %add3A_1157 = arith.addi %mul3A_1155, %add3A_1156 : i32
        %get3A_1158 = arith.index_cast %add3A_1157 : i32 to index
        %get3A_1159 = arith.constant 112 : index
        %get3A_1160 = tpu.vector_load %arg7[%get3A_1158, %get3A_1159] {strides = array<i32>} : memref<256x128xf32, #tpu.memory_space<vmem>>, vector<1x16xf32>,
        %get3A_1161 = vector.shape_cast %get3A_1160 : vector<1x16xf32> to vector<16xf32>
        %max3A_1162 = arith.maximumf %max3A_1153, %get3A_1161 : vector<16xf32>
        %mul3A_1163 = arith.constant 16 : i32
        %mul3A_1164 = arith.muli %scan3A_56, %mul3A_1163 : i32
        %add3A_1165 = arith.constant 10 : i32
        %add3A_1166 = arith.addi %mul3A_1164, %add3A_1165 : i32
        %get3A_1167 = arith.index_cast %add3A_1166 : i32 to index
        %get3A_1168 = arith.constant 112 : index
        %get3A_1169 = tpu.vector_load %arg7[%get3A_1167, %get3A_1168] {strides = array<i32>} : memref<256x128xf32, #tpu.memory_space<vmem>>, vector<1x16xf32>,
        %get3A_1170 = vector.shape_cast %get3A_1169 : vector<1x16xf32> to vector<16xf32>
        %max3A_1171 = arith.maximumf %max3A_1162, %get3A_1170 : vector<16xf32>
        %mul3A_1172 = arith.constant 16 : i32
        %mul3A_1173 = arith.muli %scan3A_56, %mul3A_1172 : i32
        %add3A_1174 = arith.constant 11 : i32
        %add3A_1175 = arith.addi %mul3A_1173, %add3A_1174 : i32
        %get3A_1176 = arith.index_cast %add3A_1175 : i32 to index
        %get3A_1177 = arith.constant 112 : index
        %get3A_1178 = tpu.vector_load %arg7[%get3A_1176, %get3A_1177] {strides = array<i32>} : memref<256x128xf32, #tpu.memory_space<vmem>>, vector<1x16xf32>,
        %get3A_1179 = vector.shape_cast %get3A_1178 : vector<1x16xf32> to vector<16xf32>
        %max3A_1180 = arith.maximumf %max3A_1171, %get3A_1179 : vector<16xf32>
        %mul3A_1181 = arith.constant 16 : i32
        %mul3A_1182 = arith.muli %scan3A_56, %mul3A_1181 : i32
        %add3A_1183 = arith.constant 12 : i32
        %add3A_1184 = arith.addi %mul3A_1182, %add3A_1183 : i32
        %get3A_1185 = arith.index_cast %add3A_1184 : i32 to index
        %get3A_1186 = arith.constant 112 : index
        %get3A_1187 = tpu.vector_load %arg7[%get3A_1185, %get3A_1186] {strides = array<i32>} : memref<256x128xf32, #tpu.memory_space<vmem>>, vector<1x16xf32>,
        %get3A_1188 = vector.shape_cast %get3A_1187 : vector<1x16xf32> to vector<16xf32>
        %max3A_1189 = arith.maximumf %max3A_1180, %get3A_1188 : vector<16xf32>
        %mul3A_1190 = arith.constant 16 : i32
        %mul3A_1191 = arith.muli %scan3A_56, %mul3A_1190 : i32
        %add3A_1192 = arith.constant 13 : i32
        %add3A_1193 = arith.addi %mul3A_1191, %add3A_1192 : i32
        %get3A_1194 = arith.index_cast %add3A_1193 : i32 to index
        %get3A_1195 = arith.constant 112 : index
        %get3A_1196 = tpu.vector_load %arg7[%get3A_1194, %get3A_1195] {strides = array<i32>} : memref<256x128xf32, #tpu.memory_space<vmem>>, vector<1x16xf32>,
        %get3A_1197 = vector.shape_cast %get3A_1196 : vector<1x16xf32> to vector<16xf32>
        %max3A_1198 = arith.maximumf %max3A_1189, %get3A_1197 : vector<16xf32>
        %mul3A_1199 = arith.constant 16 : i32
        %mul3A_1200 = arith.muli %scan3A_56, %mul3A_1199 : i32
        %add3A_1201 = arith.constant 14 : i32
        %add3A_1202 = arith.addi %mul3A_1200, %add3A_1201 : i32
        %get3A_1203 = arith.index_cast %add3A_1202 : i32 to index
        %get3A_1204 = arith.constant 112 : index
        %get3A_1205 = tpu.vector_load %arg7[%get3A_1203, %get3A_1204] {strides = array<i32>} : memref<256x128xf32, #tpu.memory_space<vmem>>, vector<1x16xf32>,
        %get3A_1206 = vector.shape_cast %get3A_1205 : vector<1x16xf32> to vector<16xf32>
        %max3A_1207 = arith.maximumf %max3A_1198, %get3A_1206 : vector<16xf32>
        %mul3A_1208 = arith.constant 16 : i32
        %mul3A_1209 = arith.muli %scan3A_56, %mul3A_1208 : i32
        %add3A_1210 = arith.constant 15 : i32
        %add3A_1211 = arith.addi %mul3A_1209, %add3A_1210 : i32
        %get3A_1212 = arith.index_cast %add3A_1211 : i32 to index
        %get3A_1213 = arith.constant 112 : index
        %get3A_1214 = tpu.vector_load %arg7[%get3A_1212, %get3A_1213] {strides = array<i32>} : memref<256x128xf32, #tpu.memory_space<vmem>>, vector<1x16xf32>,
        %get3A_1215 = vector.shape_cast %get3A_1214 : vector<1x16xf32> to vector<16xf32>
        %max3A_1216 = arith.maximumf %max3A_1207, %get3A_1215 : vector<16xf32>
        %swap3A_1217 = arith.index_cast %scan3A_56 : i32 to index
        %swap3A_1218 = arith.constant 112 : index
        %swap3A_1219 = tpu.vector_load %arg9[%swap3A_1217, %swap3A_1218] {strides = array<i32>} : memref<16x128xf32, #tpu.memory_space<vmem>>, vector<1x16xf32>,
        %swap3A_1220 = vector.shape_cast %swap3A_1219 : vector<1x16xf32> to vector<16xf32>
        %swap3A_1221 = vector.shape_cast %max3A_1216 : vector<16xf32> to vector<1x16xf32>
        tpu.vector_store %arg9[%swap3A_1217, %swap3A_1218], %swap3A_1221 {strides = array<i32>} : memref<16x128xf32, #tpu.memory_space<vmem>>, vector<1x16xf32>,
      }
      %scan3A_31 = arith.constant 16 : i32
      %mul3A_32 = arith.constant 16 : i32
      %mul3A_33 = arith.muli %add3A_19, %mul3A_32 : i32
      %add3A_34 = arith.addi %mul3A_2, %mul3A_33 : i32
      "tpu.region"() ({
        %run_scoped3A = tpu.sem_alloc : memref<!tpu.dma_semaphore, #tpu.memory_space<semaphore_mem>>
        %dma_start3A_56 = arith.constant 0 : i32
        %dma_start3A_57 = tpu.memref_slice %arg4[%add3A_34, %dma_start3A_56] : memref<10240x128xf32, #tpu.memory_space<hbm>> -> memref<16x128xf32, #tpu.memory_space<hbm>>
        %dma_start3A_58 = arith.constant 0 : i32
        %dma_start3A_59 = tpu.memref_slice %arg4[%add3A_34, %dma_start3A_58] : memref<10240x128xf32, #tpu.memory_space<hbm>> -> memref<16x128xf32, #tpu.memory_space<hbm>>
        tpu.enqueue_dma source(%arg9 : memref<16x128xf32, #tpu.memory_space<vmem>>) target(%dma_start3A_59 : memref<16x128xf32, #tpu.memory_space<hbm>>) target_semaphore(%run_scoped3A : memref<!tpu.dma_semaphore, #tpu.memory_space<semaphore_mem>>)
        %dma_wait3A_60 = arith.constant 0 : i32
        %dma_wait3A_61 = tpu.memref_slice %arg4[%add3A_34, %dma_wait3A_60] : memref<10240x128xf32, #tpu.memory_space<hbm>> -> memref<16x128xf32, #tpu.memory_space<hbm>>
        %dma_wait3A_62 = arith.constant 0 : i32
        %dma_wait3A_63 = tpu.memref_slice %arg4[%add3A_34, %dma_wait3A_62] : memref<10240x128xf32, #tpu.memory_space<hbm>> -> memref<16x128xf32, #tpu.memory_space<hbm>>
        tpu.wait_dma2 semaphore(%run_scoped3A : memref<!tpu.dma_semaphore, #tpu.memory_space<semaphore_mem>>) src(%arg9 : memref<16x128xf32, #tpu.memory_space<vmem>>) dst(%dma_wait3A_63 : memref<16x128xf32, #tpu.memory_space<hbm>>)
        tpu.yield
      }) : () -> ()
      %add3A_35 = arith.constant 1 : i32
      %add3A_36 = arith.addi %add3A_17, %add3A_35 : i32
      %add3A_37 = arith.constant 1 : i32
      %add3A_38 = arith.addi %add3A_36, %add3A_37 : i32
      %lt3A_39 = arith.constant 20 : i32
      %lt3A_40 = arith.cmpi slt, %add3A_38, %lt3A_39 : i32
      %convert_element_type3A_41 = arith.extui %lt3A_40 : i1 to i32
      %cond3A_42 = arith.constant 0 : i32
      %cond3A_43 = arith.cmpi ne, %convert_element_type3A_41, %cond3A_42 : i32
      scf.if %cond3A_43 {
        %add3A_56 = arith.constant 1 : i32
        %add3A_57 = arith.addi %add3A_36, %add3A_56 : i32
        %mul3A_58 = arith.constant 16 : i32
        %mul3A_59 = arith.muli %add3A_57, %mul3A_58 : i32
        %add3A_60 = arith.addi %mul3A_2, %mul3A_59 : i32
        %mul3A_61 = arith.constant 16 : i32
        %mul3A_62 = arith.muli %add3A_60, %mul3A_61 : i32
        "tpu.region"() ({
          %run_scoped3A = tpu.sem_alloc : memref<!tpu.dma_semaphore, #tpu.memory_space<semaphore_mem>>
          %dma_start3A_66 = tpu.memref_slice %arg3[%mul3A_62] : memref<163840xi32, #tpu.memory_space<hbm>> -> memref<256xi32, #tpu.memory_space<hbm>>
          %dma_start3A_67 = tpu.memref_slice %arg3[%mul3A_62] : memref<163840xi32, #tpu.memory_space<hbm>> -> memref<256xi32, #tpu.memory_space<hbm>>
          tpu.enqueue_dma source(%dma_start3A_67 : memref<256xi32, #tpu.memory_space<hbm>>) target(%arg5 : memref<256xi32, #tpu.memory_space<vmem>>) target_semaphore(%run_scoped3A : memref<!tpu.dma_semaphore, #tpu.memory_space<semaphore_mem>>)
          %dma_wait3A_68 = tpu.memref_slice %arg3[%mul3A_62] : memref<163840xi32, #tpu.memory_space<hbm>> -> memref<256xi32, #tpu.memory_space<hbm>>
          %dma_wait3A_69 = tpu.memref_slice %arg3[%mul3A_62] : memref<163840xi32, #tpu.memory_space<hbm>> -> memref<256xi32, #tpu.memory_space<hbm>>
          tpu.wait_dma2 semaphore(%run_scoped3A : memref<!tpu.dma_semaphore, #tpu.memory_space<semaphore_mem>>) src(%dma_wait3A_69 : memref<256xi32, #tpu.memory_space<hbm>>) dst(%arg5 : memref<256xi32, #tpu.memory_space<vmem>>)
          tpu.yield
        }) : () -> ()
        %dma_start3A_63 = arith.constant 0 : i32
        %dma_start3A_64 = arith.constant 0 : i32
        %dma_start3A_65 = tpu.memref_slice %arg2[%dma_start3A_63, %dma_start3A_64] : memref<10000x128xf32, #tpu.memory_space<hbm>> -> memref<10000x128xf32, #tpu.memory_space<hbm>>
        tpu.enqueue_indirect_dma source(%dma_start3A_65 : memref<10000x128xf32, #tpu.memory_space<hbm>>) target(%arg7 : memref<256x128xf32, #tpu.memory_space<vmem>>) offsets(%arg5 : memref<256xi32, #tpu.memory_space<vmem>>) semaphore(%arg10 : memref<!tpu.dma_semaphore, #tpu.memory_space<semaphore_mem>>)
      } else {
      }
      %dma_wait3A_44 = arith.constant 0 : i32
      %dma_wait3A_45 = arith.constant 0 : i32
      %dma_wait3A_46 = tpu.memref_slice %arg2[%dma_wait3A_44, %dma_wait3A_45] : memref<10000x128xf32, #tpu.memory_space<hbm>> -> memref<10000x128xf32, #tpu.memory_space<hbm>>
      tpu.wait_indirect_dma semaphore(%arg11 : memref<!tpu.dma_semaphore, #tpu.memory_space<semaphore_mem>>) src(%dma_wait3A_46 : memref<10000x128xf32, #tpu.memory_space<hbm>>) dst(%arg8 : memref<256x128xf32, #tpu.memory_space<vmem>>)
      %scan3A_47 = arith.constant 0 : i32
      %scan3A_48 = arith.constant 0 : i32
      %scan3A_49 = arith.constant 16 : i32
      %scan3A_50 = arith.addi %scan3A_48, %scan3A_49 : i32
      %scan3A_51 = arith.constant 1 : i32
      scf.for %scan3A_56 = %scan3A_48 to %scan3A_50 step %scan3A_51  : i32 {
        %mul3A_57 = arith.constant 16 : i32
        %mul3A_58 = arith.muli %scan3A_56, %mul3A_57 : i32
        %get3A = arith.index_cast %mul3A_58 : i32 to index
        %get3A_59 = arith.constant 0 : index
        %get3A_60 = tpu.vector_load %arg8[%get3A, %get3A_59] {strides = array<i32>} : memref<256x128xf32, #tpu.memory_space<vmem>>, vector<1x16xf32>,
        %get3A_61 = vector.shape_cast %get3A_60 : vector<1x16xf32> to vector<16xf32>
        %mul3A_62 = arith.constant 16 : i32
        %mul3A_63 = arith.muli %scan3A_56, %mul3A_62 : i32
        %add3A_64 = arith.constant 1 : i32
        %add3A_65 = arith.addi %mul3A_63, %add3A_64 : i32
        %get3A_66 = arith.index_cast %add3A_65 : i32 to index
        %get3A_67 = arith.constant 0 : index
        %get3A_68 = tpu.vector_load %arg8[%get3A_66, %get3A_67] {strides = array<i32>} : memref<256x128xf32, #tpu.memory_space<vmem>>, vector<1x16xf32>,
        %get3A_69 = vector.shape_cast %get3A_68 : vector<1x16xf32> to vector<16xf32>
        %max3A = arith.maximumf %get3A_61, %get3A_69 : vector<16xf32>
        %mul3A_70 = arith.constant 16 : i32
        %mul3A_71 = arith.muli %scan3A_56, %mul3A_70 : i32
        %add3A_72 = arith.constant 2 : i32
        %add3A_73 = arith.addi %mul3A_71, %add3A_72 : i32
        %get3A_74 = arith.index_cast %add3A_73 : i32 to index
        %get3A_75 = arith.constant 0 : index
        %get3A_76 = tpu.vector_load %arg8[%get3A_74, %get3A_75] {strides = array<i32>} : memref<256x128xf32, #tpu.memory_space<vmem>>, vector<1x16xf32>,
        %get3A_77 = vector.shape_cast %get3A_76 : vector<1x16xf32> to vector<16xf32>
        %max3A_78 = arith.maximumf %max3A, %get3A_77 : vector<16xf32>
        %mul3A_79 = arith.constant 16 : i32
        %mul3A_80 = arith.muli %scan3A_56, %mul3A_79 : i32
        %add3A_81 = arith.constant 3 : i32
        %add3A_82 = arith.addi %mul3A_80, %add3A_81 : i32
        %get3A_83 = arith.index_cast %add3A_82 : i32 to index
        %get3A_84 = arith.constant 0 : index
        %get3A_85 = tpu.vector_load %arg8[%get3A_83, %get3A_84] {strides = array<i32>} : memref<256x128xf32, #tpu.memory_space<vmem>>, vector<1x16xf32>,
        %get3A_86 = vector.shape_cast %get3A_85 : vector<1x16xf32> to vector<16xf32>
        %max3A_87 = arith.maximumf %max3A_78, %get3A_86 : vector<16xf32>
        %mul3A_88 = arith.constant 16 : i32
        %mul3A_89 = arith.muli %scan3A_56, %mul3A_88 : i32
        %add3A_90 = arith.constant 4 : i32
        %add3A_91 = arith.addi %mul3A_89, %add3A_90 : i32
        %get3A_92 = arith.index_cast %add3A_91 : i32 to index
        %get3A_93 = arith.constant 0 : index
        %get3A_94 = tpu.vector_load %arg8[%get3A_92, %get3A_93] {strides = array<i32>} : memref<256x128xf32, #tpu.memory_space<vmem>>, vector<1x16xf32>,
        %get3A_95 = vector.shape_cast %get3A_94 : vector<1x16xf32> to vector<16xf32>
        %max3A_96 = arith.maximumf %max3A_87, %get3A_95 : vector<16xf32>
        %mul3A_97 = arith.constant 16 : i32
        %mul3A_98 = arith.muli %scan3A_56, %mul3A_97 : i32
        %add3A_99 = arith.constant 5 : i32
        %add3A_100 = arith.addi %mul3A_98, %add3A_99 : i32
        %get3A_101 = arith.index_cast %add3A_100 : i32 to index
        %get3A_102 = arith.constant 0 : index
        %get3A_103 = tpu.vector_load %arg8[%get3A_101, %get3A_102] {strides = array<i32>} : memref<256x128xf32, #tpu.memory_space<vmem>>, vector<1x16xf32>,
        %get3A_104 = vector.shape_cast %get3A_103 : vector<1x16xf32> to vector<16xf32>
        %max3A_105 = arith.maximumf %max3A_96, %get3A_104 : vector<16xf32>
        %mul3A_106 = arith.constant 16 : i32
        %mul3A_107 = arith.muli %scan3A_56, %mul3A_106 : i32
        %add3A_108 = arith.constant 6 : i32
        %add3A_109 = arith.addi %mul3A_107, %add3A_108 : i32
        %get3A_110 = arith.index_cast %add3A_109 : i32 to index
        %get3A_111 = arith.constant 0 : index
        %get3A_112 = tpu.vector_load %arg8[%get3A_110, %get3A_111] {strides = array<i32>} : memref<256x128xf32, #tpu.memory_space<vmem>>, vector<1x16xf32>,
        %get3A_113 = vector.shape_cast %get3A_112 : vector<1x16xf32> to vector<16xf32>
        %max3A_114 = arith.maximumf %max3A_105, %get3A_113 : vector<16xf32>
        %mul3A_115 = arith.constant 16 : i32
        %mul3A_116 = arith.muli %scan3A_56, %mul3A_115 : i32
        %add3A_117 = arith.constant 7 : i32
        %add3A_118 = arith.addi %mul3A_116, %add3A_117 : i32
        %get3A_119 = arith.index_cast %add3A_118 : i32 to index
        %get3A_120 = arith.constant 0 : index
        %get3A_121 = tpu.vector_load %arg8[%get3A_119, %get3A_120] {strides = array<i32>} : memref<256x128xf32, #tpu.memory_space<vmem>>, vector<1x16xf32>,
        %get3A_122 = vector.shape_cast %get3A_121 : vector<1x16xf32> to vector<16xf32>
        %max3A_123 = arith.maximumf %max3A_114, %get3A_122 : vector<16xf32>
        %mul3A_124 = arith.constant 16 : i32
        %mul3A_125 = arith.muli %scan3A_56, %mul3A_124 : i32
        %add3A_126 = arith.constant 8 : i32
        %add3A_127 = arith.addi %mul3A_125, %add3A_126 : i32
        %get3A_128 = arith.index_cast %add3A_127 : i32 to index
        %get3A_129 = arith.constant 0 : index
        %get3A_130 = tpu.vector_load %arg8[%get3A_128, %get3A_129] {strides = array<i32>} : memref<256x128xf32, #tpu.memory_space<vmem>>, vector<1x16xf32>,
        %get3A_131 = vector.shape_cast %get3A_130 : vector<1x16xf32> to vector<16xf32>
        %max3A_132 = arith.maximumf %max3A_123, %get3A_131 : vector<16xf32>
        %mul3A_133 = arith.constant 16 : i32
        %mul3A_134 = arith.muli %scan3A_56, %mul3A_133 : i32
        %add3A_135 = arith.constant 9 : i32
        %add3A_136 = arith.addi %mul3A_134, %add3A_135 : i32
        %get3A_137 = arith.index_cast %add3A_136 : i32 to index
        %get3A_138 = arith.constant 0 : index
        %get3A_139 = tpu.vector_load %arg8[%get3A_137, %get3A_138] {strides = array<i32>} : memref<256x128xf32, #tpu.memory_space<vmem>>, vector<1x16xf32>,
        %get3A_140 = vector.shape_cast %get3A_139 : vector<1x16xf32> to vector<16xf32>
        %max3A_141 = arith.maximumf %max3A_132, %get3A_140 : vector<16xf32>
        %mul3A_142 = arith.constant 16 : i32
        %mul3A_143 = arith.muli %scan3A_56, %mul3A_142 : i32
        %add3A_144 = arith.constant 10 : i32
        %add3A_145 = arith.addi %mul3A_143, %add3A_144 : i32
        %get3A_146 = arith.index_cast %add3A_145 : i32 to index
        %get3A_147 = arith.constant 0 : index
        %get3A_148 = tpu.vector_load %arg8[%get3A_146, %get3A_147] {strides = array<i32>} : memref<256x128xf32, #tpu.memory_space<vmem>>, vector<1x16xf32>,
        %get3A_149 = vector.shape_cast %get3A_148 : vector<1x16xf32> to vector<16xf32>
        %max3A_150 = arith.maximumf %max3A_141, %get3A_149 : vector<16xf32>
        %mul3A_151 = arith.constant 16 : i32
        %mul3A_152 = arith.muli %scan3A_56, %mul3A_151 : i32
        %add3A_153 = arith.constant 11 : i32
        %add3A_154 = arith.addi %mul3A_152, %add3A_153 : i32
        %get3A_155 = arith.index_cast %add3A_154 : i32 to index
        %get3A_156 = arith.constant 0 : index
        %get3A_157 = tpu.vector_load %arg8[%get3A_155, %get3A_156] {strides = array<i32>} : memref<256x128xf32, #tpu.memory_space<vmem>>, vector<1x16xf32>,
        %get3A_158 = vector.shape_cast %get3A_157 : vector<1x16xf32> to vector<16xf32>
        %max3A_159 = arith.maximumf %max3A_150, %get3A_158 : vector<16xf32>
        %mul3A_160 = arith.constant 16 : i32
        %mul3A_161 = arith.muli %scan3A_56, %mul3A_160 : i32
        %add3A_162 = arith.constant 12 : i32
        %add3A_163 = arith.addi %mul3A_161, %add3A_162 : i32
        %get3A_164 = arith.index_cast %add3A_163 : i32 to index
        %get3A_165 = arith.constant 0 : index
        %get3A_166 = tpu.vector_load %arg8[%get3A_164, %get3A_165] {strides = array<i32>} : memref<256x128xf32, #tpu.memory_space<vmem>>, vector<1x16xf32>,
        %get3A_167 = vector.shape_cast %get3A_166 : vector<1x16xf32> to vector<16xf32>
        %max3A_168 = arith.maximumf %max3A_159, %get3A_167 : vector<16xf32>
        %mul3A_169 = arith.constant 16 : i32
        %mul3A_170 = arith.muli %scan3A_56, %mul3A_169 : i32
        %add3A_171 = arith.constant 13 : i32
        %add3A_172 = arith.addi %mul3A_170, %add3A_171 : i32
        %get3A_173 = arith.index_cast %add3A_172 : i32 to index
        %get3A_174 = arith.constant 0 : index
        %get3A_175 = tpu.vector_load %arg8[%get3A_173, %get3A_174] {strides = array<i32>} : memref<256x128xf32, #tpu.memory_space<vmem>>, vector<1x16xf32>,
        %get3A_176 = vector.shape_cast %get3A_175 : vector<1x16xf32> to vector<16xf32>
        %max3A_177 = arith.maximumf %max3A_168, %get3A_176 : vector<16xf32>
        %mul3A_178 = arith.constant 16 : i32
        %mul3A_179 = arith.muli %scan3A_56, %mul3A_178 : i32
        %add3A_180 = arith.constant 14 : i32
        %add3A_181 = arith.addi %mul3A_179, %add3A_180 : i32
        %get3A_182 = arith.index_cast %add3A_181 : i32 to index
        %get3A_183 = arith.constant 0 : index
        %get3A_184 = tpu.vector_load %arg8[%get3A_182, %get3A_183] {strides = array<i32>} : memref<256x128xf32, #tpu.memory_space<vmem>>, vector<1x16xf32>,
        %get3A_185 = vector.shape_cast %get3A_184 : vector<1x16xf32> to vector<16xf32>
        %max3A_186 = arith.maximumf %max3A_177, %get3A_185 : vector<16xf32>
        %mul3A_187 = arith.constant 16 : i32
        %mul3A_188 = arith.muli %scan3A_56, %mul3A_187 : i32
        %add3A_189 = arith.constant 15 : i32
        %add3A_190 = arith.addi %mul3A_188, %add3A_189 : i32
        %get3A_191 = arith.index_cast %add3A_190 : i32 to index
        %get3A_192 = arith.constant 0 : index
        %get3A_193 = tpu.vector_load %arg8[%get3A_191, %get3A_192] {strides = array<i32>} : memref<256x128xf32, #tpu.memory_space<vmem>>, vector<1x16xf32>,
        %get3A_194 = vector.shape_cast %get3A_193 : vector<1x16xf32> to vector<16xf32>
        %max3A_195 = arith.maximumf %max3A_186, %get3A_194 : vector<16xf32>
        %swap3A = arith.index_cast %scan3A_56 : i32 to index
        %swap3A_196 = arith.constant 0 : index
        %swap3A_197 = tpu.vector_load %arg9[%swap3A, %swap3A_196] {strides = array<i32>} : memref<16x128xf32, #tpu.memory_space<vmem>>, vector<1x16xf32>,
        %swap3A_198 = vector.shape_cast %swap3A_197 : vector<1x16xf32> to vector<16xf32>
        %swap3A_199 = vector.shape_cast %max3A_195 : vector<16xf32> to vector<1x16xf32>
        tpu.vector_store %arg9[%swap3A, %swap3A_196], %swap3A_199 {strides = array<i32>} : memref<16x128xf32, #tpu.memory_space<vmem>>, vector<1x16xf32>,
        %mul3A_200 = arith.constant 16 : i32
        %mul3A_201 = arith.muli %scan3A_56, %mul3A_200 : i32
        %get3A_202 = arith.index_cast %mul3A_201 : i32 to index
        %get3A_203 = arith.constant 16 : index
        %get3A_204 = tpu.vector_load %arg8[%get3A_202, %get3A_203] {strides = array<i32>} : memref<256x128xf32, #tpu.memory_space<vmem>>, vector<1x16xf32>,
        %get3A_205 = vector.shape_cast %get3A_204 : vector<1x16xf32> to vector<16xf32>
        %mul3A_206 = arith.constant 16 : i32
        %mul3A_207 = arith.muli %scan3A_56, %mul3A_206 : i32
        %add3A_208 = arith.constant 1 : i32
        %add3A_209 = arith.addi %mul3A_207, %add3A_208 : i32
        %get3A_210 = arith.index_cast %add3A_209 : i32 to index
        %get3A_211 = arith.constant 16 : index
        %get3A_212 = tpu.vector_load %arg8[%get3A_210, %get3A_211] {strides = array<i32>} : memref<256x128xf32, #tpu.memory_space<vmem>>, vector<1x16xf32>,
        %get3A_213 = vector.shape_cast %get3A_212 : vector<1x16xf32> to vector<16xf32>
        %max3A_214 = arith.maximumf %get3A_205, %get3A_213 : vector<16xf32>
        %mul3A_215 = arith.constant 16 : i32
        %mul3A_216 = arith.muli %scan3A_56, %mul3A_215 : i32
        %add3A_217 = arith.constant 2 : i32
        %add3A_218 = arith.addi %mul3A_216, %add3A_217 : i32
        %get3A_219 = arith.index_cast %add3A_218 : i32 to index
        %get3A_220 = arith.constant 16 : index
        %get3A_221 = tpu.vector_load %arg8[%get3A_219, %get3A_220] {strides = array<i32>} : memref<256x128xf32, #tpu.memory_space<vmem>>, vector<1x16xf32>,
        %get3A_222 = vector.shape_cast %get3A_221 : vector<1x16xf32> to vector<16xf32>
        %max3A_223 = arith.maximumf %max3A_214, %get3A_222 : vector<16xf32>
        %mul3A_224 = arith.constant 16 : i32
        %mul3A_225 = arith.muli %scan3A_56, %mul3A_224 : i32
        %add3A_226 = arith.constant 3 : i32
        %add3A_227 = arith.addi %mul3A_225, %add3A_226 : i32
        %get3A_228 = arith.index_cast %add3A_227 : i32 to index
        %get3A_229 = arith.constant 16 : index
        %get3A_230 = tpu.vector_load %arg8[%get3A_228, %get3A_229] {strides = array<i32>} : memref<256x128xf32, #tpu.memory_space<vmem>>, vector<1x16xf32>,
        %get3A_231 = vector.shape_cast %get3A_230 : vector<1x16xf32> to vector<16xf32>
        %max3A_232 = arith.maximumf %max3A_223, %get3A_231 : vector<16xf32>
        %mul3A_233 = arith.constant 16 : i32
        %mul3A_234 = arith.muli %scan3A_56, %mul3A_233 : i32
        %add3A_235 = arith.constant 4 : i32
        %add3A_236 = arith.addi %mul3A_234, %add3A_235 : i32
        %get3A_237 = arith.index_cast %add3A_236 : i32 to index
        %get3A_238 = arith.constant 16 : index
        %get3A_239 = tpu.vector_load %arg8[%get3A_237, %get3A_238] {strides = array<i32>} : memref<256x128xf32, #tpu.memory_space<vmem>>, vector<1x16xf32>,
        %get3A_240 = vector.shape_cast %get3A_239 : vector<1x16xf32> to vector<16xf32>
        %max3A_241 = arith.maximumf %max3A_232, %get3A_240 : vector<16xf32>
        %mul3A_242 = arith.constant 16 : i32
        %mul3A_243 = arith.muli %scan3A_56, %mul3A_242 : i32
        %add3A_244 = arith.constant 5 : i32
        %add3A_245 = arith.addi %mul3A_243, %add3A_244 : i32
        %get3A_246 = arith.index_cast %add3A_245 : i32 to index
        %get3A_247 = arith.constant 16 : index
        %get3A_248 = tpu.vector_load %arg8[%get3A_246, %get3A_247] {strides = array<i32>} : memref<256x128xf32, #tpu.memory_space<vmem>>, vector<1x16xf32>,
        %get3A_249 = vector.shape_cast %get3A_248 : vector<1x16xf32> to vector<16xf32>
        %max3A_250 = arith.maximumf %max3A_241, %get3A_249 : vector<16xf32>
        %mul3A_251 = arith.constant 16 : i32
        %mul3A_252 = arith.muli %scan3A_56, %mul3A_251 : i32
        %add3A_253 = arith.constant 6 : i32
        %add3A_254 = arith.addi %mul3A_252, %add3A_253 : i32
        %get3A_255 = arith.index_cast %add3A_254 : i32 to index
        %get3A_256 = arith.constant 16 : index
        %get3A_257 = tpu.vector_load %arg8[%get3A_255, %get3A_256] {strides = array<i32>} : memref<256x128xf32, #tpu.memory_space<vmem>>, vector<1x16xf32>,
        %get3A_258 = vector.shape_cast %get3A_257 : vector<1x16xf32> to vector<16xf32>
        %max3A_259 = arith.maximumf %max3A_250, %get3A_258 : vector<16xf32>
        %mul3A_260 = arith.constant 16 : i32
        %mul3A_261 = arith.muli %scan3A_56, %mul3A_260 : i32
        %add3A_262 = arith.constant 7 : i32
        %add3A_263 = arith.addi %mul3A_261, %add3A_262 : i32
        %get3A_264 = arith.index_cast %add3A_263 : i32 to index
        %get3A_265 = arith.constant 16 : index
        %get3A_266 = tpu.vector_load %arg8[%get3A_264, %get3A_265] {strides = array<i32>} : memref<256x128xf32, #tpu.memory_space<vmem>>, vector<1x16xf32>,
        %get3A_267 = vector.shape_cast %get3A_266 : vector<1x16xf32> to vector<16xf32>
        %max3A_268 = arith.maximumf %max3A_259, %get3A_267 : vector<16xf32>
        %mul3A_269 = arith.constant 16 : i32
        %mul3A_270 = arith.muli %scan3A_56, %mul3A_269 : i32
        %add3A_271 = arith.constant 8 : i32
        %add3A_272 = arith.addi %mul3A_270, %add3A_271 : i32
        %get3A_273 = arith.index_cast %add3A_272 : i32 to index
        %get3A_274 = arith.constant 16 : index
        %get3A_275 = tpu.vector_load %arg8[%get3A_273, %get3A_274] {strides = array<i32>} : memref<256x128xf32, #tpu.memory_space<vmem>>, vector<1x16xf32>,
        %get3A_276 = vector.shape_cast %get3A_275 : vector<1x16xf32> to vector<16xf32>
        %max3A_277 = arith.maximumf %max3A_268, %get3A_276 : vector<16xf32>
        %mul3A_278 = arith.constant 16 : i32
        %mul3A_279 = arith.muli %scan3A_56, %mul3A_278 : i32
        %add3A_280 = arith.constant 9 : i32
        %add3A_281 = arith.addi %mul3A_279, %add3A_280 : i32
        %get3A_282 = arith.index_cast %add3A_281 : i32 to index
        %get3A_283 = arith.constant 16 : index
        %get3A_284 = tpu.vector_load %arg8[%get3A_282, %get3A_283] {strides = array<i32>} : memref<256x128xf32, #tpu.memory_space<vmem>>, vector<1x16xf32>,
        %get3A_285 = vector.shape_cast %get3A_284 : vector<1x16xf32> to vector<16xf32>
        %max3A_286 = arith.maximumf %max3A_277, %get3A_285 : vector<16xf32>
        %mul3A_287 = arith.constant 16 : i32
        %mul3A_288 = arith.muli %scan3A_56, %mul3A_287 : i32
        %add3A_289 = arith.constant 10 : i32
        %add3A_290 = arith.addi %mul3A_288, %add3A_289 : i32
        %get3A_291 = arith.index_cast %add3A_290 : i32 to index
        %get3A_292 = arith.constant 16 : index
        %get3A_293 = tpu.vector_load %arg8[%get3A_291, %get3A_292] {strides = array<i32>} : memref<256x128xf32, #tpu.memory_space<vmem>>, vector<1x16xf32>,
        %get3A_294 = vector.shape_cast %get3A_293 : vector<1x16xf32> to vector<16xf32>
        %max3A_295 = arith.maximumf %max3A_286, %get3A_294 : vector<16xf32>
        %mul3A_296 = arith.constant 16 : i32
        %mul3A_297 = arith.muli %scan3A_56, %mul3A_296 : i32
        %add3A_298 = arith.constant 11 : i32
        %add3A_299 = arith.addi %mul3A_297, %add3A_298 : i32
        %get3A_300 = arith.index_cast %add3A_299 : i32 to index
        %get3A_301 = arith.constant 16 : index
        %get3A_302 = tpu.vector_load %arg8[%get3A_300, %get3A_301] {strides = array<i32>} : memref<256x128xf32, #tpu.memory_space<vmem>>, vector<1x16xf32>,
        %get3A_303 = vector.shape_cast %get3A_302 : vector<1x16xf32> to vector<16xf32>
        %max3A_304 = arith.maximumf %max3A_295, %get3A_303 : vector<16xf32>
        %mul3A_305 = arith.constant 16 : i32
        %mul3A_306 = arith.muli %scan3A_56, %mul3A_305 : i32
        %add3A_307 = arith.constant 12 : i32
        %add3A_308 = arith.addi %mul3A_306, %add3A_307 : i32
        %get3A_309 = arith.index_cast %add3A_308 : i32 to index
        %get3A_310 = arith.constant 16 : index
        %get3A_311 = tpu.vector_load %arg8[%get3A_309, %get3A_310] {strides = array<i32>} : memref<256x128xf32, #tpu.memory_space<vmem>>, vector<1x16xf32>,
        %get3A_312 = vector.shape_cast %get3A_311 : vector<1x16xf32> to vector<16xf32>
        %max3A_313 = arith.maximumf %max3A_304, %get3A_312 : vector<16xf32>
        %mul3A_314 = arith.constant 16 : i32
        %mul3A_315 = arith.muli %scan3A_56, %mul3A_314 : i32
        %add3A_316 = arith.constant 13 : i32
        %add3A_317 = arith.addi %mul3A_315, %add3A_316 : i32
        %get3A_318 = arith.index_cast %add3A_317 : i32 to index
        %get3A_319 = arith.constant 16 : index
        %get3A_320 = tpu.vector_load %arg8[%get3A_318, %get3A_319] {strides = array<i32>} : memref<256x128xf32, #tpu.memory_space<vmem>>, vector<1x16xf32>,
        %get3A_321 = vector.shape_cast %get3A_320 : vector<1x16xf32> to vector<16xf32>
        %max3A_322 = arith.maximumf %max3A_313, %get3A_321 : vector<16xf32>
        %mul3A_323 = arith.constant 16 : i32
        %mul3A_324 = arith.muli %scan3A_56, %mul3A_323 : i32
        %add3A_325 = arith.constant 14 : i32
        %add3A_326 = arith.addi %mul3A_324, %add3A_325 : i32
        %get3A_327 = arith.index_cast %add3A_326 : i32 to index
        %get3A_328 = arith.constant 16 : index
        %get3A_329 = tpu.vector_load %arg8[%get3A_327, %get3A_328] {strides = array<i32>} : memref<256x128xf32, #tpu.memory_space<vmem>>, vector<1x16xf32>,
        %get3A_330 = vector.shape_cast %get3A_329 : vector<1x16xf32> to vector<16xf32>
        %max3A_331 = arith.maximumf %max3A_322, %get3A_330 : vector<16xf32>
        %mul3A_332 = arith.constant 16 : i32
        %mul3A_333 = arith.muli %scan3A_56, %mul3A_332 : i32
        %add3A_334 = arith.constant 15 : i32
        %add3A_335 = arith.addi %mul3A_333, %add3A_334 : i32
        %get3A_336 = arith.index_cast %add3A_335 : i32 to index
        %get3A_337 = arith.constant 16 : index
        %get3A_338 = tpu.vector_load %arg8[%get3A_336, %get3A_337] {strides = array<i32>} : memref<256x128xf32, #tpu.memory_space<vmem>>, vector<1x16xf32>,
        %get3A_339 = vector.shape_cast %get3A_338 : vector<1x16xf32> to vector<16xf32>
        %max3A_340 = arith.maximumf %max3A_331, %get3A_339 : vector<16xf32>
        %swap3A_341 = arith.index_cast %scan3A_56 : i32 to index
        %swap3A_342 = arith.constant 16 : index
        %swap3A_343 = tpu.vector_load %arg9[%swap3A_341, %swap3A_342] {strides = array<i32>} : memref<16x128xf32, #tpu.memory_space<vmem>>, vector<1x16xf32>,
        %swap3A_344 = vector.shape_cast %swap3A_343 : vector<1x16xf32> to vector<16xf32>
        %swap3A_345 = vector.shape_cast %max3A_340 : vector<16xf32> to vector<1x16xf32>
        tpu.vector_store %arg9[%swap3A_341, %swap3A_342], %swap3A_345 {strides = array<i32>} : memref<16x128xf32, #tpu.memory_space<vmem>>, vector<1x16xf32>,
        %mul3A_346 = arith.constant 16 : i32
        %mul3A_347 = arith.muli %scan3A_56, %mul3A_346 : i32
        %get3A_348 = arith.index_cast %mul3A_347 : i32 to index
        %get3A_349 = arith.constant 32 : index
        %get3A_350 = tpu.vector_load %arg8[%get3A_348, %get3A_349] {strides = array<i32>} : memref<256x128xf32, #tpu.memory_space<vmem>>, vector<1x16xf32>,
        %get3A_351 = vector.shape_cast %get3A_350 : vector<1x16xf32> to vector<16xf32>
        %mul3A_352 = arith.constant 16 : i32
        %mul3A_353 = arith.muli %scan3A_56, %mul3A_352 : i32
        %add3A_354 = arith.constant 1 : i32
        %add3A_355 = arith.addi %mul3A_353, %add3A_354 : i32
        %get3A_356 = arith.index_cast %add3A_355 : i32 to index
        %get3A_357 = arith.constant 32 : index
        %get3A_358 = tpu.vector_load %arg8[%get3A_356, %get3A_357] {strides = array<i32>} : memref<256x128xf32, #tpu.memory_space<vmem>>, vector<1x16xf32>,
        %get3A_359 = vector.shape_cast %get3A_358 : vector<1x16xf32> to vector<16xf32>
        %max3A_360 = arith.maximumf %get3A_351, %get3A_359 : vector<16xf32>
        %mul3A_361 = arith.constant 16 : i32
        %mul3A_362 = arith.muli %scan3A_56, %mul3A_361 : i32
        %add3A_363 = arith.constant 2 : i32
        %add3A_364 = arith.addi %mul3A_362, %add3A_363 : i32
        %get3A_365 = arith.index_cast %add3A_364 : i32 to index
        %get3A_366 = arith.constant 32 : index
        %get3A_367 = tpu.vector_load %arg8[%get3A_365, %get3A_366] {strides = array<i32>} : memref<256x128xf32, #tpu.memory_space<vmem>>, vector<1x16xf32>,
        %get3A_368 = vector.shape_cast %get3A_367 : vector<1x16xf32> to vector<16xf32>
        %max3A_369 = arith.maximumf %max3A_360, %get3A_368 : vector<16xf32>
        %mul3A_370 = arith.constant 16 : i32
        %mul3A_371 = arith.muli %scan3A_56, %mul3A_370 : i32
        %add3A_372 = arith.constant 3 : i32
        %add3A_373 = arith.addi %mul3A_371, %add3A_372 : i32
        %get3A_374 = arith.index_cast %add3A_373 : i32 to index
        %get3A_375 = arith.constant 32 : index
        %get3A_376 = tpu.vector_load %arg8[%get3A_374, %get3A_375] {strides = array<i32>} : memref<256x128xf32, #tpu.memory_space<vmem>>, vector<1x16xf32>,
        %get3A_377 = vector.shape_cast %get3A_376 : vector<1x16xf32> to vector<16xf32>
        %max3A_378 = arith.maximumf %max3A_369, %get3A_377 : vector<16xf32>
        %mul3A_379 = arith.constant 16 : i32
        %mul3A_380 = arith.muli %scan3A_56, %mul3A_379 : i32
        %add3A_381 = arith.constant 4 : i32
        %add3A_382 = arith.addi %mul3A_380, %add3A_381 : i32
        %get3A_383 = arith.index_cast %add3A_382 : i32 to index
        %get3A_384 = arith.constant 32 : index
        %get3A_385 = tpu.vector_load %arg8[%get3A_383, %get3A_384] {strides = array<i32>} : memref<256x128xf32, #tpu.memory_space<vmem>>, vector<1x16xf32>,
        %get3A_386 = vector.shape_cast %get3A_385 : vector<1x16xf32> to vector<16xf32>
        %max3A_387 = arith.maximumf %max3A_378, %get3A_386 : vector<16xf32>
        %mul3A_388 = arith.constant 16 : i32
        %mul3A_389 = arith.muli %scan3A_56, %mul3A_388 : i32
        %add3A_390 = arith.constant 5 : i32
        %add3A_391 = arith.addi %mul3A_389, %add3A_390 : i32
        %get3A_392 = arith.index_cast %add3A_391 : i32 to index
        %get3A_393 = arith.constant 32 : index
        %get3A_394 = tpu.vector_load %arg8[%get3A_392, %get3A_393] {strides = array<i32>} : memref<256x128xf32, #tpu.memory_space<vmem>>, vector<1x16xf32>,
        %get3A_395 = vector.shape_cast %get3A_394 : vector<1x16xf32> to vector<16xf32>
        %max3A_396 = arith.maximumf %max3A_387, %get3A_395 : vector<16xf32>
        %mul3A_397 = arith.constant 16 : i32
        %mul3A_398 = arith.muli %scan3A_56, %mul3A_397 : i32
        %add3A_399 = arith.constant 6 : i32
        %add3A_400 = arith.addi %mul3A_398, %add3A_399 : i32
        %get3A_401 = arith.index_cast %add3A_400 : i32 to index
        %get3A_402 = arith.constant 32 : index
        %get3A_403 = tpu.vector_load %arg8[%get3A_401, %get3A_402] {strides = array<i32>} : memref<256x128xf32, #tpu.memory_space<vmem>>, vector<1x16xf32>,
        %get3A_404 = vector.shape_cast %get3A_403 : vector<1x16xf32> to vector<16xf32>
        %max3A_405 = arith.maximumf %max3A_396, %get3A_404 : vector<16xf32>
        %mul3A_406 = arith.constant 16 : i32
        %mul3A_407 = arith.muli %scan3A_56, %mul3A_406 : i32
        %add3A_408 = arith.constant 7 : i32
        %add3A_409 = arith.addi %mul3A_407, %add3A_408 : i32
        %get3A_410 = arith.index_cast %add3A_409 : i32 to index
        %get3A_411 = arith.constant 32 : index
        %get3A_412 = tpu.vector_load %arg8[%get3A_410, %get3A_411] {strides = array<i32>} : memref<256x128xf32, #tpu.memory_space<vmem>>, vector<1x16xf32>,
        %get3A_413 = vector.shape_cast %get3A_412 : vector<1x16xf32> to vector<16xf32>
        %max3A_414 = arith.maximumf %max3A_405, %get3A_413 : vector<16xf32>
        %mul3A_415 = arith.constant 16 : i32
        %mul3A_416 = arith.muli %scan3A_56, %mul3A_415 : i32
        %add3A_417 = arith.constant 8 : i32
        %add3A_418 = arith.addi %mul3A_416, %add3A_417 : i32
        %get3A_419 = arith.index_cast %add3A_418 : i32 to index
        %get3A_420 = arith.constant 32 : index
        %get3A_421 = tpu.vector_load %arg8[%get3A_419, %get3A_420] {strides = array<i32>} : memref<256x128xf32, #tpu.memory_space<vmem>>, vector<1x16xf32>,
        %get3A_422 = vector.shape_cast %get3A_421 : vector<1x16xf32> to vector<16xf32>
        %max3A_423 = arith.maximumf %max3A_414, %get3A_422 : vector<16xf32>
        %mul3A_424 = arith.constant 16 : i32
        %mul3A_425 = arith.muli %scan3A_56, %mul3A_424 : i32
        %add3A_426 = arith.constant 9 : i32
        %add3A_427 = arith.addi %mul3A_425, %add3A_426 : i32
        %get3A_428 = arith.index_cast %add3A_427 : i32 to index
        %get3A_429 = arith.constant 32 : index
        %get3A_430 = tpu.vector_load %arg8[%get3A_428, %get3A_429] {strides = array<i32>} : memref<256x128xf32, #tpu.memory_space<vmem>>, vector<1x16xf32>,
        %get3A_431 = vector.shape_cast %get3A_430 : vector<1x16xf32> to vector<16xf32>
        %max3A_432 = arith.maximumf %max3A_423, %get3A_431 : vector<16xf32>
        %mul3A_433 = arith.constant 16 : i32
        %mul3A_434 = arith.muli %scan3A_56, %mul3A_433 : i32
        %add3A_435 = arith.constant 10 : i32
        %add3A_436 = arith.addi %mul3A_434, %add3A_435 : i32
        %get3A_437 = arith.index_cast %add3A_436 : i32 to index
        %get3A_438 = arith.constant 32 : index
        %get3A_439 = tpu.vector_load %arg8[%get3A_437, %get3A_438] {strides = array<i32>} : memref<256x128xf32, #tpu.memory_space<vmem>>, vector<1x16xf32>,
        %get3A_440 = vector.shape_cast %get3A_439 : vector<1x16xf32> to vector<16xf32>
        %max3A_441 = arith.maximumf %max3A_432, %get3A_440 : vector<16xf32>
        %mul3A_442 = arith.constant 16 : i32
        %mul3A_443 = arith.muli %scan3A_56, %mul3A_442 : i32
        %add3A_444 = arith.constant 11 : i32
        %add3A_445 = arith.addi %mul3A_443, %add3A_444 : i32
        %get3A_446 = arith.index_cast %add3A_445 : i32 to index
        %get3A_447 = arith.constant 32 : index
        %get3A_448 = tpu.vector_load %arg8[%get3A_446, %get3A_447] {strides = array<i32>} : memref<256x128xf32, #tpu.memory_space<vmem>>, vector<1x16xf32>,
        %get3A_449 = vector.shape_cast %get3A_448 : vector<1x16xf32> to vector<16xf32>
        %max3A_450 = arith.maximumf %max3A_441, %get3A_449 : vector<16xf32>
        %mul3A_451 = arith.constant 16 : i32
        %mul3A_452 = arith.muli %scan3A_56, %mul3A_451 : i32
        %add3A_453 = arith.constant 12 : i32
        %add3A_454 = arith.addi %mul3A_452, %add3A_453 : i32
        %get3A_455 = arith.index_cast %add3A_454 : i32 to index
        %get3A_456 = arith.constant 32 : index
        %get3A_457 = tpu.vector_load %arg8[%get3A_455, %get3A_456] {strides = array<i32>} : memref<256x128xf32, #tpu.memory_space<vmem>>, vector<1x16xf32>,
        %get3A_458 = vector.shape_cast %get3A_457 : vector<1x16xf32> to vector<16xf32>
        %max3A_459 = arith.maximumf %max3A_450, %get3A_458 : vector<16xf32>
        %mul3A_460 = arith.constant 16 : i32
        %mul3A_461 = arith.muli %scan3A_56, %mul3A_460 : i32
        %add3A_462 = arith.constant 13 : i32
        %add3A_463 = arith.addi %mul3A_461, %add3A_462 : i32
        %get3A_464 = arith.index_cast %add3A_463 : i32 to index
        %get3A_465 = arith.constant 32 : index
        %get3A_466 = tpu.vector_load %arg8[%get3A_464, %get3A_465] {strides = array<i32>} : memref<256x128xf32, #tpu.memory_space<vmem>>, vector<1x16xf32>,
        %get3A_467 = vector.shape_cast %get3A_466 : vector<1x16xf32> to vector<16xf32>
        %max3A_468 = arith.maximumf %max3A_459, %get3A_467 : vector<16xf32>
        %mul3A_469 = arith.constant 16 : i32
        %mul3A_470 = arith.muli %scan3A_56, %mul3A_469 : i32
        %add3A_471 = arith.constant 14 : i32
        %add3A_472 = arith.addi %mul3A_470, %add3A_471 : i32
        %get3A_473 = arith.index_cast %add3A_472 : i32 to index
        %get3A_474 = arith.constant 32 : index
        %get3A_475 = tpu.vector_load %arg8[%get3A_473, %get3A_474] {strides = array<i32>} : memref<256x128xf32, #tpu.memory_space<vmem>>, vector<1x16xf32>,
        %get3A_476 = vector.shape_cast %get3A_475 : vector<1x16xf32> to vector<16xf32>
        %max3A_477 = arith.maximumf %max3A_468, %get3A_476 : vector<16xf32>
        %mul3A_478 = arith.constant 16 : i32
        %mul3A_479 = arith.muli %scan3A_56, %mul3A_478 : i32
        %add3A_480 = arith.constant 15 : i32
        %add3A_481 = arith.addi %mul3A_479, %add3A_480 : i32
        %get3A_482 = arith.index_cast %add3A_481 : i32 to index
        %get3A_483 = arith.constant 32 : index
        %get3A_484 = tpu.vector_load %arg8[%get3A_482, %get3A_483] {strides = array<i32>} : memref<256x128xf32, #tpu.memory_space<vmem>>, vector<1x16xf32>,
        %get3A_485 = vector.shape_cast %get3A_484 : vector<1x16xf32> to vector<16xf32>
        %max3A_486 = arith.maximumf %max3A_477, %get3A_485 : vector<16xf32>
        %swap3A_487 = arith.index_cast %scan3A_56 : i32 to index
        %swap3A_488 = arith.constant 32 : index
        %swap3A_489 = tpu.vector_load %arg9[%swap3A_487, %swap3A_488] {strides = array<i32>} : memref<16x128xf32, #tpu.memory_space<vmem>>, vector<1x16xf32>,
        %swap3A_490 = vector.shape_cast %swap3A_489 : vector<1x16xf32> to vector<16xf32>
        %swap3A_491 = vector.shape_cast %max3A_486 : vector<16xf32> to vector<1x16xf32>
        tpu.vector_store %arg9[%swap3A_487, %swap3A_488], %swap3A_491 {strides = array<i32>} : memref<16x128xf32, #tpu.memory_space<vmem>>, vector<1x16xf32>,
        %mul3A_492 = arith.constant 16 : i32
        %mul3A_493 = arith.muli %scan3A_56, %mul3A_492 : i32
        %get3A_494 = arith.index_cast %mul3A_493 : i32 to index
        %get3A_495 = arith.constant 48 : index
        %get3A_496 = tpu.vector_load %arg8[%get3A_494, %get3A_495] {strides = array<i32>} : memref<256x128xf32, #tpu.memory_space<vmem>>, vector<1x16xf32>,
        %get3A_497 = vector.shape_cast %get3A_496 : vector<1x16xf32> to vector<16xf32>
        %mul3A_498 = arith.constant 16 : i32
        %mul3A_499 = arith.muli %scan3A_56, %mul3A_498 : i32
        %add3A_500 = arith.constant 1 : i32
        %add3A_501 = arith.addi %mul3A_499, %add3A_500 : i32
        %get3A_502 = arith.index_cast %add3A_501 : i32 to index
        %get3A_503 = arith.constant 48 : index
        %get3A_504 = tpu.vector_load %arg8[%get3A_502, %get3A_503] {strides = array<i32>} : memref<256x128xf32, #tpu.memory_space<vmem>>, vector<1x16xf32>,
        %get3A_505 = vector.shape_cast %get3A_504 : vector<1x16xf32> to vector<16xf32>
        %max3A_506 = arith.maximumf %get3A_497, %get3A_505 : vector<16xf32>
        %mul3A_507 = arith.constant 16 : i32
        %mul3A_508 = arith.muli %scan3A_56, %mul3A_507 : i32
        %add3A_509 = arith.constant 2 : i32
        %add3A_510 = arith.addi %mul3A_508, %add3A_509 : i32
        %get3A_511 = arith.index_cast %add3A_510 : i32 to index
        %get3A_512 = arith.constant 48 : index
        %get3A_513 = tpu.vector_load %arg8[%get3A_511, %get3A_512] {strides = array<i32>} : memref<256x128xf32, #tpu.memory_space<vmem>>, vector<1x16xf32>,
        %get3A_514 = vector.shape_cast %get3A_513 : vector<1x16xf32> to vector<16xf32>
        %max3A_515 = arith.maximumf %max3A_506, %get3A_514 : vector<16xf32>
        %mul3A_516 = arith.constant 16 : i32
        %mul3A_517 = arith.muli %scan3A_56, %mul3A_516 : i32
        %add3A_518 = arith.constant 3 : i32
        %add3A_519 = arith.addi %mul3A_517, %add3A_518 : i32
        %get3A_520 = arith.index_cast %add3A_519 : i32 to index
        %get3A_521 = arith.constant 48 : index
        %get3A_522 = tpu.vector_load %arg8[%get3A_520, %get3A_521] {strides = array<i32>} : memref<256x128xf32, #tpu.memory_space<vmem>>, vector<1x16xf32>,
        %get3A_523 = vector.shape_cast %get3A_522 : vector<1x16xf32> to vector<16xf32>
        %max3A_524 = arith.maximumf %max3A_515, %get3A_523 : vector<16xf32>
        %mul3A_525 = arith.constant 16 : i32
        %mul3A_526 = arith.muli %scan3A_56, %mul3A_525 : i32
        %add3A_527 = arith.constant 4 : i32
        %add3A_528 = arith.addi %mul3A_526, %add3A_527 : i32
        %get3A_529 = arith.index_cast %add3A_528 : i32 to index
        %get3A_530 = arith.constant 48 : index
        %get3A_531 = tpu.vector_load %arg8[%get3A_529, %get3A_530] {strides = array<i32>} : memref<256x128xf32, #tpu.memory_space<vmem>>, vector<1x16xf32>,
        %get3A_532 = vector.shape_cast %get3A_531 : vector<1x16xf32> to vector<16xf32>
        %max3A_533 = arith.maximumf %max3A_524, %get3A_532 : vector<16xf32>
        %mul3A_534 = arith.constant 16 : i32
        %mul3A_535 = arith.muli %scan3A_56, %mul3A_534 : i32
        %add3A_536 = arith.constant 5 : i32
        %add3A_537 = arith.addi %mul3A_535, %add3A_536 : i32
        %get3A_538 = arith.index_cast %add3A_537 : i32 to index
        %get3A_539 = arith.constant 48 : index
        %get3A_540 = tpu.vector_load %arg8[%get3A_538, %get3A_539] {strides = array<i32>} : memref<256x128xf32, #tpu.memory_space<vmem>>, vector<1x16xf32>,
        %get3A_541 = vector.shape_cast %get3A_540 : vector<1x16xf32> to vector<16xf32>
        %max3A_542 = arith.maximumf %max3A_533, %get3A_541 : vector<16xf32>
        %mul3A_543 = arith.constant 16 : i32
        %mul3A_544 = arith.muli %scan3A_56, %mul3A_543 : i32
        %add3A_545 = arith.constant 6 : i32
        %add3A_546 = arith.addi %mul3A_544, %add3A_545 : i32
        %get3A_547 = arith.index_cast %add3A_546 : i32 to index
        %get3A_548 = arith.constant 48 : index
        %get3A_549 = tpu.vector_load %arg8[%get3A_547, %get3A_548] {strides = array<i32>} : memref<256x128xf32, #tpu.memory_space<vmem>>, vector<1x16xf32>,
        %get3A_550 = vector.shape_cast %get3A_549 : vector<1x16xf32> to vector<16xf32>
        %max3A_551 = arith.maximumf %max3A_542, %get3A_550 : vector<16xf32>
        %mul3A_552 = arith.constant 16 : i32
        %mul3A_553 = arith.muli %scan3A_56, %mul3A_552 : i32
        %add3A_554 = arith.constant 7 : i32
        %add3A_555 = arith.addi %mul3A_553, %add3A_554 : i32
        %get3A_556 = arith.index_cast %add3A_555 : i32 to index
        %get3A_557 = arith.constant 48 : index
        %get3A_558 = tpu.vector_load %arg8[%get3A_556, %get3A_557] {strides = array<i32>} : memref<256x128xf32, #tpu.memory_space<vmem>>, vector<1x16xf32>,
        %get3A_559 = vector.shape_cast %get3A_558 : vector<1x16xf32> to vector<16xf32>
        %max3A_560 = arith.maximumf %max3A_551, %get3A_559 : vector<16xf32>
        %mul3A_561 = arith.constant 16 : i32
        %mul3A_562 = arith.muli %scan3A_56, %mul3A_561 : i32
        %add3A_563 = arith.constant 8 : i32
        %add3A_564 = arith.addi %mul3A_562, %add3A_563 : i32
        %get3A_565 = arith.index_cast %add3A_564 : i32 to index
        %get3A_566 = arith.constant 48 : index
        %get3A_567 = tpu.vector_load %arg8[%get3A_565, %get3A_566] {strides = array<i32>} : memref<256x128xf32, #tpu.memory_space<vmem>>, vector<1x16xf32>,
        %get3A_568 = vector.shape_cast %get3A_567 : vector<1x16xf32> to vector<16xf32>
        %max3A_569 = arith.maximumf %max3A_560, %get3A_568 : vector<16xf32>
        %mul3A_570 = arith.constant 16 : i32
        %mul3A_571 = arith.muli %scan3A_56, %mul3A_570 : i32
        %add3A_572 = arith.constant 9 : i32
        %add3A_573 = arith.addi %mul3A_571, %add3A_572 : i32
        %get3A_574 = arith.index_cast %add3A_573 : i32 to index
        %get3A_575 = arith.constant 48 : index
        %get3A_576 = tpu.vector_load %arg8[%get3A_574, %get3A_575] {strides = array<i32>} : memref<256x128xf32, #tpu.memory_space<vmem>>, vector<1x16xf32>,
        %get3A_577 = vector.shape_cast %get3A_576 : vector<1x16xf32> to vector<16xf32>
        %max3A_578 = arith.maximumf %max3A_569, %get3A_577 : vector<16xf32>
        %mul3A_579 = arith.constant 16 : i32
        %mul3A_580 = arith.muli %scan3A_56, %mul3A_579 : i32
        %add3A_581 = arith.constant 10 : i32
        %add3A_582 = arith.addi %mul3A_580, %add3A_581 : i32
        %get3A_583 = arith.index_cast %add3A_582 : i32 to index
        %get3A_584 = arith.constant 48 : index
        %get3A_585 = tpu.vector_load %arg8[%get3A_583, %get3A_584] {strides = array<i32>} : memref<256x128xf32, #tpu.memory_space<vmem>>, vector<1x16xf32>,
        %get3A_586 = vector.shape_cast %get3A_585 : vector<1x16xf32> to vector<16xf32>
        %max3A_587 = arith.maximumf %max3A_578, %get3A_586 : vector<16xf32>
        %mul3A_588 = arith.constant 16 : i32
        %mul3A_589 = arith.muli %scan3A_56, %mul3A_588 : i32
        %add3A_590 = arith.constant 11 : i32
        %add3A_591 = arith.addi %mul3A_589, %add3A_590 : i32
        %get3A_592 = arith.index_cast %add3A_591 : i32 to index
        %get3A_593 = arith.constant 48 : index
        %get3A_594 = tpu.vector_load %arg8[%get3A_592, %get3A_593] {strides = array<i32>} : memref<256x128xf32, #tpu.memory_space<vmem>>, vector<1x16xf32>,
        %get3A_595 = vector.shape_cast %get3A_594 : vector<1x16xf32> to vector<16xf32>
        %max3A_596 = arith.maximumf %max3A_587, %get3A_595 : vector<16xf32>
        %mul3A_597 = arith.constant 16 : i32
        %mul3A_598 = arith.muli %scan3A_56, %mul3A_597 : i32
        %add3A_599 = arith.constant 12 : i32
        %add3A_600 = arith.addi %mul3A_598, %add3A_599 : i32
        %get3A_601 = arith.index_cast %add3A_600 : i32 to index
        %get3A_602 = arith.constant 48 : index
        %get3A_603 = tpu.vector_load %arg8[%get3A_601, %get3A_602] {strides = array<i32>} : memref<256x128xf32, #tpu.memory_space<vmem>>, vector<1x16xf32>,
        %get3A_604 = vector.shape_cast %get3A_603 : vector<1x16xf32> to vector<16xf32>
        %max3A_605 = arith.maximumf %max3A_596, %get3A_604 : vector<16xf32>
        %mul3A_606 = arith.constant 16 : i32
        %mul3A_607 = arith.muli %scan3A_56, %mul3A_606 : i32
        %add3A_608 = arith.constant 13 : i32
        %add3A_609 = arith.addi %mul3A_607, %add3A_608 : i32
        %get3A_610 = arith.index_cast %add3A_609 : i32 to index
        %get3A_611 = arith.constant 48 : index
        %get3A_612 = tpu.vector_load %arg8[%get3A_610, %get3A_611] {strides = array<i32>} : memref<256x128xf32, #tpu.memory_space<vmem>>, vector<1x16xf32>,
        %get3A_613 = vector.shape_cast %get3A_612 : vector<1x16xf32> to vector<16xf32>
        %max3A_614 = arith.maximumf %max3A_605, %get3A_613 : vector<16xf32>
        %mul3A_615 = arith.constant 16 : i32
        %mul3A_616 = arith.muli %scan3A_56, %mul3A_615 : i32
        %add3A_617 = arith.constant 14 : i32
        %add3A_618 = arith.addi %mul3A_616, %add3A_617 : i32
        %get3A_619 = arith.index_cast %add3A_618 : i32 to index
        %get3A_620 = arith.constant 48 : index
        %get3A_621 = tpu.vector_load %arg8[%get3A_619, %get3A_620] {strides = array<i32>} : memref<256x128xf32, #tpu.memory_space<vmem>>, vector<1x16xf32>,
        %get3A_622 = vector.shape_cast %get3A_621 : vector<1x16xf32> to vector<16xf32>
        %max3A_623 = arith.maximumf %max3A_614, %get3A_622 : vector<16xf32>
        %mul3A_624 = arith.constant 16 : i32
        %mul3A_625 = arith.muli %scan3A_56, %mul3A_624 : i32
        %add3A_626 = arith.constant 15 : i32
        %add3A_627 = arith.addi %mul3A_625, %add3A_626 : i32
        %get3A_628 = arith.index_cast %add3A_627 : i32 to index
        %get3A_629 = arith.constant 48 : index
        %get3A_630 = tpu.vector_load %arg8[%get3A_628, %get3A_629] {strides = array<i32>} : memref<256x128xf32, #tpu.memory_space<vmem>>, vector<1x16xf32>,
        %get3A_631 = vector.shape_cast %get3A_630 : vector<1x16xf32> to vector<16xf32>
        %max3A_632 = arith.maximumf %max3A_623, %get3A_631 : vector<16xf32>
        %swap3A_633 = arith.index_cast %scan3A_56 : i32 to index
        %swap3A_634 = arith.constant 48 : index
        %swap3A_635 = tpu.vector_load %arg9[%swap3A_633, %swap3A_634] {strides = array<i32>} : memref<16x128xf32, #tpu.memory_space<vmem>>, vector<1x16xf32>,
        %swap3A_636 = vector.shape_cast %swap3A_635 : vector<1x16xf32> to vector<16xf32>
        %swap3A_637 = vector.shape_cast %max3A_632 : vector<16xf32> to vector<1x16xf32>
        tpu.vector_store %arg9[%swap3A_633, %swap3A_634], %swap3A_637 {strides = array<i32>} : memref<16x128xf32, #tpu.memory_space<vmem>>, vector<1x16xf32>,
        %mul3A_638 = arith.constant 16 : i32
        %mul3A_639 = arith.muli %scan3A_56, %mul3A_638 : i32
        %get3A_640 = arith.index_cast %mul3A_639 : i32 to index
        %get3A_641 = arith.constant 64 : index
        %get3A_642 = tpu.vector_load %arg8[%get3A_640, %get3A_641] {strides = array<i32>} : memref<256x128xf32, #tpu.memory_space<vmem>>, vector<1x16xf32>,
        %get3A_643 = vector.shape_cast %get3A_642 : vector<1x16xf32> to vector<16xf32>
        %mul3A_644 = arith.constant 16 : i32
        %mul3A_645 = arith.muli %scan3A_56, %mul3A_644 : i32
        %add3A_646 = arith.constant 1 : i32
        %add3A_647 = arith.addi %mul3A_645, %add3A_646 : i32
        %get3A_648 = arith.index_cast %add3A_647 : i32 to index
        %get3A_649 = arith.constant 64 : index
        %get3A_650 = tpu.vector_load %arg8[%get3A_648, %get3A_649] {strides = array<i32>} : memref<256x128xf32, #tpu.memory_space<vmem>>, vector<1x16xf32>,
        %get3A_651 = vector.shape_cast %get3A_650 : vector<1x16xf32> to vector<16xf32>
        %max3A_652 = arith.maximumf %get3A_643, %get3A_651 : vector<16xf32>
        %mul3A_653 = arith.constant 16 : i32
        %mul3A_654 = arith.muli %scan3A_56, %mul3A_653 : i32
        %add3A_655 = arith.constant 2 : i32
        %add3A_656 = arith.addi %mul3A_654, %add3A_655 : i32
        %get3A_657 = arith.index_cast %add3A_656 : i32 to index
        %get3A_658 = arith.constant 64 : index
        %get3A_659 = tpu.vector_load %arg8[%get3A_657, %get3A_658] {strides = array<i32>} : memref<256x128xf32, #tpu.memory_space<vmem>>, vector<1x16xf32>,
        %get3A_660 = vector.shape_cast %get3A_659 : vector<1x16xf32> to vector<16xf32>
        %max3A_661 = arith.maximumf %max3A_652, %get3A_660 : vector<16xf32>
        %mul3A_662 = arith.constant 16 : i32
        %mul3A_663 = arith.muli %scan3A_56, %mul3A_662 : i32
        %add3A_664 = arith.constant 3 : i32
        %add3A_665 = arith.addi %mul3A_663, %add3A_664 : i32
        %get3A_666 = arith.index_cast %add3A_665 : i32 to index
        %get3A_667 = arith.constant 64 : index
        %get3A_668 = tpu.vector_load %arg8[%get3A_666, %get3A_667] {strides = array<i32>} : memref<256x128xf32, #tpu.memory_space<vmem>>, vector<1x16xf32>,
        %get3A_669 = vector.shape_cast %get3A_668 : vector<1x16xf32> to vector<16xf32>
        %max3A_670 = arith.maximumf %max3A_661, %get3A_669 : vector<16xf32>
        %mul3A_671 = arith.constant 16 : i32
        %mul3A_672 = arith.muli %scan3A_56, %mul3A_671 : i32
        %add3A_673 = arith.constant 4 : i32
        %add3A_674 = arith.addi %mul3A_672, %add3A_673 : i32
        %get3A_675 = arith.index_cast %add3A_674 : i32 to index
        %get3A_676 = arith.constant 64 : index
        %get3A_677 = tpu.vector_load %arg8[%get3A_675, %get3A_676] {strides = array<i32>} : memref<256x128xf32, #tpu.memory_space<vmem>>, vector<1x16xf32>,
        %get3A_678 = vector.shape_cast %get3A_677 : vector<1x16xf32> to vector<16xf32>
        %max3A_679 = arith.maximumf %max3A_670, %get3A_678 : vector<16xf32>
        %mul3A_680 = arith.constant 16 : i32
        %mul3A_681 = arith.muli %scan3A_56, %mul3A_680 : i32
        %add3A_682 = arith.constant 5 : i32
        %add3A_683 = arith.addi %mul3A_681, %add3A_682 : i32
        %get3A_684 = arith.index_cast %add3A_683 : i32 to index
        %get3A_685 = arith.constant 64 : index
        %get3A_686 = tpu.vector_load %arg8[%get3A_684, %get3A_685] {strides = array<i32>} : memref<256x128xf32, #tpu.memory_space<vmem>>, vector<1x16xf32>,
        %get3A_687 = vector.shape_cast %get3A_686 : vector<1x16xf32> to vector<16xf32>
        %max3A_688 = arith.maximumf %max3A_679, %get3A_687 : vector<16xf32>
        %mul3A_689 = arith.constant 16 : i32
        %mul3A_690 = arith.muli %scan3A_56, %mul3A_689 : i32
        %add3A_691 = arith.constant 6 : i32
        %add3A_692 = arith.addi %mul3A_690, %add3A_691 : i32
        %get3A_693 = arith.index_cast %add3A_692 : i32 to index
        %get3A_694 = arith.constant 64 : index
        %get3A_695 = tpu.vector_load %arg8[%get3A_693, %get3A_694] {strides = array<i32>} : memref<256x128xf32, #tpu.memory_space<vmem>>, vector<1x16xf32>,
        %get3A_696 = vector.shape_cast %get3A_695 : vector<1x16xf32> to vector<16xf32>
        %max3A_697 = arith.maximumf %max3A_688, %get3A_696 : vector<16xf32>
        %mul3A_698 = arith.constant 16 : i32
        %mul3A_699 = arith.muli %scan3A_56, %mul3A_698 : i32
        %add3A_700 = arith.constant 7 : i32
        %add3A_701 = arith.addi %mul3A_699, %add3A_700 : i32
        %get3A_702 = arith.index_cast %add3A_701 : i32 to index
        %get3A_703 = arith.constant 64 : index
        %get3A_704 = tpu.vector_load %arg8[%get3A_702, %get3A_703] {strides = array<i32>} : memref<256x128xf32, #tpu.memory_space<vmem>>, vector<1x16xf32>,
        %get3A_705 = vector.shape_cast %get3A_704 : vector<1x16xf32> to vector<16xf32>
        %max3A_706 = arith.maximumf %max3A_697, %get3A_705 : vector<16xf32>
        %mul3A_707 = arith.constant 16 : i32
        %mul3A_708 = arith.muli %scan3A_56, %mul3A_707 : i32
        %add3A_709 = arith.constant 8 : i32
        %add3A_710 = arith.addi %mul3A_708, %add3A_709 : i32
        %get3A_711 = arith.index_cast %add3A_710 : i32 to index
        %get3A_712 = arith.constant 64 : index
        %get3A_713 = tpu.vector_load %arg8[%get3A_711, %get3A_712] {strides = array<i32>} : memref<256x128xf32, #tpu.memory_space<vmem>>, vector<1x16xf32>,
        %get3A_714 = vector.shape_cast %get3A_713 : vector<1x16xf32> to vector<16xf32>
        %max3A_715 = arith.maximumf %max3A_706, %get3A_714 : vector<16xf32>
        %mul3A_716 = arith.constant 16 : i32
        %mul3A_717 = arith.muli %scan3A_56, %mul3A_716 : i32
        %add3A_718 = arith.constant 9 : i32
        %add3A_719 = arith.addi %mul3A_717, %add3A_718 : i32
        %get3A_720 = arith.index_cast %add3A_719 : i32 to index
        %get3A_721 = arith.constant 64 : index
        %get3A_722 = tpu.vector_load %arg8[%get3A_720, %get3A_721] {strides = array<i32>} : memref<256x128xf32, #tpu.memory_space<vmem>>, vector<1x16xf32>,
        %get3A_723 = vector.shape_cast %get3A_722 : vector<1x16xf32> to vector<16xf32>
        %max3A_724 = arith.maximumf %max3A_715, %get3A_723 : vector<16xf32>
        %mul3A_725 = arith.constant 16 : i32
        %mul3A_726 = arith.muli %scan3A_56, %mul3A_725 : i32
        %add3A_727 = arith.constant 10 : i32
        %add3A_728 = arith.addi %mul3A_726, %add3A_727 : i32
        %get3A_729 = arith.index_cast %add3A_728 : i32 to index
        %get3A_730 = arith.constant 64 : index
        %get3A_731 = tpu.vector_load %arg8[%get3A_729, %get3A_730] {strides = array<i32>} : memref<256x128xf32, #tpu.memory_space<vmem>>, vector<1x16xf32>,
        %get3A_732 = vector.shape_cast %get3A_731 : vector<1x16xf32> to vector<16xf32>
        %max3A_733 = arith.maximumf %max3A_724, %get3A_732 : vector<16xf32>
        %mul3A_734 = arith.constant 16 : i32
        %mul3A_735 = arith.muli %scan3A_56, %mul3A_734 : i32
        %add3A_736 = arith.constant 11 : i32
        %add3A_737 = arith.addi %mul3A_735, %add3A_736 : i32
        %get3A_738 = arith.index_cast %add3A_737 : i32 to index
        %get3A_739 = arith.constant 64 : index
        %get3A_740 = tpu.vector_load %arg8[%get3A_738, %get3A_739] {strides = array<i32>} : memref<256x128xf32, #tpu.memory_space<vmem>>, vector<1x16xf32>,
        %get3A_741 = vector.shape_cast %get3A_740 : vector<1x16xf32> to vector<16xf32>
        %max3A_742 = arith.maximumf %max3A_733, %get3A_741 : vector<16xf32>
        %mul3A_743 = arith.constant 16 : i32
        %mul3A_744 = arith.muli %scan3A_56, %mul3A_743 : i32
        %add3A_745 = arith.constant 12 : i32
        %add3A_746 = arith.addi %mul3A_744, %add3A_745 : i32
        %get3A_747 = arith.index_cast %add3A_746 : i32 to index
        %get3A_748 = arith.constant 64 : index
        %get3A_749 = tpu.vector_load %arg8[%get3A_747, %get3A_748] {strides = array<i32>} : memref<256x128xf32, #tpu.memory_space<vmem>>, vector<1x16xf32>,
        %get3A_750 = vector.shape_cast %get3A_749 : vector<1x16xf32> to vector<16xf32>
        %max3A_751 = arith.maximumf %max3A_742, %get3A_750 : vector<16xf32>
        %mul3A_752 = arith.constant 16 : i32
        %mul3A_753 = arith.muli %scan3A_56, %mul3A_752 : i32
        %add3A_754 = arith.constant 13 : i32
        %add3A_755 = arith.addi %mul3A_753, %add3A_754 : i32
        %get3A_756 = arith.index_cast %add3A_755 : i32 to index
        %get3A_757 = arith.constant 64 : index
        %get3A_758 = tpu.vector_load %arg8[%get3A_756, %get3A_757] {strides = array<i32>} : memref<256x128xf32, #tpu.memory_space<vmem>>, vector<1x16xf32>,
        %get3A_759 = vector.shape_cast %get3A_758 : vector<1x16xf32> to vector<16xf32>
        %max3A_760 = arith.maximumf %max3A_751, %get3A_759 : vector<16xf32>
        %mul3A_761 = arith.constant 16 : i32
        %mul3A_762 = arith.muli %scan3A_56, %mul3A_761 : i32
        %add3A_763 = arith.constant 14 : i32
        %add3A_764 = arith.addi %mul3A_762, %add3A_763 : i32
        %get3A_765 = arith.index_cast %add3A_764 : i32 to index
        %get3A_766 = arith.constant 64 : index
        %get3A_767 = tpu.vector_load %arg8[%get3A_765, %get3A_766] {strides = array<i32>} : memref<256x128xf32, #tpu.memory_space<vmem>>, vector<1x16xf32>,
        %get3A_768 = vector.shape_cast %get3A_767 : vector<1x16xf32> to vector<16xf32>
        %max3A_769 = arith.maximumf %max3A_760, %get3A_768 : vector<16xf32>
        %mul3A_770 = arith.constant 16 : i32
        %mul3A_771 = arith.muli %scan3A_56, %mul3A_770 : i32
        %add3A_772 = arith.constant 15 : i32
        %add3A_773 = arith.addi %mul3A_771, %add3A_772 : i32
        %get3A_774 = arith.index_cast %add3A_773 : i32 to index
        %get3A_775 = arith.constant 64 : index
        %get3A_776 = tpu.vector_load %arg8[%get3A_774, %get3A_775] {strides = array<i32>} : memref<256x128xf32, #tpu.memory_space<vmem>>, vector<1x16xf32>,
        %get3A_777 = vector.shape_cast %get3A_776 : vector<1x16xf32> to vector<16xf32>
        %max3A_778 = arith.maximumf %max3A_769, %get3A_777 : vector<16xf32>
        %swap3A_779 = arith.index_cast %scan3A_56 : i32 to index
        %swap3A_780 = arith.constant 64 : index
        %swap3A_781 = tpu.vector_load %arg9[%swap3A_779, %swap3A_780] {strides = array<i32>} : memref<16x128xf32, #tpu.memory_space<vmem>>, vector<1x16xf32>,
        %swap3A_782 = vector.shape_cast %swap3A_781 : vector<1x16xf32> to vector<16xf32>
        %swap3A_783 = vector.shape_cast %max3A_778 : vector<16xf32> to vector<1x16xf32>
        tpu.vector_store %arg9[%swap3A_779, %swap3A_780], %swap3A_783 {strides = array<i32>} : memref<16x128xf32, #tpu.memory_space<vmem>>, vector<1x16xf32>,
        %mul3A_784 = arith.constant 16 : i32
        %mul3A_785 = arith.muli %scan3A_56, %mul3A_784 : i32
        %get3A_786 = arith.index_cast %mul3A_785 : i32 to index
        %get3A_787 = arith.constant 80 : index
        %get3A_788 = tpu.vector_load %arg8[%get3A_786, %get3A_787] {strides = array<i32>} : memref<256x128xf32, #tpu.memory_space<vmem>>, vector<1x16xf32>,
        %get3A_789 = vector.shape_cast %get3A_788 : vector<1x16xf32> to vector<16xf32>
        %mul3A_790 = arith.constant 16 : i32
        %mul3A_791 = arith.muli %scan3A_56, %mul3A_790 : i32
        %add3A_792 = arith.constant 1 : i32
        %add3A_793 = arith.addi %mul3A_791, %add3A_792 : i32
        %get3A_794 = arith.index_cast %add3A_793 : i32 to index
        %get3A_795 = arith.constant 80 : index
        %get3A_796 = tpu.vector_load %arg8[%get3A_794, %get3A_795] {strides = array<i32>} : memref<256x128xf32, #tpu.memory_space<vmem>>, vector<1x16xf32>,
        %get3A_797 = vector.shape_cast %get3A_796 : vector<1x16xf32> to vector<16xf32>
        %max3A_798 = arith.maximumf %get3A_789, %get3A_797 : vector<16xf32>
        %mul3A_799 = arith.constant 16 : i32
        %mul3A_800 = arith.muli %scan3A_56, %mul3A_799 : i32
        %add3A_801 = arith.constant 2 : i32
        %add3A_802 = arith.addi %mul3A_800, %add3A_801 : i32
        %get3A_803 = arith.index_cast %add3A_802 : i32 to index
        %get3A_804 = arith.constant 80 : index
        %get3A_805 = tpu.vector_load %arg8[%get3A_803, %get3A_804] {strides = array<i32>} : memref<256x128xf32, #tpu.memory_space<vmem>>, vector<1x16xf32>,
        %get3A_806 = vector.shape_cast %get3A_805 : vector<1x16xf32> to vector<16xf32>
        %max3A_807 = arith.maximumf %max3A_798, %get3A_806 : vector<16xf32>
        %mul3A_808 = arith.constant 16 : i32
        %mul3A_809 = arith.muli %scan3A_56, %mul3A_808 : i32
        %add3A_810 = arith.constant 3 : i32
        %add3A_811 = arith.addi %mul3A_809, %add3A_810 : i32
        %get3A_812 = arith.index_cast %add3A_811 : i32 to index
        %get3A_813 = arith.constant 80 : index
        %get3A_814 = tpu.vector_load %arg8[%get3A_812, %get3A_813] {strides = array<i32>} : memref<256x128xf32, #tpu.memory_space<vmem>>, vector<1x16xf32>,
        %get3A_815 = vector.shape_cast %get3A_814 : vector<1x16xf32> to vector<16xf32>
        %max3A_816 = arith.maximumf %max3A_807, %get3A_815 : vector<16xf32>
        %mul3A_817 = arith.constant 16 : i32
        %mul3A_818 = arith.muli %scan3A_56, %mul3A_817 : i32
        %add3A_819 = arith.constant 4 : i32
        %add3A_820 = arith.addi %mul3A_818, %add3A_819 : i32
        %get3A_821 = arith.index_cast %add3A_820 : i32 to index
        %get3A_822 = arith.constant 80 : index
        %get3A_823 = tpu.vector_load %arg8[%get3A_821, %get3A_822] {strides = array<i32>} : memref<256x128xf32, #tpu.memory_space<vmem>>, vector<1x16xf32>,
        %get3A_824 = vector.shape_cast %get3A_823 : vector<1x16xf32> to vector<16xf32>
        %max3A_825 = arith.maximumf %max3A_816, %get3A_824 : vector<16xf32>
        %mul3A_826 = arith.constant 16 : i32
        %mul3A_827 = arith.muli %scan3A_56, %mul3A_826 : i32
        %add3A_828 = arith.constant 5 : i32
        %add3A_829 = arith.addi %mul3A_827, %add3A_828 : i32
        %get3A_830 = arith.index_cast %add3A_829 : i32 to index
        %get3A_831 = arith.constant 80 : index
        %get3A_832 = tpu.vector_load %arg8[%get3A_830, %get3A_831] {strides = array<i32>} : memref<256x128xf32, #tpu.memory_space<vmem>>, vector<1x16xf32>,
        %get3A_833 = vector.shape_cast %get3A_832 : vector<1x16xf32> to vector<16xf32>
        %max3A_834 = arith.maximumf %max3A_825, %get3A_833 : vector<16xf32>
        %mul3A_835 = arith.constant 16 : i32
        %mul3A_836 = arith.muli %scan3A_56, %mul3A_835 : i32
        %add3A_837 = arith.constant 6 : i32
        %add3A_838 = arith.addi %mul3A_836, %add3A_837 : i32
        %get3A_839 = arith.index_cast %add3A_838 : i32 to index
        %get3A_840 = arith.constant 80 : index
        %get3A_841 = tpu.vector_load %arg8[%get3A_839, %get3A_840] {strides = array<i32>} : memref<256x128xf32, #tpu.memory_space<vmem>>, vector<1x16xf32>,
        %get3A_842 = vector.shape_cast %get3A_841 : vector<1x16xf32> to vector<16xf32>
        %max3A_843 = arith.maximumf %max3A_834, %get3A_842 : vector<16xf32>
        %mul3A_844 = arith.constant 16 : i32
        %mul3A_845 = arith.muli %scan3A_56, %mul3A_844 : i32
        %add3A_846 = arith.constant 7 : i32
        %add3A_847 = arith.addi %mul3A_845, %add3A_846 : i32
        %get3A_848 = arith.index_cast %add3A_847 : i32 to index
        %get3A_849 = arith.constant 80 : index
        %get3A_850 = tpu.vector_load %arg8[%get3A_848, %get3A_849] {strides = array<i32>} : memref<256x128xf32, #tpu.memory_space<vmem>>, vector<1x16xf32>,
        %get3A_851 = vector.shape_cast %get3A_850 : vector<1x16xf32> to vector<16xf32>
        %max3A_852 = arith.maximumf %max3A_843, %get3A_851 : vector<16xf32>
        %mul3A_853 = arith.constant 16 : i32
        %mul3A_854 = arith.muli %scan3A_56, %mul3A_853 : i32
        %add3A_855 = arith.constant 8 : i32
        %add3A_856 = arith.addi %mul3A_854, %add3A_855 : i32
        %get3A_857 = arith.index_cast %add3A_856 : i32 to index
        %get3A_858 = arith.constant 80 : index
        %get3A_859 = tpu.vector_load %arg8[%get3A_857, %get3A_858] {strides = array<i32>} : memref<256x128xf32, #tpu.memory_space<vmem>>, vector<1x16xf32>,
        %get3A_860 = vector.shape_cast %get3A_859 : vector<1x16xf32> to vector<16xf32>
        %max3A_861 = arith.maximumf %max3A_852, %get3A_860 : vector<16xf32>
        %mul3A_862 = arith.constant 16 : i32
        %mul3A_863 = arith.muli %scan3A_56, %mul3A_862 : i32
        %add3A_864 = arith.constant 9 : i32
        %add3A_865 = arith.addi %mul3A_863, %add3A_864 : i32
        %get3A_866 = arith.index_cast %add3A_865 : i32 to index
        %get3A_867 = arith.constant 80 : index
        %get3A_868 = tpu.vector_load %arg8[%get3A_866, %get3A_867] {strides = array<i32>} : memref<256x128xf32, #tpu.memory_space<vmem>>, vector<1x16xf32>,
        %get3A_869 = vector.shape_cast %get3A_868 : vector<1x16xf32> to vector<16xf32>
        %max3A_870 = arith.maximumf %max3A_861, %get3A_869 : vector<16xf32>
        %mul3A_871 = arith.constant 16 : i32
        %mul3A_872 = arith.muli %scan3A_56, %mul3A_871 : i32
        %add3A_873 = arith.constant 10 : i32
        %add3A_874 = arith.addi %mul3A_872, %add3A_873 : i32
        %get3A_875 = arith.index_cast %add3A_874 : i32 to index
        %get3A_876 = arith.constant 80 : index
        %get3A_877 = tpu.vector_load %arg8[%get3A_875, %get3A_876] {strides = array<i32>} : memref<256x128xf32, #tpu.memory_space<vmem>>, vector<1x16xf32>,
        %get3A_878 = vector.shape_cast %get3A_877 : vector<1x16xf32> to vector<16xf32>
        %max3A_879 = arith.maximumf %max3A_870, %get3A_878 : vector<16xf32>
        %mul3A_880 = arith.constant 16 : i32
        %mul3A_881 = arith.muli %scan3A_56, %mul3A_880 : i32
        %add3A_882 = arith.constant 11 : i32
        %add3A_883 = arith.addi %mul3A_881, %add3A_882 : i32
        %get3A_884 = arith.index_cast %add3A_883 : i32 to index
        %get3A_885 = arith.constant 80 : index
        %get3A_886 = tpu.vector_load %arg8[%get3A_884, %get3A_885] {strides = array<i32>} : memref<256x128xf32, #tpu.memory_space<vmem>>, vector<1x16xf32>,
        %get3A_887 = vector.shape_cast %get3A_886 : vector<1x16xf32> to vector<16xf32>
        %max3A_888 = arith.maximumf %max3A_879, %get3A_887 : vector<16xf32>
        %mul3A_889 = arith.constant 16 : i32
        %mul3A_890 = arith.muli %scan3A_56, %mul3A_889 : i32
        %add3A_891 = arith.constant 12 : i32
        %add3A_892 = arith.addi %mul3A_890, %add3A_891 : i32
        %get3A_893 = arith.index_cast %add3A_892 : i32 to index
        %get3A_894 = arith.constant 80 : index
        %get3A_895 = tpu.vector_load %arg8[%get3A_893, %get3A_894] {strides = array<i32>} : memref<256x128xf32, #tpu.memory_space<vmem>>, vector<1x16xf32>,
        %get3A_896 = vector.shape_cast %get3A_895 : vector<1x16xf32> to vector<16xf32>
        %max3A_897 = arith.maximumf %max3A_888, %get3A_896 : vector<16xf32>
        %mul3A_898 = arith.constant 16 : i32
        %mul3A_899 = arith.muli %scan3A_56, %mul3A_898 : i32
        %add3A_900 = arith.constant 13 : i32
        %add3A_901 = arith.addi %mul3A_899, %add3A_900 : i32
        %get3A_902 = arith.index_cast %add3A_901 : i32 to index
        %get3A_903 = arith.constant 80 : index
        %get3A_904 = tpu.vector_load %arg8[%get3A_902, %get3A_903] {strides = array<i32>} : memref<256x128xf32, #tpu.memory_space<vmem>>, vector<1x16xf32>,
        %get3A_905 = vector.shape_cast %get3A_904 : vector<1x16xf32> to vector<16xf32>
        %max3A_906 = arith.maximumf %max3A_897, %get3A_905 : vector<16xf32>
        %mul3A_907 = arith.constant 16 : i32
        %mul3A_908 = arith.muli %scan3A_56, %mul3A_907 : i32
        %add3A_909 = arith.constant 14 : i32
        %add3A_910 = arith.addi %mul3A_908, %add3A_909 : i32
        %get3A_911 = arith.index_cast %add3A_910 : i32 to index
        %get3A_912 = arith.constant 80 : index
        %get3A_913 = tpu.vector_load %arg8[%get3A_911, %get3A_912] {strides = array<i32>} : memref<256x128xf32, #tpu.memory_space<vmem>>, vector<1x16xf32>,
        %get3A_914 = vector.shape_cast %get3A_913 : vector<1x16xf32> to vector<16xf32>
        %max3A_915 = arith.maximumf %max3A_906, %get3A_914 : vector<16xf32>
        %mul3A_916 = arith.constant 16 : i32
        %mul3A_917 = arith.muli %scan3A_56, %mul3A_916 : i32
        %add3A_918 = arith.constant 15 : i32
        %add3A_919 = arith.addi %mul3A_917, %add3A_918 : i32
        %get3A_920 = arith.index_cast %add3A_919 : i32 to index
        %get3A_921 = arith.constant 80 : index
        %get3A_922 = tpu.vector_load %arg8[%get3A_920, %get3A_921] {strides = array<i32>} : memref<256x128xf32, #tpu.memory_space<vmem>>, vector<1x16xf32>,
        %get3A_923 = vector.shape_cast %get3A_922 : vector<1x16xf32> to vector<16xf32>
        %max3A_924 = arith.maximumf %max3A_915, %get3A_923 : vector<16xf32>
        %swap3A_925 = arith.index_cast %scan3A_56 : i32 to index
        %swap3A_926 = arith.constant 80 : index
        %swap3A_927 = tpu.vector_load %arg9[%swap3A_925, %swap3A_926] {strides = array<i32>} : memref<16x128xf32, #tpu.memory_space<vmem>>, vector<1x16xf32>,
        %swap3A_928 = vector.shape_cast %swap3A_927 : vector<1x16xf32> to vector<16xf32>
        %swap3A_929 = vector.shape_cast %max3A_924 : vector<16xf32> to vector<1x16xf32>
        tpu.vector_store %arg9[%swap3A_925, %swap3A_926], %swap3A_929 {strides = array<i32>} : memref<16x128xf32, #tpu.memory_space<vmem>>, vector<1x16xf32>,
        %mul3A_930 = arith.constant 16 : i32
        %mul3A_931 = arith.muli %scan3A_56, %mul3A_930 : i32
        %get3A_932 = arith.index_cast %mul3A_931 : i32 to index
        %get3A_933 = arith.constant 96 : index
        %get3A_934 = tpu.vector_load %arg8[%get3A_932, %get3A_933] {strides = array<i32>} : memref<256x128xf32, #tpu.memory_space<vmem>>, vector<1x16xf32>,
        %get3A_935 = vector.shape_cast %get3A_934 : vector<1x16xf32> to vector<16xf32>
        %mul3A_936 = arith.constant 16 : i32
        %mul3A_937 = arith.muli %scan3A_56, %mul3A_936 : i32
        %add3A_938 = arith.constant 1 : i32
        %add3A_939 = arith.addi %mul3A_937, %add3A_938 : i32
        %get3A_940 = arith.index_cast %add3A_939 : i32 to index
        %get3A_941 = arith.constant 96 : index
        %get3A_942 = tpu.vector_load %arg8[%get3A_940, %get3A_941] {strides = array<i32>} : memref<256x128xf32, #tpu.memory_space<vmem>>, vector<1x16xf32>,
        %get3A_943 = vector.shape_cast %get3A_942 : vector<1x16xf32> to vector<16xf32>
        %max3A_944 = arith.maximumf %get3A_935, %get3A_943 : vector<16xf32>
        %mul3A_945 = arith.constant 16 : i32
        %mul3A_946 = arith.muli %scan3A_56, %mul3A_945 : i32
        %add3A_947 = arith.constant 2 : i32
        %add3A_948 = arith.addi %mul3A_946, %add3A_947 : i32
        %get3A_949 = arith.index_cast %add3A_948 : i32 to index
        %get3A_950 = arith.constant 96 : index
        %get3A_951 = tpu.vector_load %arg8[%get3A_949, %get3A_950] {strides = array<i32>} : memref<256x128xf32, #tpu.memory_space<vmem>>, vector<1x16xf32>,
        %get3A_952 = vector.shape_cast %get3A_951 : vector<1x16xf32> to vector<16xf32>
        %max3A_953 = arith.maximumf %max3A_944, %get3A_952 : vector<16xf32>
        %mul3A_954 = arith.constant 16 : i32
        %mul3A_955 = arith.muli %scan3A_56, %mul3A_954 : i32
        %add3A_956 = arith.constant 3 : i32
        %add3A_957 = arith.addi %mul3A_955, %add3A_956 : i32
        %get3A_958 = arith.index_cast %add3A_957 : i32 to index
        %get3A_959 = arith.constant 96 : index
        %get3A_960 = tpu.vector_load %arg8[%get3A_958, %get3A_959] {strides = array<i32>} : memref<256x128xf32, #tpu.memory_space<vmem>>, vector<1x16xf32>,
        %get3A_961 = vector.shape_cast %get3A_960 : vector<1x16xf32> to vector<16xf32>
        %max3A_962 = arith.maximumf %max3A_953, %get3A_961 : vector<16xf32>
        %mul3A_963 = arith.constant 16 : i32
        %mul3A_964 = arith.muli %scan3A_56, %mul3A_963 : i32
        %add3A_965 = arith.constant 4 : i32
        %add3A_966 = arith.addi %mul3A_964, %add3A_965 : i32
        %get3A_967 = arith.index_cast %add3A_966 : i32 to index
        %get3A_968 = arith.constant 96 : index
        %get3A_969 = tpu.vector_load %arg8[%get3A_967, %get3A_968] {strides = array<i32>} : memref<256x128xf32, #tpu.memory_space<vmem>>, vector<1x16xf32>,
        %get3A_970 = vector.shape_cast %get3A_969 : vector<1x16xf32> to vector<16xf32>
        %max3A_971 = arith.maximumf %max3A_962, %get3A_970 : vector<16xf32>
        %mul3A_972 = arith.constant 16 : i32
        %mul3A_973 = arith.muli %scan3A_56, %mul3A_972 : i32
        %add3A_974 = arith.constant 5 : i32
        %add3A_975 = arith.addi %mul3A_973, %add3A_974 : i32
        %get3A_976 = arith.index_cast %add3A_975 : i32 to index
        %get3A_977 = arith.constant 96 : index
        %get3A_978 = tpu.vector_load %arg8[%get3A_976, %get3A_977] {strides = array<i32>} : memref<256x128xf32, #tpu.memory_space<vmem>>, vector<1x16xf32>,
        %get3A_979 = vector.shape_cast %get3A_978 : vector<1x16xf32> to vector<16xf32>
        %max3A_980 = arith.maximumf %max3A_971, %get3A_979 : vector<16xf32>
        %mul3A_981 = arith.constant 16 : i32
        %mul3A_982 = arith.muli %scan3A_56, %mul3A_981 : i32
        %add3A_983 = arith.constant 6 : i32
        %add3A_984 = arith.addi %mul3A_982, %add3A_983 : i32
        %get3A_985 = arith.index_cast %add3A_984 : i32 to index
        %get3A_986 = arith.constant 96 : index
        %get3A_987 = tpu.vector_load %arg8[%get3A_985, %get3A_986] {strides = array<i32>} : memref<256x128xf32, #tpu.memory_space<vmem>>, vector<1x16xf32>,
        %get3A_988 = vector.shape_cast %get3A_987 : vector<1x16xf32> to vector<16xf32>
        %max3A_989 = arith.maximumf %max3A_980, %get3A_988 : vector<16xf32>
        %mul3A_990 = arith.constant 16 : i32
        %mul3A_991 = arith.muli %scan3A_56, %mul3A_990 : i32
        %add3A_992 = arith.constant 7 : i32
        %add3A_993 = arith.addi %mul3A_991, %add3A_992 : i32
        %get3A_994 = arith.index_cast %add3A_993 : i32 to index
        %get3A_995 = arith.constant 96 : index
        %get3A_996 = tpu.vector_load %arg8[%get3A_994, %get3A_995] {strides = array<i32>} : memref<256x128xf32, #tpu.memory_space<vmem>>, vector<1x16xf32>,
        %get3A_997 = vector.shape_cast %get3A_996 : vector<1x16xf32> to vector<16xf32>
        %max3A_998 = arith.maximumf %max3A_989, %get3A_997 : vector<16xf32>
        %mul3A_999 = arith.constant 16 : i32
        %mul3A_1000 = arith.muli %scan3A_56, %mul3A_999 : i32
        %add3A_1001 = arith.constant 8 : i32
        %add3A_1002 = arith.addi %mul3A_1000, %add3A_1001 : i32
        %get3A_1003 = arith.index_cast %add3A_1002 : i32 to index
        %get3A_1004 = arith.constant 96 : index
        %get3A_1005 = tpu.vector_load %arg8[%get3A_1003, %get3A_1004] {strides = array<i32>} : memref<256x128xf32, #tpu.memory_space<vmem>>, vector<1x16xf32>,
        %get3A_1006 = vector.shape_cast %get3A_1005 : vector<1x16xf32> to vector<16xf32>
        %max3A_1007 = arith.maximumf %max3A_998, %get3A_1006 : vector<16xf32>
        %mul3A_1008 = arith.constant 16 : i32
        %mul3A_1009 = arith.muli %scan3A_56, %mul3A_1008 : i32
        %add3A_1010 = arith.constant 9 : i32
        %add3A_1011 = arith.addi %mul3A_1009, %add3A_1010 : i32
        %get3A_1012 = arith.index_cast %add3A_1011 : i32 to index
        %get3A_1013 = arith.constant 96 : index
        %get3A_1014 = tpu.vector_load %arg8[%get3A_1012, %get3A_1013] {strides = array<i32>} : memref<256x128xf32, #tpu.memory_space<vmem>>, vector<1x16xf32>,
        %get3A_1015 = vector.shape_cast %get3A_1014 : vector<1x16xf32> to vector<16xf32>
        %max3A_1016 = arith.maximumf %max3A_1007, %get3A_1015 : vector<16xf32>
        %mul3A_1017 = arith.constant 16 : i32
        %mul3A_1018 = arith.muli %scan3A_56, %mul3A_1017 : i32
        %add3A_1019 = arith.constant 10 : i32
        %add3A_1020 = arith.addi %mul3A_1018, %add3A_1019 : i32
        %get3A_1021 = arith.index_cast %add3A_1020 : i32 to index
        %get3A_1022 = arith.constant 96 : index
        %get3A_1023 = tpu.vector_load %arg8[%get3A_1021, %get3A_1022] {strides = array<i32>} : memref<256x128xf32, #tpu.memory_space<vmem>>, vector<1x16xf32>,
        %get3A_1024 = vector.shape_cast %get3A_1023 : vector<1x16xf32> to vector<16xf32>
        %max3A_1025 = arith.maximumf %max3A_1016, %get3A_1024 : vector<16xf32>
        %mul3A_1026 = arith.constant 16 : i32
        %mul3A_1027 = arith.muli %scan3A_56, %mul3A_1026 : i32
        %add3A_1028 = arith.constant 11 : i32
        %add3A_1029 = arith.addi %mul3A_1027, %add3A_1028 : i32
        %get3A_1030 = arith.index_cast %add3A_1029 : i32 to index
        %get3A_1031 = arith.constant 96 : index
        %get3A_1032 = tpu.vector_load %arg8[%get3A_1030, %get3A_1031] {strides = array<i32>} : memref<256x128xf32, #tpu.memory_space<vmem>>, vector<1x16xf32>,
        %get3A_1033 = vector.shape_cast %get3A_1032 : vector<1x16xf32> to vector<16xf32>
        %max3A_1034 = arith.maximumf %max3A_1025, %get3A_1033 : vector<16xf32>
        %mul3A_1035 = arith.constant 16 : i32
        %mul3A_1036 = arith.muli %scan3A_56, %mul3A_1035 : i32
        %add3A_1037 = arith.constant 12 : i32
        %add3A_1038 = arith.addi %mul3A_1036, %add3A_1037 : i32
        %get3A_1039 = arith.index_cast %add3A_1038 : i32 to index
        %get3A_1040 = arith.constant 96 : index
        %get3A_1041 = tpu.vector_load %arg8[%get3A_1039, %get3A_1040] {strides = array<i32>} : memref<256x128xf32, #tpu.memory_space<vmem>>, vector<1x16xf32>,
        %get3A_1042 = vector.shape_cast %get3A_1041 : vector<1x16xf32> to vector<16xf32>
        %max3A_1043 = arith.maximumf %max3A_1034, %get3A_1042 : vector<16xf32>
        %mul3A_1044 = arith.constant 16 : i32
        %mul3A_1045 = arith.muli %scan3A_56, %mul3A_1044 : i32
        %add3A_1046 = arith.constant 13 : i32
        %add3A_1047 = arith.addi %mul3A_1045, %add3A_1046 : i32
        %get3A_1048 = arith.index_cast %add3A_1047 : i32 to index
        %get3A_1049 = arith.constant 96 : index
        %get3A_1050 = tpu.vector_load %arg8[%get3A_1048, %get3A_1049] {strides = array<i32>} : memref<256x128xf32, #tpu.memory_space<vmem>>, vector<1x16xf32>,
        %get3A_1051 = vector.shape_cast %get3A_1050 : vector<1x16xf32> to vector<16xf32>
        %max3A_1052 = arith.maximumf %max3A_1043, %get3A_1051 : vector<16xf32>
        %mul3A_1053 = arith.constant 16 : i32
        %mul3A_1054 = arith.muli %scan3A_56, %mul3A_1053 : i32
        %add3A_1055 = arith.constant 14 : i32
        %add3A_1056 = arith.addi %mul3A_1054, %add3A_1055 : i32
        %get3A_1057 = arith.index_cast %add3A_1056 : i32 to index
        %get3A_1058 = arith.constant 96 : index
        %get3A_1059 = tpu.vector_load %arg8[%get3A_1057, %get3A_1058] {strides = array<i32>} : memref<256x128xf32, #tpu.memory_space<vmem>>, vector<1x16xf32>,
        %get3A_1060 = vector.shape_cast %get3A_1059 : vector<1x16xf32> to vector<16xf32>
        %max3A_1061 = arith.maximumf %max3A_1052, %get3A_1060 : vector<16xf32>
        %mul3A_1062 = arith.constant 16 : i32
        %mul3A_1063 = arith.muli %scan3A_56, %mul3A_1062 : i32
        %add3A_1064 = arith.constant 15 : i32
        %add3A_1065 = arith.addi %mul3A_1063, %add3A_1064 : i32
        %get3A_1066 = arith.index_cast %add3A_1065 : i32 to index
        %get3A_1067 = arith.constant 96 : index
        %get3A_1068 = tpu.vector_load %arg8[%get3A_1066, %get3A_1067] {strides = array<i32>} : memref<256x128xf32, #tpu.memory_space<vmem>>, vector<1x16xf32>,
        %get3A_1069 = vector.shape_cast %get3A_1068 : vector<1x16xf32> to vector<16xf32>
        %max3A_1070 = arith.maximumf %max3A_1061, %get3A_1069 : vector<16xf32>
        %swap3A_1071 = arith.index_cast %scan3A_56 : i32 to index
        %swap3A_1072 = arith.constant 96 : index
        %swap3A_1073 = tpu.vector_load %arg9[%swap3A_1071, %swap3A_1072] {strides = array<i32>} : memref<16x128xf32, #tpu.memory_space<vmem>>, vector<1x16xf32>,
        %swap3A_1074 = vector.shape_cast %swap3A_1073 : vector<1x16xf32> to vector<16xf32>
        %swap3A_1075 = vector.shape_cast %max3A_1070 : vector<16xf32> to vector<1x16xf32>
        tpu.vector_store %arg9[%swap3A_1071, %swap3A_1072], %swap3A_1075 {strides = array<i32>} : memref<16x128xf32, #tpu.memory_space<vmem>>, vector<1x16xf32>,
        %mul3A_1076 = arith.constant 16 : i32
        %mul3A_1077 = arith.muli %scan3A_56, %mul3A_1076 : i32
        %get3A_1078 = arith.index_cast %mul3A_1077 : i32 to index
        %get3A_1079 = arith.constant 112 : index
        %get3A_1080 = tpu.vector_load %arg8[%get3A_1078, %get3A_1079] {strides = array<i32>} : memref<256x128xf32, #tpu.memory_space<vmem>>, vector<1x16xf32>,
        %get3A_1081 = vector.shape_cast %get3A_1080 : vector<1x16xf32> to vector<16xf32>
        %mul3A_1082 = arith.constant 16 : i32
        %mul3A_1083 = arith.muli %scan3A_56, %mul3A_1082 : i32
        %add3A_1084 = arith.constant 1 : i32
        %add3A_1085 = arith.addi %mul3A_1083, %add3A_1084 : i32
        %get3A_1086 = arith.index_cast %add3A_1085 : i32 to index
        %get3A_1087 = arith.constant 112 : index
        %get3A_1088 = tpu.vector_load %arg8[%get3A_1086, %get3A_1087] {strides = array<i32>} : memref<256x128xf32, #tpu.memory_space<vmem>>, vector<1x16xf32>,
        %get3A_1089 = vector.shape_cast %get3A_1088 : vector<1x16xf32> to vector<16xf32>
        %max3A_1090 = arith.maximumf %get3A_1081, %get3A_1089 : vector<16xf32>
        %mul3A_1091 = arith.constant 16 : i32
        %mul3A_1092 = arith.muli %scan3A_56, %mul3A_1091 : i32
        %add3A_1093 = arith.constant 2 : i32
        %add3A_1094 = arith.addi %mul3A_1092, %add3A_1093 : i32
        %get3A_1095 = arith.index_cast %add3A_1094 : i32 to index
        %get3A_1096 = arith.constant 112 : index
        %get3A_1097 = tpu.vector_load %arg8[%get3A_1095, %get3A_1096] {strides = array<i32>} : memref<256x128xf32, #tpu.memory_space<vmem>>, vector<1x16xf32>,
        %get3A_1098 = vector.shape_cast %get3A_1097 : vector<1x16xf32> to vector<16xf32>
        %max3A_1099 = arith.maximumf %max3A_1090, %get3A_1098 : vector<16xf32>
        %mul3A_1100 = arith.constant 16 : i32
        %mul3A_1101 = arith.muli %scan3A_56, %mul3A_1100 : i32
        %add3A_1102 = arith.constant 3 : i32
        %add3A_1103 = arith.addi %mul3A_1101, %add3A_1102 : i32
        %get3A_1104 = arith.index_cast %add3A_1103 : i32 to index
        %get3A_1105 = arith.constant 112 : index
        %get3A_1106 = tpu.vector_load %arg8[%get3A_1104, %get3A_1105] {strides = array<i32>} : memref<256x128xf32, #tpu.memory_space<vmem>>, vector<1x16xf32>,
        %get3A_1107 = vector.shape_cast %get3A_1106 : vector<1x16xf32> to vector<16xf32>
        %max3A_1108 = arith.maximumf %max3A_1099, %get3A_1107 : vector<16xf32>
        %mul3A_1109 = arith.constant 16 : i32
        %mul3A_1110 = arith.muli %scan3A_56, %mul3A_1109 : i32
        %add3A_1111 = arith.constant 4 : i32
        %add3A_1112 = arith.addi %mul3A_1110, %add3A_1111 : i32
        %get3A_1113 = arith.index_cast %add3A_1112 : i32 to index
        %get3A_1114 = arith.constant 112 : index
        %get3A_1115 = tpu.vector_load %arg8[%get3A_1113, %get3A_1114] {strides = array<i32>} : memref<256x128xf32, #tpu.memory_space<vmem>>, vector<1x16xf32>,
        %get3A_1116 = vector.shape_cast %get3A_1115 : vector<1x16xf32> to vector<16xf32>
        %max3A_1117 = arith.maximumf %max3A_1108, %get3A_1116 : vector<16xf32>
        %mul3A_1118 = arith.constant 16 : i32
        %mul3A_1119 = arith.muli %scan3A_56, %mul3A_1118 : i32
        %add3A_1120 = arith.constant 5 : i32
        %add3A_1121 = arith.addi %mul3A_1119, %add3A_1120 : i32
        %get3A_1122 = arith.index_cast %add3A_1121 : i32 to index
        %get3A_1123 = arith.constant 112 : index
        %get3A_1124 = tpu.vector_load %arg8[%get3A_1122, %get3A_1123] {strides = array<i32>} : memref<256x128xf32, #tpu.memory_space<vmem>>, vector<1x16xf32>,
        %get3A_1125 = vector.shape_cast %get3A_1124 : vector<1x16xf32> to vector<16xf32>
        %max3A_1126 = arith.maximumf %max3A_1117, %get3A_1125 : vector<16xf32>
        %mul3A_1127 = arith.constant 16 : i32
        %mul3A_1128 = arith.muli %scan3A_56, %mul3A_1127 : i32
        %add3A_1129 = arith.constant 6 : i32
        %add3A_1130 = arith.addi %mul3A_1128, %add3A_1129 : i32
        %get3A_1131 = arith.index_cast %add3A_1130 : i32 to index
        %get3A_1132 = arith.constant 112 : index
        %get3A_1133 = tpu.vector_load %arg8[%get3A_1131, %get3A_1132] {strides = array<i32>} : memref<256x128xf32, #tpu.memory_space<vmem>>, vector<1x16xf32>,
        %get3A_1134 = vector.shape_cast %get3A_1133 : vector<1x16xf32> to vector<16xf32>
        %max3A_1135 = arith.maximumf %max3A_1126, %get3A_1134 : vector<16xf32>
        %mul3A_1136 = arith.constant 16 : i32
        %mul3A_1137 = arith.muli %scan3A_56, %mul3A_1136 : i32
        %add3A_1138 = arith.constant 7 : i32
        %add3A_1139 = arith.addi %mul3A_1137, %add3A_1138 : i32
        %get3A_1140 = arith.index_cast %add3A_1139 : i32 to index
        %get3A_1141 = arith.constant 112 : index
        %get3A_1142 = tpu.vector_load %arg8[%get3A_1140, %get3A_1141] {strides = array<i32>} : memref<256x128xf32, #tpu.memory_space<vmem>>, vector<1x16xf32>,
        %get3A_1143 = vector.shape_cast %get3A_1142 : vector<1x16xf32> to vector<16xf32>
        %max3A_1144 = arith.maximumf %max3A_1135, %get3A_1143 : vector<16xf32>
        %mul3A_1145 = arith.constant 16 : i32
        %mul3A_1146 = arith.muli %scan3A_56, %mul3A_1145 : i32
        %add3A_1147 = arith.constant 8 : i32
        %add3A_1148 = arith.addi %mul3A_1146, %add3A_1147 : i32
        %get3A_1149 = arith.index_cast %add3A_1148 : i32 to index
        %get3A_1150 = arith.constant 112 : index
        %get3A_1151 = tpu.vector_load %arg8[%get3A_1149, %get3A_1150] {strides = array<i32>} : memref<256x128xf32, #tpu.memory_space<vmem>>, vector<1x16xf32>,
        %get3A_1152 = vector.shape_cast %get3A_1151 : vector<1x16xf32> to vector<16xf32>
        %max3A_1153 = arith.maximumf %max3A_1144, %get3A_1152 : vector<16xf32>
        %mul3A_1154 = arith.constant 16 : i32
        %mul3A_1155 = arith.muli %scan3A_56, %mul3A_1154 : i32
        %add3A_1156 = arith.constant 9 : i32
        %add3A_1157 = arith.addi %mul3A_1155, %add3A_1156 : i32
        %get3A_1158 = arith.index_cast %add3A_1157 : i32 to index
        %get3A_1159 = arith.constant 112 : index
        %get3A_1160 = tpu.vector_load %arg8[%get3A_1158, %get3A_1159] {strides = array<i32>} : memref<256x128xf32, #tpu.memory_space<vmem>>, vector<1x16xf32>,
        %get3A_1161 = vector.shape_cast %get3A_1160 : vector<1x16xf32> to vector<16xf32>
        %max3A_1162 = arith.maximumf %max3A_1153, %get3A_1161 : vector<16xf32>
        %mul3A_1163 = arith.constant 16 : i32
        %mul3A_1164 = arith.muli %scan3A_56, %mul3A_1163 : i32
        %add3A_1165 = arith.constant 10 : i32
        %add3A_1166 = arith.addi %mul3A_1164, %add3A_1165 : i32
        %get3A_1167 = arith.index_cast %add3A_1166 : i32 to index
        %get3A_1168 = arith.constant 112 : index
        %get3A_1169 = tpu.vector_load %arg8[%get3A_1167, %get3A_1168] {strides = array<i32>} : memref<256x128xf32, #tpu.memory_space<vmem>>, vector<1x16xf32>,
        %get3A_1170 = vector.shape_cast %get3A_1169 : vector<1x16xf32> to vector<16xf32>
        %max3A_1171 = arith.maximumf %max3A_1162, %get3A_1170 : vector<16xf32>
        %mul3A_1172 = arith.constant 16 : i32
        %mul3A_1173 = arith.muli %scan3A_56, %mul3A_1172 : i32
        %add3A_1174 = arith.constant 11 : i32
        %add3A_1175 = arith.addi %mul3A_1173, %add3A_1174 : i32
        %get3A_1176 = arith.index_cast %add3A_1175 : i32 to index
        %get3A_1177 = arith.constant 112 : index
        %get3A_1178 = tpu.vector_load %arg8[%get3A_1176, %get3A_1177] {strides = array<i32>} : memref<256x128xf32, #tpu.memory_space<vmem>>, vector<1x16xf32>,
        %get3A_1179 = vector.shape_cast %get3A_1178 : vector<1x16xf32> to vector<16xf32>
        %max3A_1180 = arith.maximumf %max3A_1171, %get3A_1179 : vector<16xf32>
        %mul3A_1181 = arith.constant 16 : i32
        %mul3A_1182 = arith.muli %scan3A_56, %mul3A_1181 : i32
        %add3A_1183 = arith.constant 12 : i32
        %add3A_1184 = arith.addi %mul3A_1182, %add3A_1183 : i32
        %get3A_1185 = arith.index_cast %add3A_1184 : i32 to index
        %get3A_1186 = arith.constant 112 : index
        %get3A_1187 = tpu.vector_load %arg8[%get3A_1185, %get3A_1186] {strides = array<i32>} : memref<256x128xf32, #tpu.memory_space<vmem>>, vector<1x16xf32>,
        %get3A_1188 = vector.shape_cast %get3A_1187 : vector<1x16xf32> to vector<16xf32>
        %max3A_1189 = arith.maximumf %max3A_1180, %get3A_1188 : vector<16xf32>
        %mul3A_1190 = arith.constant 16 : i32
        %mul3A_1191 = arith.muli %scan3A_56, %mul3A_1190 : i32
        %add3A_1192 = arith.constant 13 : i32
        %add3A_1193 = arith.addi %mul3A_1191, %add3A_1192 : i32
        %get3A_1194 = arith.index_cast %add3A_1193 : i32 to index
        %get3A_1195 = arith.constant 112 : index
        %get3A_1196 = tpu.vector_load %arg8[%get3A_1194, %get3A_1195] {strides = array<i32>} : memref<256x128xf32, #tpu.memory_space<vmem>>, vector<1x16xf32>,
        %get3A_1197 = vector.shape_cast %get3A_1196 : vector<1x16xf32> to vector<16xf32>
        %max3A_1198 = arith.maximumf %max3A_1189, %get3A_1197 : vector<16xf32>
        %mul3A_1199 = arith.constant 16 : i32
        %mul3A_1200 = arith.muli %scan3A_56, %mul3A_1199 : i32
        %add3A_1201 = arith.constant 14 : i32
        %add3A_1202 = arith.addi %mul3A_1200, %add3A_1201 : i32
        %get3A_1203 = arith.index_cast %add3A_1202 : i32 to index
        %get3A_1204 = arith.constant 112 : index
        %get3A_1205 = tpu.vector_load %arg8[%get3A_1203, %get3A_1204] {strides = array<i32>} : memref<256x128xf32, #tpu.memory_space<vmem>>, vector<1x16xf32>,
        %get3A_1206 = vector.shape_cast %get3A_1205 : vector<1x16xf32> to vector<16xf32>
        %max3A_1207 = arith.maximumf %max3A_1198, %get3A_1206 : vector<16xf32>
        %mul3A_1208 = arith.constant 16 : i32
        %mul3A_1209 = arith.muli %scan3A_56, %mul3A_1208 : i32
        %add3A_1210 = arith.constant 15 : i32
        %add3A_1211 = arith.addi %mul3A_1209, %add3A_1210 : i32
        %get3A_1212 = arith.index_cast %add3A_1211 : i32 to index
        %get3A_1213 = arith.constant 112 : index
        %get3A_1214 = tpu.vector_load %arg8[%get3A_1212, %get3A_1213] {strides = array<i32>} : memref<256x128xf32, #tpu.memory_space<vmem>>, vector<1x16xf32>,
        %get3A_1215 = vector.shape_cast %get3A_1214 : vector<1x16xf32> to vector<16xf32>
        %max3A_1216 = arith.maximumf %max3A_1207, %get3A_1215 : vector<16xf32>
        %swap3A_1217 = arith.index_cast %scan3A_56 : i32 to index
        %swap3A_1218 = arith.constant 112 : index
        %swap3A_1219 = tpu.vector_load %arg9[%swap3A_1217, %swap3A_1218] {strides = array<i32>} : memref<16x128xf32, #tpu.memory_space<vmem>>, vector<1x16xf32>,
        %swap3A_1220 = vector.shape_cast %swap3A_1219 : vector<1x16xf32> to vector<16xf32>
        %swap3A_1221 = vector.shape_cast %max3A_1216 : vector<16xf32> to vector<1x16xf32>
        tpu.vector_store %arg9[%swap3A_1217, %swap3A_1218], %swap3A_1221 {strides = array<i32>} : memref<16x128xf32, #tpu.memory_space<vmem>>, vector<1x16xf32>,
      }
      %scan3A_52 = arith.constant 16 : i32
      %mul3A_53 = arith.constant 16 : i32
      %mul3A_54 = arith.muli %add3A_36, %mul3A_53 : i32
      %add3A_55 = arith.addi %mul3A_2, %mul3A_54 : i32
      "tpu.region"() ({
        %run_scoped3A = tpu.sem_alloc : memref<!tpu.dma_semaphore, #tpu.memory_space<semaphore_mem>>
        %dma_start3A_56 = arith.constant 0 : i32
        %dma_start3A_57 = tpu.memref_slice %arg4[%add3A_55, %dma_start3A_56] : memref<10240x128xf32, #tpu.memory_space<hbm>> -> memref<16x128xf32, #tpu.memory_space<hbm>>
        %dma_start3A_58 = arith.constant 0 : i32
        %dma_start3A_59 = tpu.memref_slice %arg4[%add3A_55, %dma_start3A_58] : memref<10240x128xf32, #tpu.memory_space<hbm>> -> memref<16x128xf32, #tpu.memory_space<hbm>>
        tpu.enqueue_dma source(%arg9 : memref<16x128xf32, #tpu.memory_space<vmem>>) target(%dma_start3A_59 : memref<16x128xf32, #tpu.memory_space<hbm>>) target_semaphore(%run_scoped3A : memref<!tpu.dma_semaphore, #tpu.memory_space<semaphore_mem>>)
        %dma_wait3A_60 = arith.constant 0 : i32
        %dma_wait3A_61 = tpu.memref_slice %arg4[%add3A_55, %dma_wait3A_60] : memref<10240x128xf32, #tpu.memory_space<hbm>> -> memref<16x128xf32, #tpu.memory_space<hbm>>
        %dma_wait3A_62 = arith.constant 0 : i32
        %dma_wait3A_63 = tpu.memref_slice %arg4[%add3A_55, %dma_wait3A_62] : memref<10240x128xf32, #tpu.memory_space<hbm>> -> memref<16x128xf32, #tpu.memory_space<hbm>>
        tpu.wait_dma2 semaphore(%run_scoped3A : memref<!tpu.dma_semaphore, #tpu.memory_space<semaphore_mem>>) src(%arg9 : memref<16x128xf32, #tpu.memory_space<vmem>>) dst(%dma_wait3A_63 : memref<16x128xf32, #tpu.memory_space<hbm>>)
        tpu.yield
      }) : () -> ()
    }
    %scan3A_12 = arith.constant 10 : i32
    return
  }
}

module attributes {stable_mosaic.version = 14 : i64} {
  func.func @_mm_body(%arg0: i32, %arg1: memref<2000x128xf32, #tpu.memory_space<vmem>>, %arg2: memref<128x128xf32, #tpu.memory_space<vmem>>, %arg3: memref<128x128xf32, #tpu.memory_space<vmem>>, %arg4: memref<2000x128xf32, #tpu.memory_space<vmem>>, %arg5: memref<2000x128xf32, #tpu.memory_space<vmem>>) attributes {dimension_semantics = [#tpu.dimension_semantics<arbitrary>], iteration_bounds = array<i64: 5>, scalar_prefetch = 0 : i64, scratch_operands = 0 : i64, tpu.core_type = #tpu.core_type<tc>, window_params = [{transform_indices = @transform_0, window_bounds = array<i64: 2000, 128>}, {pipeline_mode = #tpu.pipeline_mode<synchronous>, transform_indices = @transform_1, window_bounds = array<i64: 128, 128>}, {pipeline_mode = #tpu.pipeline_mode<synchronous>, transform_indices = @transform_2, window_bounds = array<i64: 128, 128>}, {transform_indices = @transform_3, window_bounds = array<i64: 2000, 128>}, {transform_indices = @transform_4, window_bounds = array<i64: 2000, 128>}]} {
    %get3A = arith.constant 0 : index
    %get3A_0 = arith.constant 0 : index
    %get3A_1 = vector.load %arg1[%get3A, %get3A_0] : memref<2000x128xf32, #tpu.memory_space<vmem>>, vector<2000x128xf32>
    %get3A_2 = arith.constant 0 : index
    %get3A_3 = arith.constant 0 : index
    %get3A_4 = vector.load %arg2[%get3A_2, %get3A_3] : memref<128x128xf32, #tpu.memory_space<vmem>>, vector<128x128xf32>
    %dot_general3A = arith.constant dense<0.000000e+00> : vector<2000x128xf32>
    %dot_general3A_5 = tpu.matmul %get3A_1, %get3A_4, %dot_general3A {dimension_numbers = #tpu.dot_dimension_numbers<[1], [0], [0], [1], [0, 0, 1, 1], [], []>, precision = #tpu.contract_precision<fp32>, transpose_lhs_hint = false} : vector<2000x128xf32>, vector<128x128xf32>, vector<2000x128xf32> -> vector<2000x128xf32>
    %swap3A = arith.constant 0 : index
    %swap3A_6 = arith.constant 0 : index
    %swap3A_7 = vector.load %arg4[%swap3A, %swap3A_6] : memref<2000x128xf32, #tpu.memory_space<vmem>>, vector<2000x128xf32>
    tpu.vector_store %arg4[%swap3A, %swap3A_6], %dot_general3A_5 {strides = array<i32>} : memref<2000x128xf32, #tpu.memory_space<vmem>>, vector<2000x128xf32>,
    %get3A_8 = arith.constant 0 : index
    %get3A_9 = arith.constant 0 : index
    %get3A_10 = vector.load %arg3[%get3A_8, %get3A_9] : memref<128x128xf32, #tpu.memory_space<vmem>>, vector<128x128xf32>
    %dot_general3A_11 = arith.constant dense<0.000000e+00> : vector<2000x128xf32>
    %dot_general3A_12 = tpu.matmul %get3A_1, %get3A_10, %dot_general3A_11 {dimension_numbers = #tpu.dot_dimension_numbers<[1], [0], [0], [1], [0, 0, 1, 1], [], []>, precision = #tpu.contract_precision<fp32>, transpose_lhs_hint = false} : vector<2000x128xf32>, vector<128x128xf32>, vector<2000x128xf32> -> vector<2000x128xf32>
    %swap3A_13 = arith.constant 0 : index
    %swap3A_14 = arith.constant 0 : index
    %swap3A_15 = vector.load %arg5[%swap3A_13, %swap3A_14] : memref<2000x128xf32, #tpu.memory_space<vmem>>, vector<2000x128xf32>
    tpu.vector_store %arg5[%swap3A_13, %swap3A_14], %dot_general3A_12 {strides = array<i32>} : memref<2000x128xf32, #tpu.memory_space<vmem>>, vector<2000x128xf32>,
    return
  }
  func.func @transform_0(%arg0: i32) -> (i32, i32) {
    %c0_i32 = arith.constant 0 : i32
    %c0_i32_0 = arith.constant 0 : i32
    return %arg0, %c0_i32 : i32, i32
  }
  func.func @transform_1(%arg0: i32) -> (i32, i32) {
    %c0_i32 = arith.constant 0 : i32
    %c0_i32_0 = arith.constant 0 : i32
    %c0_i32_1 = arith.constant 0 : i32
    return %c0_i32, %c0_i32_0 : i32, i32
  }
  func.func @transform_2(%arg0: i32) -> (i32, i32) {
    %c0_i32 = arith.constant 0 : i32
    %c0_i32_0 = arith.constant 0 : i32
    %c0_i32_1 = arith.constant 0 : i32
    return %c0_i32, %c0_i32_0 : i32, i32
  }
  func.func @transform_3(%arg0: i32) -> (i32, i32) {
    %c0_i32 = arith.constant 0 : i32
    %c0_i32_0 = arith.constant 0 : i32
    return %arg0, %c0_i32 : i32, i32
  }
  func.func @transform_4(%arg0: i32) -> (i32, i32) {
    %c0_i32 = arith.constant 0 : i32
    %c0_i32_0 = arith.constant 0 : i32
    return %arg0, %c0_i32 : i32, i32
  }
}

module attributes {stable_mosaic.version = 14 : i64} {
  func.func @_post_body(%arg0: i32, %arg1: memref<2000x128xf32, #tpu.memory_space<vmem>>, %arg2: memref<2000x128xf32, #tpu.memory_space<vmem>>, %arg3: memref<1x128xf32, #tpu.memory_space<vmem>>, %arg4: memref<1x128xf32, #tpu.memory_space<vmem>>, %arg5: memref<2000x128xf32, #tpu.memory_space<vmem>>) attributes {dimension_semantics = [#tpu.dimension_semantics<arbitrary>], iteration_bounds = array<i64: 5>, scalar_prefetch = 0 : i64, scratch_operands = 0 : i64, tpu.core_type = #tpu.core_type<tc>, window_params = [{transform_indices = @transform_0, window_bounds = array<i64: 2000, 128>}, {transform_indices = @transform_1, window_bounds = array<i64: 2000, 128>}, {pipeline_mode = #tpu.pipeline_mode<synchronous>, transform_indices = @transform_2, window_bounds = array<i64: 1, 128>}, {pipeline_mode = #tpu.pipeline_mode<synchronous>, transform_indices = @transform_3, window_bounds = array<i64: 1, 128>}, {transform_indices = @transform_4, window_bounds = array<i64: 2000, 128>}]} {
    %get3A = arith.constant 0 : index
    %get3A_0 = arith.constant 0 : index
    %get3A_1 = vector.load %arg1[%get3A, %get3A_0] : memref<2000x128xf32, #tpu.memory_space<vmem>>, vector<2000x128xf32>
    %get3A_2 = arith.constant 0 : index
    %get3A_3 = arith.constant 0 : index
    %get3A_4 = vector.load %arg2[%get3A_2, %get3A_3] : memref<2000x128xf32, #tpu.memory_space<vmem>>, vector<2000x128xf32>
    %add3A = arith.addf %get3A_1, %get3A_4 : vector<2000x128xf32>
    %reduce_sum3A = arith.constant dense<0.000000e+00> : vector<2000xf32>
    %reduce_sum3A_5 = vector.multi_reduction <add>, %add3A, %reduce_sum3A [1] : vector<2000x128xf32> to vector<2000xf32>
    %broadcast_in_dim3A = vector.shape_cast %reduce_sum3A_5 : vector<2000xf32> to vector<2000x1xf32>
    %div3A = arith.constant 1.280000e+02 : f32
    %div3A_6 = vector.broadcast %div3A : f32 to vector<2000x1xf32>
    %div3A_7 = arith.divf %broadcast_in_dim3A, %div3A_6 : vector<2000x1xf32>
    %sub3A = vector.broadcast %div3A_7 : vector<2000x1xf32> to vector<2000x128xf32>
    %sub3A_8 = arith.subf %add3A, %sub3A : vector<2000x128xf32>
    %integer_pow3A = arith.mulf %sub3A_8, %sub3A_8 : vector<2000x128xf32>
    %reduce_sum3A_9 = arith.constant dense<0.000000e+00> : vector<2000xf32>
    %reduce_sum3A_10 = vector.multi_reduction <add>, %integer_pow3A, %reduce_sum3A_9 [1] : vector<2000x128xf32> to vector<2000xf32>
    %broadcast_in_dim3A_11 = vector.shape_cast %reduce_sum3A_10 : vector<2000xf32> to vector<2000x1xf32>
    %div3A_12 = arith.constant 1.280000e+02 : f32
    %div3A_13 = vector.broadcast %div3A_12 : f32 to vector<2000x1xf32>
    %div3A_14 = arith.divf %broadcast_in_dim3A_11, %div3A_13 : vector<2000x1xf32>
    %sub3A_15 = vector.broadcast %div3A_7 : vector<2000x1xf32> to vector<2000x128xf32>
    %sub3A_16 = arith.subf %add3A, %sub3A_15 : vector<2000x128xf32>
    %add3A_17 = arith.constant 9.99999974E-6 : f32
    %add3A_18 = vector.broadcast %add3A_17 : f32 to vector<2000x1xf32>
    %add3A_19 = arith.addf %div3A_14, %add3A_18 : vector<2000x1xf32>
    %sqrt3A = math.sqrt %add3A_19 : vector<2000x1xf32>
    %div3A_20 = vector.broadcast %sqrt3A : vector<2000x1xf32> to vector<2000x128xf32>
    %div3A_21 = arith.divf %sub3A_16, %div3A_20 : vector<2000x128xf32>
    %get3A_22 = arith.constant 0 : index
    %get3A_23 = arith.constant 0 : index
    %get3A_24 = vector.load %arg3[%get3A_22, %get3A_23] : memref<1x128xf32, #tpu.memory_space<vmem>>, vector<1x128xf32>
    %mul3A = vector.broadcast %get3A_24 : vector<1x128xf32> to vector<2000x128xf32>
    %mul3A_25 = arith.mulf %div3A_21, %mul3A : vector<2000x128xf32>
    %get3A_26 = arith.constant 0 : index
    %get3A_27 = arith.constant 0 : index
    %get3A_28 = vector.load %arg4[%get3A_26, %get3A_27] : memref<1x128xf32, #tpu.memory_space<vmem>>, vector<1x128xf32>
    %add3A_29 = vector.broadcast %get3A_28 : vector<1x128xf32> to vector<2000x128xf32>
    %add3A_30 = arith.addf %mul3A_25, %add3A_29 : vector<2000x128xf32>
    %mul3A_31 = arith.constant 5.000000e-01 : f32
    %mul3A_32 = vector.broadcast %mul3A_31 : f32 to vector<2000x128xf32>
    %mul3A_33 = arith.mulf %mul3A_32, %add3A_30 : vector<2000x128xf32>
    %mul3A_34 = arith.constant 0.707106769 : f32
    %mul3A_35 = vector.broadcast %mul3A_34 : f32 to vector<2000x128xf32>
    %mul3A_36 = arith.mulf %add3A_30, %mul3A_35 : vector<2000x128xf32>
    %erf3A = math.erf %mul3A_36 : vector<2000x128xf32>
    %add3A_37 = arith.constant 1.000000e+00 : f32
    %add3A_38 = vector.broadcast %add3A_37 : f32 to vector<2000x128xf32>
    %add3A_39 = arith.addf %add3A_38, %erf3A : vector<2000x128xf32>
    %mul3A_40 = arith.mulf %mul3A_33, %add3A_39 : vector<2000x128xf32>
    %swap3A = arith.constant 0 : index
    %swap3A_41 = arith.constant 0 : index
    %swap3A_42 = vector.load %arg5[%swap3A, %swap3A_41] : memref<2000x128xf32, #tpu.memory_space<vmem>>, vector<2000x128xf32>
    tpu.vector_store %arg5[%swap3A, %swap3A_41], %mul3A_40 {strides = array<i32>} : memref<2000x128xf32, #tpu.memory_space<vmem>>, vector<2000x128xf32>,
    return
  }
  func.func @transform_0(%arg0: i32) -> (i32, i32) {
    %c0_i32 = arith.constant 0 : i32
    %c0_i32_0 = arith.constant 0 : i32
    return %arg0, %c0_i32 : i32, i32
  }
  func.func @transform_1(%arg0: i32) -> (i32, i32) {
    %c0_i32 = arith.constant 0 : i32
    %c0_i32_0 = arith.constant 0 : i32
    return %arg0, %c0_i32 : i32, i32
  }
  func.func @transform_2(%arg0: i32) -> (i32, i32) {
    %c0_i32 = arith.constant 0 : i32
    %c0_i32_0 = arith.constant 0 : i32
    %c0_i32_1 = arith.constant 0 : i32
    return %c0_i32, %c0_i32_0 : i32, i32
  }
  func.func @transform_3(%arg0: i32) -> (i32, i32) {
    %c0_i32 = arith.constant 0 : i32
    %c0_i32_0 = arith.constant 0 : i32
    %c0_i32_1 = arith.constant 0 : i32
    return %c0_i32, %c0_i32_0 : i32, i32
  }
  func.func @transform_4(%arg0: i32) -> (i32, i32) {
    %c0_i32 = arith.constant 0 : i32
    %c0_i32_0 = arith.constant 0 : i32
    return %arg0, %c0_i32 : i32, i32
  }
}

</mosaic_0001>

<sc_bundles>
// kernel: kernel.5.cloned.1.call-start
scs
__scs_entry_jumppad:
0x0: {  	(pc) =	sbr.rel $0x88, $3  }
0x1: {  	(tag) =	ssettag $0x0;
	lr =	simm.s32 $0x1  }
0x2: {  	[smem:$0x3F9C] =	sst lr;
	_ =	strace $0xD0000000  }
0x3: {  	_ = 	snop  }
0x4: {  	_ = 	snop  }
0x5: {  	_ = 	snop  }
0x6: {  	_ = 	snop  }
0x7: {  	_ = 	snop  }
__scs_overlays_trampoline_lowered:
0x8: {  	[smem:$0x3FAB] =	sst s0  }
0x9: {  	[smem:$0x3FAC] =	sst s1  }
0xa: {  	[smem:$0x3FAD] =	sst s2  }
0xb: {  	[smem:$0x3FAE] =	sst s3  }
0xc: {  	[smem:$0x3FAF] =	sst s4  }
0xd: {  	[smem:$0x3FB0] =	sst s5  }
0xe: {  	[smem:$0x3FB1] =	sst s6  }
0xf: {  	[smem:$0x3FB2] =	sst s7  }
0x10: {  	[smem:$0x3FB3] =	sst s8  }
0x11: {  	[smem:$0x3FB4] =	sst s9;
	s0 =	simm.s32 @!p0 $0x0  }
0x12: {  	s1 =	sld [smem:$0x3F9A];
	s0 =	simm.s32 @p0 $0x1  }
0x13: {  	[smem:$0x3FB5] =	sst s0;
	s0 =	simm.s32 @!p1 $0x0  }
0x14: {  	s2 =	sld [smem:$0x3F99];
	s0 =	simm.s32 @p1 $0x1  }
0x15: {  	[smem:$0x3FB6] =	sst s0;
	s0 =	simm.s32 @!p2 $0x0  }
0x16: {  	s3 =	sld [smem:$0x3FDB];
	s0 =	simm.s32 @p2 $0x1  }
0x17: {  	s4 =	simm.s32 $0x1BF5;
	[smem:$0x3FB8] =	sst s0  }
0x18: {  	s0 =	sld [smem:$0x3F9B];
	_ =	swait.ge [sflag:s4], $0x0  }
0x19: {  	s7 =	sld [smem:$0x3F9C]  }
0x1a: {  	s8 =	sadd.s32 $0xFFFFE003, lr  }
0x1b: {  	s9 =	sadd.s32 $0xFFFFFEF7, lr;
	s5 =	simm.s32 $0xFFFFFFFF;
	p2 =	slt.u32 s8, $0xFFFFF086  }
0x1c: {  	p1 =	slt.u32 s9, $0xF7A;
	s5 =	simm.s32 @!p2 $0x0  }
0x1d: {  	s5 =	simm.s32 @p1 $0x1;
	p0 =	seq.s32 s7, s2  }
0x1e: {  	s7 =	smul.u32 @!p0 $0xF7A, s2;
	p2 =	seq.s32 @!p0 s5, $0x0  }
0x1f: {  	s9 =	smul.u32 $0xF7A, s1;
	s8 =	simm.s32 @!p0 $0x1BF5;
	p2 =	por !p2, p0  }
0x20: {  	[sflag:s8] =	ssyncset.s32 @!p0 $0xFFFFF086;
	s6 =	sadd.s32 @!p0 s3, s7;
	s7 =	simm.s32 @!p0 $0x108  }
0x21: {  	s3 =	sadd.s32 s3, s9;
	s6 =	sadd.s32 @!p0 $0x88, s6;
	s7 =	simm.s32 @p2 $0x1082  }
0x22: {  	[simem:s7], [sflag:s8] =	dma.local @!p0 [hbm:s6], $0xF7A  }
0x23: {  	s9 =	sor.u32 $0xD0000000, s2;
	s6 =	simm.s32 $0x108;
	_ =	swait.ge @!p0 [sflag:s8], $0x0  }
0x24: {  	s3 =	sadd.s32 $0x88, s3;
	s6 =	simm.s32 @!p1 $0x1082;
	[sflag:s4] =	ssyncset.s32 $0xFFFFF086  }
0x25: {  	[simem:s6], [sflag:s4] =	dma.local [hbm:s3], $0xF7A  }
0x26: {  	[smem:$0x3F9C] =	sst s1;
	(tag) =	ssettag s2;
	_ =	strace s9  }
0x27: {  	s1 =	sld [smem:$0x3FAC]  }
0x28: {  	s2 =	sld [smem:$0x3FAD]  }
0x29: {  	s4 =	sld [smem:$0x3FAF]  }
0x2a: {  	p0 =	seq.s32 s5, $0x0;
	s5 =	sld [smem:$0x3FB0]  }
0x2b: {  	s6 =	sld [smem:$0x3FB1]  }
0x2c: {  	s7 =	sld [smem:$0x3FB2]  }
0x2d: {  	s3 =	simm.s32 $0x108;
	s8 =	sld [smem:$0x3FB3]  }
0x2e: {  	s3 =	simm.s32 @!p0 $0x1082;
	s9 =	sld [smem:$0x3FB4]  }
0x2f: {  	lr =	sadd.s32 s0, s3;
	s0 =	sld [smem:$0x3FAB]  }
0x30: {  	s3 =	sld [smem:$0x3FAE]  }
0x31: {  	[smem:$0x3FB7] =	sst s10  }
0x32: {  	s10 =	sld [smem:$0x3FB5];
	_ =	sdelay $0x3  }
0x33: {  	p0 =	seq.s32 s10, $0x1;
	s10 =	sld [smem:$0x3FB7];
	_ =	sdelay $0x3  }
0x34: {  	[smem:$0x3FB7] =	sst s10  }
0x35: {  	s10 =	sld [smem:$0x3FB6];
	_ =	sdelay $0x3  }
0x36: {  	p1 =	seq.s32 s10, $0x1;
	s10 =	sld [smem:$0x3FB7];
	_ =	sdelay $0x3  }
0x37: {  	[smem:$0x3FB7] =	sst s10  }
0x38: {  	s10 =	sld [smem:$0x3FB8]  }
0x39: {  	_ = 	snop;
	(pc) =	sbr.ind lr, $3  }
0x3a: {  	_ = 	snop  }
0x3b: {  	_ = 	snop  }
0x3c: {  	p2 =	seq.s32 s10, $0x1;
	s10 =	sld [smem:$0x3FB7]  }
0x3d: {  	_ =	shalt  }
0x3e: {  	_ =	shalt  }
0x3f: {  	_ =	shalt  }
0x40: {  	_ =	shalt  }
0x41: {  	_ =	shalt  }
0x42: {  	_ =	shalt  }
0x43: {  	_ =	shalt  }
0x44: {  	_ =	shalt  }
0x45: {  	_ =	shalt  }
0x46: {  	_ =	shalt  }
0x47: {  	_ =	shalt  }
0x48: {  	_ =	shalt  }
0x49: {  	_ =	shalt  }
0x4a: {  	_ =	shalt  }
0x4b: {  	_ =	shalt  }
0x4c: {  	_ =	shalt  }
0x4d: {  	_ =	shalt  }
0x4e: {  	_ =	shalt  }
0x4f: {  	_ =	shalt  }
0x50: {  	_ =	shalt  }
0x51: {  	_ =	shalt  }
0x52: {  	_ =	shalt  }
0x53: {  	_ =	shalt  }
0x54: {  	_ =	shalt  }
0x55: {  	_ =	shalt  }
0x56: {  	_ =	shalt  }
0x57: {  	_ =	shalt  }
0x58: {  	_ =	shalt  }
0x59: {  	_ =	shalt  }
0x5a: {  	_ =	shalt  }
0x5b: {  	_ =	shalt  }
0x5c: {  	_ =	shalt  }
0x5d: {  	_ =	shalt  }
0x5e: {  	_ =	shalt  }
0x5f: {  	_ =	shalt  }
0x60: {  	_ =	shalt  }
0x61: {  	_ =	shalt  }
0x62: {  	_ =	shalt  }
0x63: {  	_ =	shalt  }
0x64: {  	_ =	shalt  }
0x65: {  	_ =	shalt  }
0x66: {  	_ =	shalt  }
0x67: {  	_ =	shalt  }
0x68: {  	_ =	shalt  }
0x69: {  	_ =	shalt  }
0x6a: {  	_ =	shalt  }
0x6b: {  	_ =	shalt  }
0x6c: {  	_ =	shalt  }
0x6d: {  	_ =	shalt  }
0x6e: {  	_ =	shalt  }
0x6f: {  	_ =	shalt  }
0x70: {  	_ =	shalt  }
0x71: {  	_ =	shalt  }
0x72: {  	_ =	shalt  }
0x73: {  	_ =	shalt  }
0x74: {  	_ =	shalt  }
0x75: {  	_ =	shalt  }
0x76: {  	_ =	shalt  }
0x77: {  	_ =	shalt  }
0x78: {  	_ =	shalt  }
0x79: {  	_ =	shalt  }
0x7a: {  	_ =	shalt  }
0x7b: {  	_ =	shalt  }
0x7c: {  	_ =	shalt  }
0x7d: {  	_ =	shalt  }
0x7e: {  	_ =	shalt  }
0x7f: {  	_ =	shalt  }
0x80: {  	_ =	shalt  }
0x81: {  	_ =	shalt  }
0x82: {  	_ =	shalt  }
0x83: {  	_ =	shalt  }
0x84: {  	_ =	shalt  }
0x85: {  	_ =	shalt  }
0x86: {  	_ =	shalt  }
0x87: {  	_ =	shalt  }
.Lfunc_end0:
.L_simem_size_0:
called_computation_lowered:
.L_overlay_start_0:
0x88: {  	s2 =	sld [smem:$0x3FD9]  }
0x89: {  	s3 =	sld [smem:$0x3FFE];
	_ =	sdelay $0x1  }
0x8a: {  	s1 =	srdreg.scid  }
0x8b: {  	s0 =	sand.u32 $0x1, s1  }
0x8c: {  	s17 =	sshll.u32 s0, $0xA;
	s2 =	sadd.s32 s3, s2  }
0x8d: {  	s2 =	sadd.s32 s2, s17  }
0x8e: {  	[smem:$0x3FC3] =	sst s2  }
0x8f: {  	_ = 	snop  }
0x90: {  	s2 =	sld [smem:$0x3FD0];
	(tm) =	ssettm $0x1  }
0x91: {  	s18 =	sld [smem:$0x3FFB];
	_ =	sdelay $0x3  }
0x92: {  	_ =	strace s18  }
0x93: {  	s3 =	sld [smem:$0x3FFC];
	_ =	sdelay $0x3  }
0x94: {  	_ =	strace s3  }
0x95: {  	s3 =	sld [smem:$0x3FFD];
	_ =	sdelay $0x3  }
0x96: {  	_ =	strace s3  }
0x97: {  	_ =	strace $0x8FFFFFFF  }
0x98: {  	s19 =	sld [smem:$0x3FDB];
	_ =	sdelay $0x1  }
0x99: {  	s4 =	simm.s32 $_scs_section_size  }
0x9a: {  	s5 =	simm.s32 $_size__tile_overlayer_lowered;
	s6 =	simm.s32 $_tile_overlayer_lowered  }
0x9b: {  	s22 =	simm.s32 $0x1BFF;
	s21 =	sshll.u32 s6, $0x1;
	s3 =	sadd.s32 s4, s19  }
0x9c: {  	s7 =	simm.s32 $0x0;
	s20 =	sshll.u32 s5, $0x1;
	s5 =	sadd.s32 s21, s3  }
0x9d: {  	[timem:s7], [sflag:s22] =	dma.local [hbm:s5], s20  }
0x9e: {  	_ =	swait.ge [sflag:s22], s20  }
0x9f: {  	s4 =	ssub.s32 $0x0, s20;
	[sflag:s22] =	ssyncset.done $0x0  }
0xa0: {  	[sflag:s22] =	ssyncadd.s32 s4;
	_ =	sdelay $0x1  }
0xa1: {  	s23 =	simm.s32 $0x1B8B  }
0xa2: {  	_ =	swait.ge [sflag:s23], $0x1  }
0xa3: {  	[sflag:s23] =	ssyncset.done $0x0  }
0xa4: {  	s25 =	simm.s32 $0x1B8E;
	s24 =	sld [smem:$0x3FFE];
	[sflag:s23] =	ssyncadd.s32 $0xFFFFFFFF  }
0xa5: {  	s26 =	simm.s32 $execute0_lowered;
	[smem:$0x3FD2] =	sst s25  }
0xa6: {  	s5 =	sshll.u32 s26, $0x1;
	_ =	strace $0x80000046;
	[dreg:$0x1] =	wrdreg $0xFFFFFFFF  }
0xa7: {  	s28 =	simm.s32 $_size_execute0_lowered;
	s3 =	sadd.s32 s3, s5;
	[dreg:$0x0] =	wrdreg $0x0  }
0xa8: {  	s5 =	sshll.u32 s28, $0x1;
	[dreg:$0x2] =	wrdreg s3  }
0xa9: {  	[dreg:$0x3] =	wrdreg s5  }
0xaa: {  	[dreg:$0x4] =	wrdreg $0xC0  }
0xab: {  	_ =	task [dreg:s7], $0x5FFFF  }
0xac: {  	[dreg:$0x1] =	wrdreg $0xFFFFFFFF  }
0xad: {  	[dreg:$0x0] =	wrdreg $0x60  }
0xae: {  	[dreg:$0x2] =	wrdreg s2  }
0xaf: {  	[dreg:$0x3] =	wrdreg s24  }
0xb0: {  	[dreg:$0x4] =	wrdreg $0x9  }
0xb1: {  	_ =	task.clear_ibuf [dreg:s7], $0x5FFFF;
	_ =	strace $0x90000046  }
0xb2: {  	s29 =	simm.s32 $0x9;
	_ =	strace $0x80000048  }
0xb3: {  	_ =	swait.ge [sflag:s29], $0x1  }
0xb4: {  	[sflag:s29] =	ssyncadd.s32 $0xFFFFFFFF  }
0xb5: {  	_ =	strace $0x90000048  }
0xb6: {  	_ =	sfence  }
0xb7: {  	s30 =	sld [smem:$0x0];
	_ =	sdelay $0x2  }
0xb8: {  	s31 =	sshll.u32 s1, $0xD;
	s1 =	sshrl.u32 s1, $0x2  }
0xb9: {  	s3 =	sand.u32 $0x4000, s31;
	s1 =	sadd.s32 s1, s30  }
0xba: {  	s0 =	sor.u32 s3, s0;
	s1 =	sshll.u32 s1, $0x11  }
0xbb: {  	s0 =	sor.u32 s1, s0  }
0xbc: {  	s0 =	sadd.s32 $0x8F2B, s0  }
0xbd: {  	[sflag:s0] =	ssyncadd.remote.s32 $0x1  }
0xbe: {  	_ =	sfence.sel $0xFFFF  }
0xbf: {  	[dreg:$0x0] =	wrdreg $0xFFFFFFFF;
	(pc) =	sbr.abs _section_cstart, $3  }
0xc0: {  	[dreg:$0x1] =	wrdreg $0xFFFFFFFF  }
0xc1: {  	_ =	task.clear_ibuf [dreg:s7], $0x2FFFF;
	_ =	strace $0x9FFFFFFF  }
0xc2: {  	(tm) =	ssettm $0x7FFFFFFF  }
0xc3: {  	_ =	shalt  }
tec
execute0_lowered:
.L_overlay_start_1:
0x0: {  	(tag) =	ssettag $0x1  }
0x1: {  	s2 =	rddreg [dreg:$0x0]  }
0x2: {  	s1 =	srdreg.scid;
	s0 =	stileid.u32  }
0x3: {  	s6 =	rddreg [dreg:$0x1];
	s3 =	simm.s32 $0x0;
	s11 =	simm.s32 $0x3  }
0x4: {  	s12 =	simm.s32 $0x100;
	s13 =	simm.s32 $0x200;
	s14 =	simm.s32 $0x8200  }
0x5: {  	s15 =	simm.s32 $0x1;
	s16 =	simm.s32 $0x10200;
	s17 =	simm.s32 $0x2  }
0x6: {  	s4 =	sand.u32 $0x1, s1;
	s5 =	sshll.u32 s0, $0x1;
	s1 =	rddreg [dreg:$0x2]  }
0x7: {  	s18 =	simm.s32 $0x0;
	[smem:$0x7FF] =	sst s3;
	s8 =	sor.u32 s4, s5  }
0x8: {  	s7 =	ssub.s32 $0x2, s4;
	_ =	strace $0x80000047;
	s9 =	smul.u32 $0x280, s8  }
0x9: {  	s5 =	sadd.s32 $0x1000, s6;
	s10 =	sshrl.u32 s7, $0x1;
	s4 =	smul.u32 $0x1400, s8  }
0xa: {  	s6 =	sadd.s32 $0x6000, s6;
	s8 =	smul.u32 $0xA000, s8;
	s10 =	ssub.s32 s7, s10  }
0xb: {  	s7 =	sadd.s32 s5, s9;
	s9 =	sor.u32 $0x200, s4;
	s10 =	smax.u32 s10, $0x1  }
.LBB2_1:
0xc: {  	[tilespmem:s3], [sflag:$0x3] =	stream.linear.gather [hbm4b:s7+s3], $0x100, $0x38;
	[tilespmem:$0x10A00] =	vst v63  }
0xd: {  	_ =	swait.ge [sflag:s11], $0x100  }
0xe: {  	[sflag:s11] =	ssyncset.done $0x0  }
0xf: {  	s19 =	simm.s32 $0x0;
	[sflag:s11] =	ssyncadd.s32 $0xFFFFFF00  }
0x10: {  	[tilespmem:s13], [sflag:$0x1] =	stream.indirect.gather [hbm4b:s2+s12], $0x80, s3, s12, $0xb8;
	[tilespmem:$0x10A00] =	vst v63  }
.LBB2_2:
0x11: {  	s20 =	sshllo.u32 s19, $0x1  }
0x12: {  	s21 =	sshll.u32 s20, $0x8  }
0x13: {  	s21 =	sadd.s32 s4, s21  }
0x14: {  	s21 =	sshrl.u32 s21, $0x3  }
0x15: {  	s22 =	simm.s32 $0x0;
	s21 =	sadd.s32 s5, s21  }
0x16: {  	[tilespmem:s12], [sflag:$0x3] =	stream.linear.gather [hbm4b:s21+s22], $0x100, $0x38;
	[tilespmem:$0x10A00] =	vst v63  }
0x17: {  	_ =	swait.ge [sflag:s11], $0x100  }
0x18: {  	[sflag:s11] =	ssyncset.done $0x0  }
0x19: {  	[sflag:s11] =	ssyncadd.s32 $0xFFFFFF00  }
0x1a: {  	[tilespmem:s14], [sflag:$0x2] =	stream.indirect.gather [hbm4b:s2+s12], $0x80, s12, s12, $0xb8;
	[tilespmem:$0x10A00] =	vst v63  }
0x1b: {  	_ =	swait.ge [sflag:s15], $0x8000  }
0x1c: {  	[sflag:s15] =	ssyncset.done $0x0  }
0x1d: {  	s21 =	simm.s32 $0x600;
	[sflag:s15] =	ssyncadd.s32 $0xFFFF8000  }
0x1e: {  	v0 =	vld [tilespmem:s21+$0xFFFFFC80]  }
0x1f: {  	v1 =	vld [tilespmem:s21+$0xFFFFFC00]  }
0x20: {  	v2 =	vld [tilespmem:s21+$0xFFFFFD00]  }
0x21: {  	v3 =	vld [tilespmem:s21+$0xFFFFFD80]  }
0x22: {  	v4 =	vld [tilespmem:s21+$0xFFFFFE00]  }
0x23: {  	v5 =	vld [tilespmem:s21+$0xFFFFFE80]  }
0x24: {  	v0 =	vmax.f32 v1, v0;
	v1 =	vld [tilespmem:s21+$0xFFFFFF00]  }
0x25: {  	v0 =	vmax.f32 v0, v2;
	v2 =	vld [tilespmem:s21+$0xFFFFFF80]  }
0x26: {  	v0 =	vmax.f32 v0, v3;
	v3 =	vld [tilespmem:s21+$0x0]  }
0x27: {  	v0 =	vmax.f32 v0, v4;
	v4 =	vld [tilespmem:s21+$0x80]  }
0x28: {  	v0 =	vmax.f32 v0, v5;
	v5 =	vld [tilespmem:s21+$0x100]  }
0x29: {  	v0 =	vmax.f32 v0, v1;
	v1 =	vld [tilespmem:s21+$0x180]  }
0x2a: {  	v0 =	vmax.f32 v0, v2;
	v2 =	vld [tilespmem:s21+$0x200]  }
0x2b: {  	v0 =	vmax.f32 v0, v3;
	v3 =	vld [tilespmem:s21+$0x280]  }
0x2c: {  	v0 =	vmax.f32 v0, v4;
	v4 =	vld [tilespmem:s21+$0x300]  }
0x2d: {  	v0 =	vmax.f32 v0, v5;
	v5 =	vld [tilespmem:s21+$0x380]  }
0x2e: {  	v0 =	vmax.f32 v0, v1  }
0x2f: {  	v0 =	vmax.f32 v0, v2  }
0x30: {  	v0 =	vmax.f32 v0, v3  }
0x31: {  	v0 =	vmax.f32 v0, v4  }
0x32: {  	s22 =	simm.s32 $0x0;
	v0 =	vmax.f32 v0, v5  }
0x33: {  	[tilespmem:s22+$0x10200] =	vst v0  }
0x34: {  	v0 =	vld [tilespmem:s21+$0xFFFFFC10]  }
0x35: {  	v1 =	vld [tilespmem:s21+$0xFFFFFC90]  }
0x36: {  	v2 =	vld [tilespmem:s21+$0xFFFFFD10]  }
0x37: {  	v3 =	vld [tilespmem:s21+$0xFFFFFD90]  }
0x38: {  	v4 =	vld [tilespmem:s21+$0xFFFFFE10]  }
0x39: {  	v5 =	vld [tilespmem:s21+$0xFFFFFE90]  }
0x3a: {  	v0 =	vmax.f32 v0, v1;
	v1 =	vld [tilespmem:s21+$0xFFFFFF10]  }
0x3b: {  	v0 =	vmax.f32 v0, v2;
	v2 =	vld [tilespmem:s21+$0xFFFFFF90]  }
0x3c: {  	v0 =	vmax.f32 v0, v3;
	v3 =	vld [tilespmem:s21+$0x10]  }
0x3d: {  	v0 =	vmax.f32 v0, v4;
	v4 =	vld [tilespmem:s21+$0x90]  }
0x3e: {  	v0 =	vmax.f32 v0, v5;
	v5 =	vld [tilespmem:s21+$0x110]  }
0x3f: {  	v0 =	vmax.f32 v0, v1;
	v1 =	vld [tilespmem:s21+$0x190]  }
0x40: {  	v0 =	vmax.f32 v0, v2;
	v2 =	vld [tilespmem:s21+$0x210]  }
0x41: {  	v0 =	vmax.f32 v0, v3;
	v3 =	vld [tilespmem:s21+$0x290]  }
0x42: {  	v0 =	vmax.f32 v0, v4;
	v4 =	vld [tilespmem:s21+$0x310]  }
0x43: {  	v0 =	vmax.f32 v0, v5;
	v5 =	vld [tilespmem:s21+$0x390]  }
0x44: {  	v0 =	vmax.f32 v0, v1  }
0x45: {  	v0 =	vmax.f32 v0, v2  }
0x46: {  	v0 =	vmax.f32 v0, v3  }
0x47: {  	v0 =	vmax.f32 v0, v4  }
0x48: {  	v0 =	vmax.f32 v0, v5  }
0x49: {  	[tilespmem:s22+$0x10210] =	vst v0  }
0x4a: {  	v0 =	vld [tilespmem:s21+$0xFFFFFC20]  }
0x4b: {  	v1 =	vld [tilespmem:s21+$0xFFFFFCA0]  }
0x4c: {  	v2 =	vld [tilespmem:s21+$0xFFFFFD20]  }
0x4d: {  	v3 =	vld [tilespmem:s21+$0xFFFFFDA0]  }
0x4e: {  	v4 =	vld [tilespmem:s21+$0xFFFFFE20]  }
0x4f: {  	v5 =	vld [tilespmem:s21+$0xFFFFFEA0]  }
0x50: {  	v0 =	vmax.f32 v0, v1;
	v1 =	vld [tilespmem:s21+$0xFFFFFF20]  }
0x51: {  	v0 =	vmax.f32 v0, v2;
	v2 =	vld [tilespmem:s21+$0xFFFFFFA0]  }
0x52: {  	v0 =	vmax.f32 v0, v3;
	v3 =	vld [tilespmem:s21+$0x20]  }
0x53: {  	v0 =	vmax.f32 v0, v4;
	v4 =	vld [tilespmem:s21+$0xA0]  }
0x54: {  	v0 =	vmax.f32 v0, v5;
	v5 =	vld [tilespmem:s21+$0x120]  }
0x55: {  	v0 =	vmax.f32 v0, v1;
	v1 =	vld [tilespmem:s21+$0x1A0]  }
0x56: {  	v0 =	vmax.f32 v0, v2;
	v2 =	vld [tilespmem:s21+$0x220]  }
0x57: {  	v0 =	vmax.f32 v0, v3;
	v3 =	vld [tilespmem:s21+$0x2A0]  }
0x58: {  	v0 =	vmax.f32 v0, v4;
	v4 =	vld [tilespmem:s21+$0x320]  }
0x59: {  	v0 =	vmax.f32 v0, v5;
	v5 =	vld [tilespmem:s21+$0x3A0]  }
0x5a: {  	v0 =	vmax.f32 v0, v1  }
0x5b: {  	v0 =	vmax.f32 v0, v2  }
0x5c: {  	v0 =	vmax.f32 v0, v3  }
0x5d: {  	v0 =	vmax.f32 v0, v4  }
0x5e: {  	v0 =	vmax.f32 v0, v5  }
0x5f: {  	[tilespmem:s22+$0x10220] =	vst v0  }
0x60: {  	v0 =	vld [tilespmem:s21+$0xFFFFFC30]  }
0x61: {  	v1 =	vld [tilespmem:s21+$0xFFFFFCB0]  }
0x62: {  	v2 =	vld [tilespmem:s21+$0xFFFFFD30]  }
0x63: {  	v3 =	vld [tilespmem:s21+$0xFFFFFDB0]  }
0x64: {  	v4 =	vld [tilespmem:s21+$0xFFFFFE30]  }
0x65: {  	v5 =	vld [tilespmem:s21+$0xFFFFFEB0]  }
0x66: {  	v0 =	vmax.f32 v0, v1;
	v1 =	vld [tilespmem:s21+$0xFFFFFF30]  }
0x67: {  	v0 =	vmax.f32 v0, v2;
	v2 =	vld [tilespmem:s21+$0xFFFFFFB0]  }
0x68: {  	v0 =	vmax.f32 v0, v3;
	v3 =	vld [tilespmem:s21+$0x30]  }
0x69: {  	v0 =	vmax.f32 v0, v4;
	v4 =	vld [tilespmem:s21+$0xB0]  }
0x6a: {  	v0 =	vmax.f32 v0, v5;
	v5 =	vld [tilespmem:s21+$0x130]  }
0x6b: {  	v0 =	vmax.f32 v0, v1;
	v1 =	vld [tilespmem:s21+$0x1B0]  }
0x6c: {  	v0 =	vmax.f32 v0, v2;
	v2 =	vld [tilespmem:s21+$0x230]  }
0x6d: {  	v0 =	vmax.f32 v0, v3;
	v3 =	vld [tilespmem:s21+$0x2B0]  }
0x6e: {  	v0 =	vmax.f32 v0, v4;
	v4 =	vld [tilespmem:s21+$0x330]  }
0x6f: {  	v0 =	vmax.f32 v0, v5;
	v5 =	vld [tilespmem:s21+$0x3B0]  }
0x70: {  	v0 =	vmax.f32 v0, v1  }
0x71: {  	v0 =	vmax.f32 v0, v2  }
0x72: {  	v0 =	vmax.f32 v0, v3  }
0x73: {  	v0 =	vmax.f32 v0, v4  }
0x74: {  	v0 =	vmax.f32 v0, v5  }
0x75: {  	[tilespmem:s22+$0x10230] =	vst v0  }
0x76: {  	v0 =	vld [tilespmem:s21+$0xFFFFFC40]  }
0x77: {  	v1 =	vld [tilespmem:s21+$0xFFFFFCC0]  }
0x78: {  	v2 =	vld [tilespmem:s21+$0xFFFFFD40]  }
0x79: {  	v3 =	vld [tilespmem:s21+$0xFFFFFDC0]  }
0x7a: {  	v4 =	vld [tilespmem:s21+$0xFFFFFE40]  }
0x7b: {  	v5 =	vld [tilespmem:s21+$0xFFFFFEC0]  }
0x7c: {  	v0 =	vmax.f32 v0, v1;
	v1 =	vld [tilespmem:s21+$0xFFFFFF40]  }
0x7d: {  	v0 =	vmax.f32 v0, v2;
	v2 =	vld [tilespmem:s21+$0xFFFFFFC0]  }
0x7e: {  	v0 =	vmax.f32 v0, v3;
	v3 =	vld [tilespmem:s21+$0x40]  }
0x7f: {  	v0 =	vmax.f32 v0, v4;
	v4 =	vld [tilespmem:s21+$0xC0]  }
0x80: {  	v0 =	vmax.f32 v0, v5;
	v5 =	vld [tilespmem:s21+$0x140]  }
0x81: {  	v0 =	vmax.f32 v0, v1;
	v1 =	vld [tilespmem:s21+$0x1C0]  }
0x82: {  	v0 =	vmax.f32 v0, v2;
	v2 =	vld [tilespmem:s21+$0x240]  }
0x83: {  	v0 =	vmax.f32 v0, v3;
	v3 =	vld [tilespmem:s21+$0x2C0]  }
0x84: {  	v0 =	vmax.f32 v0, v4;
	v4 =	vld [tilespmem:s21+$0x340]  }
0x85: {  	v0 =	vmax.f32 v0, v5;
	v5 =	vld [tilespmem:s21+$0x3C0]  }
0x86: {  	v0 =	vmax.f32 v0, v1  }
0x87: {  	v0 =	vmax.f32 v0, v2  }
0x88: {  	v0 =	vmax.f32 v0, v3  }
0x89: {  	v0 =	vmax.f32 v0, v4  }
0x8a: {  	v0 =	vmax.f32 v0, v5  }
0x8b: {  	[tilespmem:s22+$0x10240] =	vst v0  }
0x8c: {  	v0 =	vld [tilespmem:s21+$0xFFFFFC50]  }
0x8d: {  	v1 =	vld [tilespmem:s21+$0xFFFFFCD0]  }
0x8e: {  	v2 =	vld [tilespmem:s21+$0xFFFFFD50]  }
0x8f: {  	v3 =	vld [tilespmem:s21+$0xFFFFFDD0]  }
0x90: {  	v4 =	vld [tilespmem:s21+$0xFFFFFE50]  }
0x91: {  	v5 =	vld [tilespmem:s21+$0xFFFFFED0]  }
0x92: {  	v0 =	vmax.f32 v0, v1;
	v1 =	vld [tilespmem:s21+$0xFFFFFF50]  }
0x93: {  	v0 =	vmax.f32 v0, v2;
	v2 =	vld [tilespmem:s21+$0xFFFFFFD0]  }
0x94: {  	v0 =	vmax.f32 v0, v3;
	v3 =	vld [tilespmem:s21+$0x50]  }
0x95: {  	v0 =	vmax.f32 v0, v4;
	v4 =	vld [tilespmem:s21+$0xD0]  }
0x96: {  	v0 =	vmax.f32 v0, v5;
	v5 =	vld [tilespmem:s21+$0x150]  }
0x97: {  	v0 =	vmax.f32 v0, v1;
	v1 =	vld [tilespmem:s21+$0x1D0]  }
0x98: {  	v0 =	vmax.f32 v0, v2;
	v2 =	vld [tilespmem:s21+$0x250]  }
0x99: {  	v0 =	vmax.f32 v0, v3;
	v3 =	vld [tilespmem:s21+$0x2D0]  }
0x9a: {  	v0 =	vmax.f32 v0, v4;
	v4 =	vld [tilespmem:s21+$0x350]  }
0x9b: {  	v0 =	vmax.f32 v0, v5;
	v5 =	vld [tilespmem:s21+$0x3D0]  }
0x9c: {  	v0 =	vmax.f32 v0, v1  }
0x9d: {  	v0 =	vmax.f32 v0, v2  }
0x9e: {  	v0 =	vmax.f32 v0, v3  }
0x9f: {  	v0 =	vmax.f32 v0, v4  }
0xa0: {  	v0 =	vmax.f32 v0, v5  }
0xa1: {  	[tilespmem:s22+$0x10250] =	vst v0  }
0xa2: {  	v0 =	vld [tilespmem:s21+$0xFFFFFC60]  }
0xa3: {  	v1 =	vld [tilespmem:s21+$0xFFFFFCE0]  }
0xa4: {  	v2 =	vld [tilespmem:s21+$0xFFFFFD60]  }
0xa5: {  	v3 =	vld [tilespmem:s21+$0xFFFFFDE0]  }
0xa6: {  	v4 =	vld [tilespmem:s21+$0xFFFFFE60]  }
0xa7: {  	v5 =	vld [tilespmem:s21+$0xFFFFFEE0]  }
0xa8: {  	v0 =	vmax.f32 v0, v1;
	v1 =	vld [tilespmem:s21+$0xFFFFFF60]  }
0xa9: {  	v0 =	vmax.f32 v0, v2;
	v2 =	vld [tilespmem:s21+$0xFFFFFFE0]  }
0xaa: {  	v0 =	vmax.f32 v0, v3;
	v3 =	vld [tilespmem:s21+$0x60]  }
0xab: {  	v0 =	vmax.f32 v0, v4;
	v4 =	vld [tilespmem:s21+$0xE0]  }
0xac: {  	v0 =	vmax.f32 v0, v5;
	v5 =	vld [tilespmem:s21+$0x160]  }
0xad: {  	v0 =	vmax.f32 v0, v1;
	v1 =	vld [tilespmem:s21+$0x1E0]  }
0xae: {  	v0 =	vmax.f32 v0, v2;
	v2 =	vld [tilespmem:s21+$0x260]  }
0xaf: {  	v0 =	vmax.f32 v0, v3;
	v3 =	vld [tilespmem:s21+$0x2E0]  }
0xb0: {  	v0 =	vmax.f32 v0, v4;
	v4 =	vld [tilespmem:s21+$0x360]  }
0xb1: {  	v0 =	vmax.f32 v0, v5;
	v5 =	vld [tilespmem:s21+$0x3E0]  }
0xb2: {  	v0 =	vmax.f32 v0, v1  }
0xb3: {  	v0 =	vmax.f32 v0, v2  }
0xb4: {  	v0 =	vmax.f32 v0, v3  }
0xb5: {  	v0 =	vmax.f32 v0, v4  }
0xb6: {  	v0 =	vmax.f32 v0, v5  }
0xb7: {  	[tilespmem:s22+$0x10260] =	vst v0  }
0xb8: {  	v0 =	vld [tilespmem:s21+$0xFFFFFC70]  }
0xb9: {  	v1 =	vld [tilespmem:s21+$0xFFFFFCF0]  }
0xba: {  	v2 =	vld [tilespmem:s21+$0xFFFFFD70]  }
0xbb: {  	v3 =	vld [tilespmem:s21+$0xFFFFFDF0]  }
0xbc: {  	v5 =	vld [tilespmem:s21+$0xFFFFFE70]  }
0xbd: {  	v6 =	vld [tilespmem:s21+$0xFFFFFEF0]  }
0xbe: {  	v7 =	vld [tilespmem:s21+$0xFFFFFF70];
	v0 =	vmax.f32 v0, v1  }
0xbf: {  	v8 =	vld [tilespmem:s21+$0xFFFFFFF0];
	v0 =	vmax.f32 v0, v2  }
0xc0: {  	v4 =	vld [tilespmem:s21+$0x70];
	v0 =	vmax.f32 v0, v3  }
0xc1: {  	v1 =	vld [tilespmem:s21+$0xF0];
	v0 =	vmax.f32 v0, v5  }
0xc2: {  	v2 =	vld [tilespmem:s21+$0x170];
	v0 =	vmax.f32 v0, v6  }
0xc3: {  	v3 =	vmax.f32 v0, v7;
	v0 =	vld [tilespmem:s21+$0x1F0]  }
0xc4: {  	s23 =	simm.s32 $0x200;
	s24 =	simm.s32 $0x600;
	v5 =	vmax.f32 v3, v8;
	v3 =	vld [tilespmem:s21+$0x270]  }
.LBB2_3:
0xc5: {  	p0 =	sne.s32 s23, $0x1E00  }
0xc6: {  	v4 =	vmax.f32 v5, v4;
	v5 =	vld [tilespmem:s21+$0x2F0];
	s24 =	sadd.s32 $0x800, s24;
	s25 =	smov.u32 s23;
	s23 =	sadd.s32 $0x200, s23  }
0xc7: {  	v1 =	vmax.f32 v4, v1;
	v4 =	vld [tilespmem:s21+$0x370]  }
0xc8: {  	v1 =	vmax.f32 v1, v2;
	v2 =	vld [tilespmem:s21+$0x3F0];
	s21 =	smov.u32 s24  }
0xc9: {  	v0 =	vmax.f32 v1, v0  }
0xca: {  	v0 =	vmax.f32 v0, v3  }
0xcb: {  	v0 =	vmax.f32 v0, v5  }
0xcc: {  	v0 =	vmax.f32 v0, v4  }
0xcd: {  	v0 =	vmax.f32 v0, v2  }
0xce: {  	[tilespmem:s22+$0x10270] =	vst v0  }
0xcf: {  	v0 =	vld [tilespmem:s24+$0xFFFFFD00]  }
0xd0: {  	v1 =	vld [tilespmem:s24+$0xFFFFFC80]  }
0xd1: {  	v2 =	vld [tilespmem:s24+$0xFFFFFC00]  }
0xd2: {  	v3 =	vld [tilespmem:s24+$0xFFFFFD80]  }
0xd3: {  	v4 =	vld [tilespmem:s24+$0xFFFFFE00];
	_ =	sdelay $0x1  }
0xd4: {  	v5 =	vld [tilespmem:s24+$0xFFFFFE80]  }
0xd5: {  	v1 =	vmax.f32 v2, v1;
	v2 =	vld [tilespmem:s24+$0xFFFFFF00]  }
0xd6: {  	v0 =	vmax.f32 v1, v0;
	v1 =	vld [tilespmem:s24+$0xFFFFFF80]  }
0xd7: {  	v0 =	vmax.f32 v0, v3;
	v3 =	vld [tilespmem:s24+$0x0]  }
0xd8: {  	v0 =	vmax.f32 v0, v4;
	v4 =	vld [tilespmem:s24+$0x80]  }
0xd9: {  	v0 =	vmax.f32 v0, v5;
	v5 =	vld [tilespmem:s24+$0x100]  }
0xda: {  	v0 =	vmax.f32 v0, v2;
	v2 =	vld [tilespmem:s24+$0x180]  }
0xdb: {  	v0 =	vmax.f32 v0, v1;
	v1 =	vld [tilespmem:s24+$0x200]  }
0xdc: {  	v0 =	vmax.f32 v0, v3;
	v3 =	vld [tilespmem:s24+$0x280]  }
0xdd: {  	v0 =	vmax.f32 v0, v4;
	v4 =	vld [tilespmem:s24+$0x300]  }
0xde: {  	v0 =	vmax.f32 v0, v5;
	v5 =	vld [tilespmem:s24+$0x380]  }
0xdf: {  	v0 =	vmax.f32 v0, v2  }
0xe0: {  	v0 =	vmax.f32 v0, v1  }
0xe1: {  	v0 =	vmax.f32 v0, v3  }
0xe2: {  	v0 =	vmax.f32 v0, v4  }
0xe3: {  	s22 =	sshra.s32 s25, $0x2;
	v0 =	vmax.f32 v0, v5  }
0xe4: {  	[tilespmem:s22+$0x10200] =	vst v0  }
0xe5: {  	v0 =	vld [tilespmem:s24+$0xFFFFFC10]  }
0xe6: {  	v1 =	vld [tilespmem:s24+$0xFFFFFC90]  }
0xe7: {  	v2 =	vld [tilespmem:s24+$0xFFFFFD10]  }
0xe8: {  	v3 =	vld [tilespmem:s24+$0xFFFFFD90]  }
0xe9: {  	v4 =	vld [tilespmem:s24+$0xFFFFFE10]  }
0xea: {  	v5 =	vld [tilespmem:s24+$0xFFFFFE90]  }
0xeb: {  	v0 =	vmax.f32 v0, v1;
	v1 =	vld [tilespmem:s24+$0xFFFFFF10]  }
0xec: {  	v0 =	vmax.f32 v0, v2;
	v2 =	vld [tilespmem:s24+$0xFFFFFF90]  }
0xed: {  	v0 =	vmax.f32 v0, v3;
	v3 =	vld [tilespmem:s24+$0x10]  }
0xee: {  	v0 =	vmax.f32 v0, v4;
	v4 =	vld [tilespmem:s24+$0x90]  }
0xef: {  	v0 =	vmax.f32 v0, v5;
	v5 =	vld [tilespmem:s24+$0x110]  }
0xf0: {  	v0 =	vmax.f32 v0, v1;
	v1 =	vld [tilespmem:s24+$0x190]  }
0xf1: {  	v0 =	vmax.f32 v0, v2;
	v2 =	vld [tilespmem:s24+$0x210]  }
0xf2: {  	v0 =	vmax.f32 v0, v3;
	v3 =	vld [tilespmem:s24+$0x290]  }
0xf3: {  	v0 =	vmax.f32 v0, v4;
	v4 =	vld [tilespmem:s24+$0x310]  }
0xf4: {  	v0 =	vmax.f32 v0, v5;
	v5 =	vld [tilespmem:s24+$0x390]  }
0xf5: {  	v0 =	vmax.f32 v0, v1  }
0xf6: {  	v0 =	vmax.f32 v0, v2  }
0xf7: {  	v0 =	vmax.f32 v0, v3  }
0xf8: {  	v0 =	vmax.f32 v0, v4  }
0xf9: {  	v0 =	vmax.f32 v0, v5  }
0xfa: {  	[tilespmem:s22+$0x10210] =	vst v0  }
0xfb: {  	v0 =	vld [tilespmem:s24+$0xFFFFFC20]  }
0xfc: {  	v1 =	vld [tilespmem:s24+$0xFFFFFCA0]  }
0xfd: {  	v2 =	vld [tilespmem:s24+$0xFFFFFD20]  }
0xfe: {  	v3 =	vld [tilespmem:s24+$0xFFFFFDA0]  }
0xff: {  	v4 =	vld [tilespmem:s24+$0xFFFFFE20]  }
0x100: {  	v5 =	vld [tilespmem:s24+$0xFFFFFEA0]  }
0x101: {  	v0 =	vmax.f32 v0, v1;
	v1 =	vld [tilespmem:s24+$0xFFFFFF20]  }
0x102: {  	v0 =	vmax.f32 v0, v2;
	v2 =	vld [tilespmem:s24+$0xFFFFFFA0]  }
0x103: {  	v0 =	vmax.f32 v0, v3;
	v3 =	vld [tilespmem:s24+$0x20]  }
0x104: {  	v0 =	vmax.f32 v0, v4;
	v4 =	vld [tilespmem:s24+$0xA0]  }
0x105: {  	v0 =	vmax.f32 v0, v5;
	v5 =	vld [tilespmem:s24+$0x120]  }
0x106: {  	v0 =	vmax.f32 v0, v1;
	v1 =	vld [tilespmem:s24+$0x1A0]  }
0x107: {  	v0 =	vmax.f32 v0, v2;
	v2 =	vld [tilespmem:s24+$0x220]  }
0x108: {  	v0 =	vmax.f32 v0, v3;
	v3 =	vld [tilespmem:s24+$0x2A0]  }
0x109: {  	v0 =	vmax.f32 v0, v4;
	v4 =	vld [tilespmem:s24+$0x320]  }
0x10a: {  	v0 =	vmax.f32 v0, v5;
	v5 =	vld [tilespmem:s24+$0x3A0]  }
0x10b: {  	v0 =	vmax.f32 v0, v1  }
0x10c: {  	v0 =	vmax.f32 v0, v2  }
0x10d: {  	v0 =	vmax.f32 v0, v3  }
0x10e: {  	v0 =	vmax.f32 v0, v4  }
0x10f: {  	v0 =	vmax.f32 v0, v5  }
0x110: {  	[tilespmem:s22+$0x10220] =	vst v0  }
0x111: {  	v0 =	vld [tilespmem:s24+$0xFFFFFC30]  }
0x112: {  	v1 =	vld [tilespmem:s24+$0xFFFFFCB0]  }
0x113: {  	v2 =	vld [tilespmem:s24+$0xFFFFFD30]  }
0x114: {  	v3 =	vld [tilespmem:s24+$0xFFFFFDB0]  }
0x115: {  	v4 =	vld [tilespmem:s24+$0xFFFFFE30]  }
0x116: {  	v5 =	vld [tilespmem:s24+$0xFFFFFEB0]  }
0x117: {  	v0 =	vmax.f32 v0, v1;
	v1 =	vld [tilespmem:s24+$0xFFFFFF30]  }
0x118: {  	v0 =	vmax.f32 v0, v2;
	v2 =	vld [tilespmem:s24+$0xFFFFFFB0]  }
0x119: {  	v0 =	vmax.f32 v0, v3;
	v3 =	vld [tilespmem:s24+$0x30]  }
0x11a: {  	v0 =	vmax.f32 v0, v4;
	v4 =	vld [tilespmem:s24+$0xB0]  }
0x11b: {  	v0 =	vmax.f32 v0, v5;
	v5 =	vld [tilespmem:s24+$0x130]  }
0x11c: {  	v0 =	vmax.f32 v0, v1;
	v1 =	vld [tilespmem:s24+$0x1B0]  }
0x11d: {  	v0 =	vmax.f32 v0, v2;
	v2 =	vld [tilespmem:s24+$0x230]  }
0x11e: {  	v0 =	vmax.f32 v0, v3;
	v3 =	vld [tilespmem:s24+$0x2B0]  }
0x11f: {  	v0 =	vmax.f32 v0, v4;
	v4 =	vld [tilespmem:s24+$0x330]  }
0x120: {  	v0 =	vmax.f32 v0, v5;
	v5 =	vld [tilespmem:s24+$0x3B0]  }
0x121: {  	v0 =	vmax.f32 v0, v1  }
0x122: {  	v0 =	vmax.f32 v0, v2  }
0x123: {  	v0 =	vmax.f32 v0, v3  }
0x124: {  	v0 =	vmax.f32 v0, v4  }
0x125: {  	v0 =	vmax.f32 v0, v5  }
0x126: {  	[tilespmem:s22+$0x10230] =	vst v0  }
0x127: {  	v0 =	vld [tilespmem:s24+$0xFFFFFC40]  }
0x128: {  	v1 =	vld [tilespmem:s24+$0xFFFFFCC0]  }
0x129: {  	v2 =	vld [tilespmem:s24+$0xFFFFFD40]  }
0x12a: {  	v3 =	vld [tilespmem:s24+$0xFFFFFDC0]  }
0x12b: {  	v4 =	vld [tilespmem:s24+$0xFFFFFE40]  }
0x12c: {  	v5 =	vld [tilespmem:s24+$0xFFFFFEC0]  }
0x12d: {  	v0 =	vmax.f32 v0, v1;
	v1 =	vld [tilespmem:s24+$0xFFFFFF40]  }
0x12e: {  	v0 =	vmax.f32 v0, v2;
	v2 =	vld [tilespmem:s24+$0xFFFFFFC0]  }
0x12f: {  	v0 =	vmax.f32 v0, v3;
	v3 =	vld [tilespmem:s24+$0x40]  }
0x130: {  	v0 =	vmax.f32 v0, v4;
	v4 =	vld [tilespmem:s24+$0xC0]  }
0x131: {  	v0 =	vmax.f32 v0, v5;
	v5 =	vld [tilespmem:s24+$0x140]  }
0x132: {  	v0 =	vmax.f32 v0, v1;
	v1 =	vld [tilespmem:s24+$0x1C0]  }
0x133: {  	v0 =	vmax.f32 v0, v2;
	v2 =	vld [tilespmem:s24+$0x240]  }
0x134: {  	v0 =	vmax.f32 v0, v3;
	v3 =	vld [tilespmem:s24+$0x2C0]  }
0x135: {  	v0 =	vmax.f32 v0, v4;
	v4 =	vld [tilespmem:s24+$0x340]  }
0x136: {  	v0 =	vmax.f32 v0, v5;
	v5 =	vld [tilespmem:s24+$0x3C0]  }
0x137: {  	v0 =	vmax.f32 v0, v1  }
0x138: {  	v0 =	vmax.f32 v0, v2  }
0x139: {  	v0 =	vmax.f32 v0, v3  }
0x13a: {  	v0 =	vmax.f32 v0, v4  }
0x13b: {  	v0 =	vmax.f32 v0, v5  }
0x13c: {  	[tilespmem:s22+$0x10240] =	vst v0  }
0x13d: {  	v0 =	vld [tilespmem:s24+$0xFFFFFC50]  }
0x13e: {  	v1 =	vld [tilespmem:s24+$0xFFFFFCD0]  }
0x13f: {  	v2 =	vld [tilespmem:s24+$0xFFFFFD50]  }
0x140: {  	v3 =	vld [tilespmem:s24+$0xFFFFFDD0]  }
0x141: {  	v4 =	vld [tilespmem:s24+$0xFFFFFE50]  }
0x142: {  	v5 =	vld [tilespmem:s24+$0xFFFFFED0]  }
0x143: {  	v0 =	vmax.f32 v0, v1;
	v1 =	vld [tilespmem:s24+$0xFFFFFF50]  }
0x144: {  	v0 =	vmax.f32 v0, v2;
	v2 =	vld [tilespmem:s24+$0xFFFFFFD0]  }
0x145: {  	v0 =	vmax.f32 v0, v3;
	v3 =	vld [tilespmem:s24+$0x50]  }
0x146: {  	v0 =	vmax.f32 v0, v4;
	v4 =	vld [tilespmem:s24+$0xD0]  }
0x147: {  	v0 =	vmax.f32 v0, v5;
	v5 =	vld [tilespmem:s24+$0x150]  }
0x148: {  	v0 =	vmax.f32 v0, v1;
	v1 =	vld [tilespmem:s24+$0x1D0]  }
0x149: {  	v0 =	vmax.f32 v0, v2;
	v2 =	vld [tilespmem:s24+$0x250]  }
0x14a: {  	v0 =	vmax.f32 v0, v3;
	v3 =	vld [tilespmem:s24+$0x2D0]  }
0x14b: {  	v0 =	vmax.f32 v0, v4;
	v4 =	vld [tilespmem:s24+$0x350]  }
0x14c: {  	v0 =	vmax.f32 v0, v5;
	v5 =	vld [tilespmem:s24+$0x3D0]  }
0x14d: {  	v0 =	vmax.f32 v0, v1  }
0x14e: {  	v0 =	vmax.f32 v0, v2  }
0x14f: {  	v0 =	vmax.f32 v0, v3  }
0x150: {  	v0 =	vmax.f32 v0, v4  }
0x151: {  	v0 =	vmax.f32 v0, v5  }
0x152: {  	[tilespmem:s22+$0x10250] =	vst v0  }
0x153: {  	v0 =	vld [tilespmem:s24+$0xFFFFFC60]  }
0x154: {  	v1 =	vld [tilespmem:s24+$0xFFFFFCE0]  }
0x155: {  	v2 =	vld [tilespmem:s24+$0xFFFFFD60]  }
0x156: {  	v3 =	vld [tilespmem:s24+$0xFFFFFDE0]  }
0x157: {  	v4 =	vld [tilespmem:s24+$0xFFFFFE60]  }
0x158: {  	v5 =	vld [tilespmem:s24+$0xFFFFFEE0]  }
0x159: {  	v0 =	vmax.f32 v0, v1;
	v1 =	vld [tilespmem:s24+$0xFFFFFF60]  }
0x15a: {  	v0 =	vmax.f32 v0, v2;
	v2 =	vld [tilespmem:s24+$0xFFFFFFE0]  }
0x15b: {  	v0 =	vmax.f32 v0, v3;
	v3 =	vld [tilespmem:s24+$0x60]  }
0x15c: {  	v0 =	vmax.f32 v0, v4;
	v4 =	vld [tilespmem:s24+$0xE0]  }
0x15d: {  	v0 =	vmax.f32 v0, v5;
	v5 =	vld [tilespmem:s24+$0x160]  }
0x15e: {  	v0 =	vmax.f32 v0, v1;
	v1 =	vld [tilespmem:s24+$0x1E0]  }
0x15f: {  	v0 =	vmax.f32 v0, v2;
	v2 =	vld [tilespmem:s24+$0x260]  }
0x160: {  	v0 =	vmax.f32 v0, v3;
	v3 =	vld [tilespmem:s24+$0x2E0]  }
0x161: {  	v0 =	vmax.f32 v0, v4;
	v4 =	vld [tilespmem:s24+$0x360]  }
0x162: {  	v0 =	vmax.f32 v0, v5;
	v5 =	vld [tilespmem:s24+$0x3E0]  }
0x163: {  	v0 =	vmax.f32 v0, v1  }
0x164: {  	v0 =	vmax.f32 v0, v2  }
0x165: {  	v0 =	vmax.f32 v0, v3  }
0x166: {  	v0 =	vmax.f32 v0, v4  }
0x167: {  	v0 =	vmax.f32 v0, v5  }
0x168: {  	[tilespmem:s22+$0x10260] =	vst v0  }
0x169: {  	v0 =	vld [tilespmem:s24+$0xFFFFFC70]  }
0x16a: {  	v1 =	vld [tilespmem:s24+$0xFFFFFCF0]  }
0x16b: {  	v2 =	vld [tilespmem:s24+$0xFFFFFD70]  }
0x16c: {  	v3 =	vld [tilespmem:s24+$0xFFFFFDF0]  }
0x16d: {  	v5 =	vld [tilespmem:s24+$0xFFFFFE70]  }
0x16e: {  	v6 =	vld [tilespmem:s24+$0xFFFFFEF0]  }
0x16f: {  	v0 =	vmax.f32 v0, v1;
	v7 =	vld [tilespmem:s24+$0xFFFFFF70]  }
0x170: {  	v0 =	vmax.f32 v0, v2;
	v8 =	vld [tilespmem:s24+$0xFFFFFFF0]  }
.Ltmp0:
0x171: {  	v0 =	vmax.f32 v0, v3;
	v4 =	vld [tilespmem:s24+$0x70];
	(pc) =	sbr.rel @p0 .LBB2_3-.Ltmp0, $4  }
0x172: {  	v0 =	vmax.f32 v0, v5;
	v1 =	vld [tilespmem:s24+$0xF0]  }
0x173: {  	v0 =	vmax.f32 v0, v6;
	v2 =	vld [tilespmem:s24+$0x170]  }
0x174: {  	v3 =	vmax.f32 v0, v7;
	v0 =	vld [tilespmem:s24+$0x1F0]  }
0x175: {  	v5 =	vmax.f32 v3, v8;
	v3 =	vld [tilespmem:s24+$0x270]  }
0x176: {  	v4 =	vmax.f32 v5, v4;
	v5 =	vld [tilespmem:s21+$0x2F0]  }
0x177: {  	v1 =	vmax.f32 v4, v1;
	v4 =	vld [tilespmem:s21+$0x370]  }
0x178: {  	v1 =	vmax.f32 v1, v2;
	v2 =	vld [tilespmem:s21+$0x3F0]  }
0x179: {  	v0 =	vmax.f32 v1, v0  }
0x17a: {  	v0 =	vmax.f32 v0, v3  }
0x17b: {  	s31 =	sshll.u32 s19, $0xC;
	v0 =	vmax.f32 v0, v5  }
0x17c: {  	s21 =	sadd.s32 s8, s31;
	v0 =	vmax.f32 v0, v4  }
0x17d: {  	s21 =	sshrl.u32 s21, $0x3;
	v0 =	vmax.f32 v0, v2  }
0x17e: {  	p0 =	seq.s32 s19, $0x9;
	s21 =	sadd.s32 s6, s21;
	[tilespmem:s22+$0x10270] =	vst v0  }
0x17f: {  	[hbm4b:s21+s3] =	stream.linear.scatter [tilespmem:s16], [sflag:$0x3], $0x800, $0x38;
	[tilespmem:$0x10A00] =	vst v63  }
0x180: {  	s21 =	sshll.u32 @!p0 s19, $0x9  }
0x181: {  	_ =	swait.ge [sflag:s11], $0x800;
	s21 =	sadd.s32 @!p0 s21, s9  }
0x182: {  	[sflag:s11] =	ssyncset.done $0x0;
	s21 =	sshrl.u32 @!p0 s21, $0x3  }
0x183: {  	s22 =	simm.s32 @!p0 $0x0;
	[sflag:s11] =	ssyncadd.s32 $0xFFFFF800;
	s21 =	sadd.s32 @!p0 s5, s21  }
0x184: {  	[tilespmem:s22], [sflag:$0x3] =	stream.linear.gather @!p0 [hbm4b:s21+s22], $0x100, $0x38;
	[tilespmem:$0x10A00] =	vst v63  }
0x185: {  	s21 =	simm.s32 @!p0 $0x3  }
0x186: {  	_ =	swait.ge @!p0 [sflag:s21], $0x100  }
0x187: {  	[sflag:s21] =	ssyncset.done @!p0 $0x0  }
0x188: {  	s23 =	simm.s32 @!p0 $0x200;
	[sflag:s21] =	ssyncadd.s32 @!p0 $0xFFFFFF00;
	s21 =	simm.s32 @!p0 $0x100  }
0x189: {  	[tilespmem:s23], [sflag:$0x1] =	stream.indirect.gather @!p0 [hbm4b:s2+s21], $0x80, s22, s21, $0xb8;
	[tilespmem:$0x10A00] =	vst v63  }
0x18a: {  	_ =	swait.ge [sflag:s17], $0x8000  }
0x18b: {  	[sflag:s17] =	ssyncset.done $0x0  }
0x18c: {  	s21 =	simm.s32 $0x8600;
	[sflag:s17] =	ssyncadd.s32 $0xFFFF8000  }
0x18d: {  	v0 =	vld [tilespmem:s21+$0xFFFFFC80]  }
0x18e: {  	v1 =	vld [tilespmem:s21+$0xFFFFFC00]  }
0x18f: {  	v2 =	vld [tilespmem:s21+$0xFFFFFD00]  }
0x190: {  	v3 =	vld [tilespmem:s21+$0xFFFFFD80]  }
0x191: {  	v4 =	vld [tilespmem:s21+$0xFFFFFE00]  }
0x192: {  	v5 =	vld [tilespmem:s21+$0xFFFFFE80]  }
0x193: {  	v0 =	vmax.f32 v1, v0;
	v1 =	vld [tilespmem:s21+$0xFFFFFF00]  }
0x194: {  	v0 =	vmax.f32 v0, v2;
	v2 =	vld [tilespmem:s21+$0xFFFFFF80]  }
0x195: {  	v0 =	vmax.f32 v0, v3;
	v3 =	vld [tilespmem:s21+$0x0]  }
0x196: {  	v0 =	vmax.f32 v0, v4;
	v4 =	vld [tilespmem:s21+$0x80]  }
0x197: {  	v0 =	vmax.f32 v0, v5;
	v5 =	vld [tilespmem:s21+$0x100]  }
0x198: {  	v0 =	vmax.f32 v0, v1;
	v1 =	vld [tilespmem:s21+$0x180]  }
0x199: {  	v0 =	vmax.f32 v0, v2;
	v2 =	vld [tilespmem:s21+$0x200]  }
0x19a: {  	v0 =	vmax.f32 v0, v3;
	v3 =	vld [tilespmem:s21+$0x280]  }
0x19b: {  	v0 =	vmax.f32 v0, v4;
	v4 =	vld [tilespmem:s21+$0x300]  }
0x19c: {  	v0 =	vmax.f32 v0, v5;
	v5 =	vld [tilespmem:s21+$0x380]  }
0x19d: {  	v0 =	vmax.f32 v0, v1  }
0x19e: {  	v0 =	vmax.f32 v0, v2  }
0x19f: {  	v0 =	vmax.f32 v0, v3  }
0x1a0: {  	v0 =	vmax.f32 v0, v4  }
0x1a1: {  	s22 =	simm.s32 $0x0;
	v0 =	vmax.f32 v0, v5  }
0x1a2: {  	[tilespmem:s22+$0x10200] =	vst v0  }
0x1a3: {  	v0 =	vld [tilespmem:s21+$0xFFFFFC10]  }
0x1a4: {  	v1 =	vld [tilespmem:s21+$0xFFFFFC90]  }
0x1a5: {  	v2 =	vld [tilespmem:s21+$0xFFFFFD10]  }
0x1a6: {  	v3 =	vld [tilespmem:s21+$0xFFFFFD90]  }
0x1a7: {  	v4 =	vld [tilespmem:s21+$0xFFFFFE10]  }
0x1a8: {  	v5 =	vld [tilespmem:s21+$0xFFFFFE90]  }
0x1a9: {  	v0 =	vmax.f32 v0, v1;
	v1 =	vld [tilespmem:s21+$0xFFFFFF10]  }
0x1aa: {  	v0 =	vmax.f32 v0, v2;
	v2 =	vld [tilespmem:s21+$0xFFFFFF90]  }
0x1ab: {  	v0 =	vmax.f32 v0, v3;
	v3 =	vld [tilespmem:s21+$0x10]  }
0x1ac: {  	v0 =	vmax.f32 v0, v4;
	v4 =	vld [tilespmem:s21+$0x90]  }
0x1ad: {  	v0 =	vmax.f32 v0, v5;
	v5 =	vld [tilespmem:s21+$0x110]  }
0x1ae: {  	v0 =	vmax.f32 v0, v1;
	v1 =	vld [tilespmem:s21+$0x190]  }
0x1af: {  	v0 =	vmax.f32 v0, v2;
	v2 =	vld [tilespmem:s21+$0x210]  }
0x1b0: {  	v0 =	vmax.f32 v0, v3;
	v3 =	vld [tilespmem:s21+$0x290]  }
0x1b1: {  	v0 =	vmax.f32 v0, v4;
	v4 =	vld [tilespmem:s21+$0x310]  }
0x1b2: {  	v0 =	vmax.f32 v0, v5;
	v5 =	vld [tilespmem:s21+$0x390]  }
0x1b3: {  	v0 =	vmax.f32 v0, v1  }
0x1b4: {  	v0 =	vmax.f32 v0, v2  }
0x1b5: {  	v0 =	vmax.f32 v0, v3  }
0x1b6: {  	v0 =	vmax.f32 v0, v4  }
0x1b7: {  	v0 =	vmax.f32 v0, v5  }
0x1b8: {  	[tilespmem:s22+$0x10210] =	vst v0  }
0x1b9: {  	v0 =	vld [tilespmem:s21+$0xFFFFFC20]  }
0x1ba: {  	v1 =	vld [tilespmem:s21+$0xFFFFFCA0]  }
0x1bb: {  	v2 =	vld [tilespmem:s21+$0xFFFFFD20]  }
0x1bc: {  	v3 =	vld [tilespmem:s21+$0xFFFFFDA0]  }
0x1bd: {  	v4 =	vld [tilespmem:s21+$0xFFFFFE20]  }
0x1be: {  	v5 =	vld [tilespmem:s21+$0xFFFFFEA0]  }
0x1bf: {  	v0 =	vmax.f32 v0, v1;
	v1 =	vld [tilespmem:s21+$0xFFFFFF20]  }
0x1c0: {  	v0 =	vmax.f32 v0, v2;
	v2 =	vld [tilespmem:s21+$0xFFFFFFA0]  }
0x1c1: {  	v0 =	vmax.f32 v0, v3;
	v3 =	vld [tilespmem:s21+$0x20]  }
0x1c2: {  	v0 =	vmax.f32 v0, v4;
	v4 =	vld [tilespmem:s21+$0xA0]  }
0x1c3: {  	v0 =	vmax.f32 v0, v5;
	v5 =	vld [tilespmem:s21+$0x120]  }
0x1c4: {  	v0 =	vmax.f32 v0, v1;
	v1 =	vld [tilespmem:s21+$0x1A0]  }
0x1c5: {  	v0 =	vmax.f32 v0, v2;
	v2 =	vld [tilespmem:s21+$0x220]  }
0x1c6: {  	v0 =	vmax.f32 v0, v3;
	v3 =	vld [tilespmem:s21+$0x2A0]  }
0x1c7: {  	v0 =	vmax.f32 v0, v4;
	v4 =	vld [tilespmem:s21+$0x320]  }
0x1c8: {  	v0 =	vmax.f32 v0, v5;
	v5 =	vld [tilespmem:s21+$0x3A0]  }
0x1c9: {  	v0 =	vmax.f32 v0, v1  }
0x1ca: {  	v0 =	vmax.f32 v0, v2  }
0x1cb: {  	v0 =	vmax.f32 v0, v3  }
0x1cc: {  	v0 =	vmax.f32 v0, v4  }
0x1cd: {  	v0 =	vmax.f32 v0, v5  }
0x1ce: {  	[tilespmem:s22+$0x10220] =	vst v0  }
0x1cf: {  	v0 =	vld [tilespmem:s21+$0xFFFFFC30]  }
0x1d0: {  	v1 =	vld [tilespmem:s21+$0xFFFFFCB0]  }
0x1d1: {  	v2 =	vld [tilespmem:s21+$0xFFFFFD30]  }
0x1d2: {  	v3 =	vld [tilespmem:s21+$0xFFFFFDB0]  }
0x1d3: {  	v4 =	vld [tilespmem:s21+$0xFFFFFE30]  }
0x1d4: {  	v5 =	vld [tilespmem:s21+$0xFFFFFEB0]  }
0x1d5: {  	v0 =	vmax.f32 v0, v1;
	v1 =	vld [tilespmem:s21+$0xFFFFFF30]  }
0x1d6: {  	v0 =	vmax.f32 v0, v2;
	v2 =	vld [tilespmem:s21+$0xFFFFFFB0]  }
0x1d7: {  	v0 =	vmax.f32 v0, v3;
	v3 =	vld [tilespmem:s21+$0x30]  }
0x1d8: {  	v0 =	vmax.f32 v0, v4;
	v4 =	vld [tilespmem:s21+$0xB0]  }
0x1d9: {  	v0 =	vmax.f32 v0, v5;
	v5 =	vld [tilespmem:s21+$0x130]  }
0x1da: {  	v0 =	vmax.f32 v0, v1;
	v1 =	vld [tilespmem:s21+$0x1B0]  }
0x1db: {  	v0 =	vmax.f32 v0, v2;
	v2 =	vld [tilespmem:s21+$0x230]  }
0x1dc: {  	v0 =	vmax.f32 v0, v3;
	v3 =	vld [tilespmem:s21+$0x2B0]  }
0x1dd: {  	v0 =	vmax.f32 v0, v4;
	v4 =	vld [tilespmem:s21+$0x330]  }
0x1de: {  	v0 =	vmax.f32 v0, v5;
	v5 =	vld [tilespmem:s21+$0x3B0]  }
0x1df: {  	v0 =	vmax.f32 v0, v1  }
0x1e0: {  	v0 =	vmax.f32 v0, v2  }
0x1e1: {  	v0 =	vmax.f32 v0, v3  }
0x1e2: {  	v0 =	vmax.f32 v0, v4  }
0x1e3: {  	v0 =	vmax.f32 v0, v5  }
0x1e4: {  	[tilespmem:s22+$0x10230] =	vst v0  }
0x1e5: {  	v0 =	vld [tilespmem:s21+$0xFFFFFC40]  }
0x1e6: {  	v1 =	vld [tilespmem:s21+$0xFFFFFCC0]  }
0x1e7: {  	v2 =	vld [tilespmem:s21+$0xFFFFFD40]  }
0x1e8: {  	v3 =	vld [tilespmem:s21+$0xFFFFFDC0]  }
0x1e9: {  	v4 =	vld [tilespmem:s21+$0xFFFFFE40]  }
0x1ea: {  	v5 =	vld [tilespmem:s21+$0xFFFFFEC0]  }
0x1eb: {  	v0 =	vmax.f32 v0, v1;
	v1 =	vld [tilespmem:s21+$0xFFFFFF40]  }
0x1ec: {  	v0 =	vmax.f32 v0, v2;
	v2 =	vld [tilespmem:s21+$0xFFFFFFC0]  }
0x1ed: {  	v0 =	vmax.f32 v0, v3;
	v3 =	vld [tilespmem:s21+$0x40]  }
0x1ee: {  	v0 =	vmax.f32 v0, v4;
	v4 =	vld [tilespmem:s21+$0xC0]  }
0x1ef: {  	v0 =	vmax.f32 v0, v5;
	v5 =	vld [tilespmem:s21+$0x140]  }
0x1f0: {  	v0 =	vmax.f32 v0, v1;
	v1 =	vld [tilespmem:s21+$0x1C0]  }
0x1f1: {  	v0 =	vmax.f32 v0, v2;
	v2 =	vld [tilespmem:s21+$0x240]  }
0x1f2: {  	v0 =	vmax.f32 v0, v3;
	v3 =	vld [tilespmem:s21+$0x2C0]  }
0x1f3: {  	v0 =	vmax.f32 v0, v4;
	v4 =	vld [tilespmem:s21+$0x340]  }
0x1f4: {  	v0 =	vmax.f32 v0, v5;
	v5 =	vld [tilespmem:s21+$0x3C0]  }
0x1f5: {  	v0 =	vmax.f32 v0, v1  }
0x1f6: {  	v0 =	vmax.f32 v0, v2  }
0x1f7: {  	v0 =	vmax.f32 v0, v3  }
0x1f8: {  	v0 =	vmax.f32 v0, v4  }
0x1f9: {  	v0 =	vmax.f32 v0, v5  }
0x1fa: {  	[tilespmem:s22+$0x10240] =	vst v0  }
0x1fb: {  	v0 =	vld [tilespmem:s21+$0xFFFFFC50]  }
0x1fc: {  	v1 =	vld [tilespmem:s21+$0xFFFFFCD0]  }
0x1fd: {  	v2 =	vld [tilespmem:s21+$0xFFFFFD50]  }
0x1fe: {  	v3 =	vld [tilespmem:s21+$0xFFFFFDD0]  }
0x1ff: {  	v4 =	vld [tilespmem:s21+$0xFFFFFE50]  }
0x200: {  	v5 =	vld [tilespmem:s21+$0xFFFFFED0]  }
0x201: {  	v0 =	vmax.f32 v0, v1;
	v1 =	vld [tilespmem:s21+$0xFFFFFF50]  }
0x202: {  	v0 =	vmax.f32 v0, v2;
	v2 =	vld [tilespmem:s21+$0xFFFFFFD0]  }
0x203: {  	v0 =	vmax.f32 v0, v3;
	v3 =	vld [tilespmem:s21+$0x50]  }
0x204: {  	v0 =	vmax.f32 v0, v4;
	v4 =	vld [tilespmem:s21+$0xD0]  }
0x205: {  	v0 =	vmax.f32 v0, v5;
	v5 =	vld [tilespmem:s21+$0x150]  }
0x206: {  	v0 =	vmax.f32 v0, v1;
	v1 =	vld [tilespmem:s21+$0x1D0]  }
0x207: {  	v0 =	vmax.f32 v0, v2;
	v2 =	vld [tilespmem:s21+$0x250]  }
0x208: {  	v0 =	vmax.f32 v0, v3;
	v3 =	vld [tilespmem:s21+$0x2D0]  }
0x209: {  	v0 =	vmax.f32 v0, v4;
	v4 =	vld [tilespmem:s21+$0x350]  }
0x20a: {  	v0 =	vmax.f32 v0, v5;
	v5 =	vld [tilespmem:s21+$0x3D0]  }
0x20b: {  	v0 =	vmax.f32 v0, v1  }
0x20c: {  	v0 =	vmax.f32 v0, v2  }
0x20d: {  	v0 =	vmax.f32 v0, v3  }
0x20e: {  	v0 =	vmax.f32 v0, v4  }
0x20f: {  	v0 =	vmax.f32 v0, v5  }
0x210: {  	[tilespmem:s22+$0x10250] =	vst v0  }
0x211: {  	v0 =	vld [tilespmem:s21+$0xFFFFFC60]  }
0x212: {  	v1 =	vld [tilespmem:s21+$0xFFFFFCE0]  }
0x213: {  	v2 =	vld [tilespmem:s21+$0xFFFFFD60]  }
0x214: {  	v3 =	vld [tilespmem:s21+$0xFFFFFDE0]  }
0x215: {  	v4 =	vld [tilespmem:s21+$0xFFFFFE60]  }
0x216: {  	v5 =	vld [tilespmem:s21+$0xFFFFFEE0]  }
0x217: {  	v0 =	vmax.f32 v0, v1;
	v1 =	vld [tilespmem:s21+$0xFFFFFF60]  }
0x218: {  	v0 =	vmax.f32 v0, v2;
	v2 =	vld [tilespmem:s21+$0xFFFFFFE0]  }
0x219: {  	v0 =	vmax.f32 v0, v3;
	v3 =	vld [tilespmem:s21+$0x60]  }
0x21a: {  	v0 =	vmax.f32 v0, v4;
	v4 =	vld [tilespmem:s21+$0xE0]  }
0x21b: {  	v0 =	vmax.f32 v0, v5;
	v5 =	vld [tilespmem:s21+$0x160]  }
0x21c: {  	v0 =	vmax.f32 v0, v1;
	v1 =	vld [tilespmem:s21+$0x1E0]  }
0x21d: {  	v0 =	vmax.f32 v0, v2;
	v2 =	vld [tilespmem:s21+$0x260]  }
0x21e: {  	v0 =	vmax.f32 v0, v3;
	v3 =	vld [tilespmem:s21+$0x2E0]  }
0x21f: {  	v0 =	vmax.f32 v0, v4;
	v4 =	vld [tilespmem:s21+$0x360]  }
0x220: {  	v0 =	vmax.f32 v0, v5;
	v5 =	vld [tilespmem:s21+$0x3E0]  }
0x221: {  	v0 =	vmax.f32 v0, v1  }
0x222: {  	v0 =	vmax.f32 v0, v2  }
0x223: {  	v0 =	vmax.f32 v0, v3  }
0x224: {  	v0 =	vmax.f32 v0, v4  }
0x225: {  	v0 =	vmax.f32 v0, v5  }
0x226: {  	[tilespmem:s22+$0x10260] =	vst v0  }
0x227: {  	v0 =	vld [tilespmem:s21+$0xFFFFFC70]  }
0x228: {  	v1 =	vld [tilespmem:s21+$0xFFFFFCF0]  }
0x229: {  	v2 =	vld [tilespmem:s21+$0xFFFFFD70]  }
0x22a: {  	v3 =	vld [tilespmem:s21+$0xFFFFFDF0]  }
0x22b: {  	v5 =	vld [tilespmem:s21+$0xFFFFFE70]  }
0x22c: {  	v6 =	vld [tilespmem:s21+$0xFFFFFEF0]  }
0x22d: {  	v7 =	vld [tilespmem:s21+$0xFFFFFF70];
	v0 =	vmax.f32 v0, v1  }
0x22e: {  	v8 =	vld [tilespmem:s21+$0xFFFFFFF0];
	v0 =	vmax.f32 v0, v2  }
0x22f: {  	v4 =	vld [tilespmem:s21+$0x70];
	v0 =	vmax.f32 v0, v3  }
0x230: {  	v1 =	vld [tilespmem:s21+$0xF0];
	v0 =	vmax.f32 v0, v5  }
0x231: {  	v2 =	vld [tilespmem:s21+$0x170];
	v0 =	vmax.f32 v0, v6  }
0x232: {  	v3 =	vmax.f32 v0, v7;
	v0 =	vld [tilespmem:s21+$0x1F0]  }
0x233: {  	s24 =	simm.s32 $0x8600;
	s23 =	simm.s32 $0x200;
	v5 =	vmax.f32 v3, v8;
	v3 =	vld [tilespmem:s21+$0x270]  }
.LBB2_5:
0x234: {  	p0 =	sne.s32 s23, $0x1E00  }
0x235: {  	v4 =	vmax.f32 v5, v4;
	v5 =	vld [tilespmem:s21+$0x2F0];
	s24 =	sadd.s32 $0x800, s24;
	s25 =	smov.u32 s23;
	s23 =	sadd.s32 $0x200, s23  }
0x236: {  	v1 =	vmax.f32 v4, v1;
	v4 =	vld [tilespmem:s21+$0x370]  }
0x237: {  	v1 =	vmax.f32 v1, v2;
	v2 =	vld [tilespmem:s21+$0x3F0];
	s21 =	smov.u32 s24  }
0x238: {  	v0 =	vmax.f32 v1, v0  }
0x239: {  	v0 =	vmax.f32 v0, v3  }
0x23a: {  	v0 =	vmax.f32 v0, v5  }
0x23b: {  	v0 =	vmax.f32 v0, v4  }
0x23c: {  	v0 =	vmax.f32 v0, v2  }
0x23d: {  	[tilespmem:s22+$0x10270] =	vst v0  }
0x23e: {  	v0 =	vld [tilespmem:s24+$0xFFFFFD00]  }
0x23f: {  	v1 =	vld [tilespmem:s24+$0xFFFFFC80]  }
0x240: {  	v2 =	vld [tilespmem:s24+$0xFFFFFC00]  }
0x241: {  	v3 =	vld [tilespmem:s24+$0xFFFFFD80]  }
0x242: {  	v4 =	vld [tilespmem:s24+$0xFFFFFE00];
	_ =	sdelay $0x1  }
0x243: {  	v5 =	vld [tilespmem:s24+$0xFFFFFE80]  }
0x244: {  	v1 =	vmax.f32 v2, v1;
	v2 =	vld [tilespmem:s24+$0xFFFFFF00]  }
0x245: {  	v0 =	vmax.f32 v1, v0;
	v1 =	vld [tilespmem:s24+$0xFFFFFF80]  }
0x246: {  	v0 =	vmax.f32 v0, v3;
	v3 =	vld [tilespmem:s24+$0x0]  }
0x247: {  	v0 =	vmax.f32 v0, v4;
	v4 =	vld [tilespmem:s24+$0x80]  }
0x248: {  	v0 =	vmax.f32 v0, v5;
	v5 =	vld [tilespmem:s24+$0x100]  }
0x249: {  	v0 =	vmax.f32 v0, v2;
	v2 =	vld [tilespmem:s24+$0x180]  }
0x24a: {  	v0 =	vmax.f32 v0, v1;
	v1 =	vld [tilespmem:s24+$0x200]  }
0x24b: {  	v0 =	vmax.f32 v0, v3;
	v3 =	vld [tilespmem:s24+$0x280]  }
0x24c: {  	v0 =	vmax.f32 v0, v4;
	v4 =	vld [tilespmem:s24+$0x300]  }
0x24d: {  	v0 =	vmax.f32 v0, v5;
	v5 =	vld [tilespmem:s24+$0x380]  }
0x24e: {  	v0 =	vmax.f32 v0, v2  }
0x24f: {  	v0 =	vmax.f32 v0, v1  }
0x250: {  	v0 =	vmax.f32 v0, v3  }
0x251: {  	v0 =	vmax.f32 v0, v4  }
0x252: {  	s22 =	sshra.s32 s25, $0x2;
	v0 =	vmax.f32 v0, v5  }
0x253: {  	[tilespmem:s22+$0x10200] =	vst v0  }
0x254: {  	v0 =	vld [tilespmem:s24+$0xFFFFFC10]  }
0x255: {  	v1 =	vld [tilespmem:s24+$0xFFFFFC90]  }
0x256: {  	v2 =	vld [tilespmem:s24+$0xFFFFFD10]  }
0x257: {  	v3 =	vld [tilespmem:s24+$0xFFFFFD90]  }
0x258: {  	v4 =	vld [tilespmem:s24+$0xFFFFFE10]  }
0x259: {  	v5 =	vld [tilespmem:s24+$0xFFFFFE90]  }
0x25a: {  	v0 =	vmax.f32 v0, v1;
	v1 =	vld [tilespmem:s24+$0xFFFFFF10]  }
0x25b: {  	v0 =	vmax.f32 v0, v2;
	v2 =	vld [tilespmem:s24+$0xFFFFFF90]  }
0x25c: {  	v0 =	vmax.f32 v0, v3;
	v3 =	vld [tilespmem:s24+$0x10]  }
0x25d: {  	v0 =	vmax.f32 v0, v4;
	v4 =	vld [tilespmem:s24+$0x90]  }
0x25e: {  	v0 =	vmax.f32 v0, v5;
	v5 =	vld [tilespmem:s24+$0x110]  }
0x25f: {  	v0 =	vmax.f32 v0, v1;
	v1 =	vld [tilespmem:s24+$0x190]  }
0x260: {  	v0 =	vmax.f32 v0, v2;
	v2 =	vld [tilespmem:s24+$0x210]  }
0x261: {  	v0 =	vmax.f32 v0, v3;
	v3 =	vld [tilespmem:s24+$0x290]  }
0x262: {  	v0 =	vmax.f32 v0, v4;
	v4 =	vld [tilespmem:s24+$0x310]  }
0x263: {  	v0 =	vmax.f32 v0, v5;
	v5 =	vld [tilespmem:s24+$0x390]  }
0x264: {  	v0 =	vmax.f32 v0, v1  }
0x265: {  	v0 =	vmax.f32 v0, v2  }
0x266: {  	v0 =	vmax.f32 v0, v3  }
0x267: {  	v0 =	vmax.f32 v0, v4  }
0x268: {  	v0 =	vmax.f32 v0, v5  }
0x269: {  	[tilespmem:s22+$0x10210] =	vst v0  }
0x26a: {  	v0 =	vld [tilespmem:s24+$0xFFFFFC20]  }
0x26b: {  	v1 =	vld [tilespmem:s24+$0xFFFFFCA0]  }
0x26c: {  	v2 =	vld [tilespmem:s24+$0xFFFFFD20]  }
0x26d: {  	v3 =	vld [tilespmem:s24+$0xFFFFFDA0]  }
0x26e: {  	v4 =	vld [tilespmem:s24+$0xFFFFFE20]  }
0x26f: {  	v5 =	vld [tilespmem:s24+$0xFFFFFEA0]  }
0x270: {  	v0 =	vmax.f32 v0, v1;
	v1 =	vld [tilespmem:s24+$0xFFFFFF20]  }
0x271: {  	v0 =	vmax.f32 v0, v2;
	v2 =	vld [tilespmem:s24+$0xFFFFFFA0]  }
0x272: {  	v0 =	vmax.f32 v0, v3;
	v3 =	vld [tilespmem:s24+$0x20]  }
0x273: {  	v0 =	vmax.f32 v0, v4;
	v4 =	vld [tilespmem:s24+$0xA0]  }
0x274: {  	v0 =	vmax.f32 v0, v5;
	v5 =	vld [tilespmem:s24+$0x120]  }
0x275: {  	v0 =	vmax.f32 v0, v1;
	v1 =	vld [tilespmem:s24+$0x1A0]  }
0x276: {  	v0 =	vmax.f32 v0, v2;
	v2 =	vld [tilespmem:s24+$0x220]  }
0x277: {  	v0 =	vmax.f32 v0, v3;
	v3 =	vld [tilespmem:s24+$0x2A0]  }
0x278: {  	v0 =	vmax.f32 v0, v4;
	v4 =	vld [tilespmem:s24+$0x320]  }
0x279: {  	v0 =	vmax.f32 v0, v5;
	v5 =	vld [tilespmem:s24+$0x3A0]  }
0x27a: {  	v0 =	vmax.f32 v0, v1  }
0x27b: {  	v0 =	vmax.f32 v0, v2  }
0x27c: {  	v0 =	vmax.f32 v0, v3  }
0x27d: {  	v0 =	vmax.f32 v0, v4  }
0x27e: {  	v0 =	vmax.f32 v0, v5  }
0x27f: {  	[tilespmem:s22+$0x10220] =	vst v0  }
0x280: {  	v0 =	vld [tilespmem:s24+$0xFFFFFC30]  }
0x281: {  	v1 =	vld [tilespmem:s24+$0xFFFFFCB0]  }
0x282: {  	v2 =	vld [tilespmem:s24+$0xFFFFFD30]  }
0x283: {  	v3 =	vld [tilespmem:s24+$0xFFFFFDB0]  }
0x284: {  	v4 =	vld [tilespmem:s24+$0xFFFFFE30]  }
0x285: {  	v5 =	vld [tilespmem:s24+$0xFFFFFEB0]  }
0x286: {  	v0 =	vmax.f32 v0, v1;
	v1 =	vld [tilespmem:s24+$0xFFFFFF30]  }
0x287: {  	v0 =	vmax.f32 v0, v2;
	v2 =	vld [tilespmem:s24+$0xFFFFFFB0]  }
0x288: {  	v0 =	vmax.f32 v0, v3;
	v3 =	vld [tilespmem:s24+$0x30]  }
0x289: {  	v0 =	vmax.f32 v0, v4;
	v4 =	vld [tilespmem:s24+$0xB0]  }
0x28a: {  	v0 =	vmax.f32 v0, v5;
	v5 =	vld [tilespmem:s24+$0x130]  }
0x28b: {  	v0 =	vmax.f32 v0, v1;
	v1 =	vld [tilespmem:s24+$0x1B0]  }
0x28c: {  	v0 =	vmax.f32 v0, v2;
	v2 =	vld [tilespmem:s24+$0x230]  }
0x28d: {  	v0 =	vmax.f32 v0, v3;
	v3 =	vld [tilespmem:s24+$0x2B0]  }
0x28e: {  	v0 =	vmax.f32 v0, v4;
	v4 =	vld [tilespmem:s24+$0x330]  }
0x28f: {  	v0 =	vmax.f32 v0, v5;
	v5 =	vld [tilespmem:s24+$0x3B0]  }
0x290: {  	v0 =	vmax.f32 v0, v1  }
0x291: {  	v0 =	vmax.f32 v0, v2  }
0x292: {  	v0 =	vmax.f32 v0, v3  }
0x293: {  	v0 =	vmax.f32 v0, v4  }
0x294: {  	v0 =	vmax.f32 v0, v5  }
0x295: {  	[tilespmem:s22+$0x10230] =	vst v0  }
0x296: {  	v0 =	vld [tilespmem:s24+$0xFFFFFC40]  }
0x297: {  	v1 =	vld [tilespmem:s24+$0xFFFFFCC0]  }
0x298: {  	v2 =	vld [tilespmem:s24+$0xFFFFFD40]  }
0x299: {  	v3 =	vld [tilespmem:s24+$0xFFFFFDC0]  }
0x29a: {  	v4 =	vld [tilespmem:s24+$0xFFFFFE40]  }
0x29b: {  	v5 =	vld [tilespmem:s24+$0xFFFFFEC0]  }
0x29c: {  	v0 =	vmax.f32 v0, v1;
	v1 =	vld [tilespmem:s24+$0xFFFFFF40]  }
0x29d: {  	v0 =	vmax.f32 v0, v2;
	v2 =	vld [tilespmem:s24+$0xFFFFFFC0]  }
0x29e: {  	v0 =	vmax.f32 v0, v3;
	v3 =	vld [tilespmem:s24+$0x40]  }
0x29f: {  	v0 =	vmax.f32 v0, v4;
	v4 =	vld [tilespmem:s24+$0xC0]  }
0x2a0: {  	v0 =	vmax.f32 v0, v5;
	v5 =	vld [tilespmem:s24+$0x140]  }
0x2a1: {  	v0 =	vmax.f32 v0, v1;
	v1 =	vld [tilespmem:s24+$0x1C0]  }
0x2a2: {  	v0 =	vmax.f32 v0, v2;
	v2 =	vld [tilespmem:s24+$0x240]  }
0x2a3: {  	v0 =	vmax.f32 v0, v3;
	v3 =	vld [tilespmem:s24+$0x2C0]  }
0x2a4: {  	v0 =	vmax.f32 v0, v4;
	v4 =	vld [tilespmem:s24+$0x340]  }
0x2a5: {  	v0 =	vmax.f32 v0, v5;
	v5 =	vld [tilespmem:s24+$0x3C0]  }
0x2a6: {  	v0 =	vmax.f32 v0, v1  }
0x2a7: {  	v0 =	vmax.f32 v0, v2  }
0x2a8: {  	v0 =	vmax.f32 v0, v3  }
0x2a9: {  	v0 =	vmax.f32 v0, v4  }
0x2aa: {  	v0 =	vmax.f32 v0, v5  }
0x2ab: {  	[tilespmem:s22+$0x10240] =	vst v0  }
0x2ac: {  	v0 =	vld [tilespmem:s24+$0xFFFFFC50]  }
0x2ad: {  	v1 =	vld [tilespmem:s24+$0xFFFFFCD0]  }
0x2ae: {  	v2 =	vld [tilespmem:s24+$0xFFFFFD50]  }
0x2af: {  	v3 =	vld [tilespmem:s24+$0xFFFFFDD0]  }
0x2b0: {  	v4 =	vld [tilespmem:s24+$0xFFFFFE50]  }
0x2b1: {  	v5 =	vld [tilespmem:s24+$0xFFFFFED0]  }
0x2b2: {  	v0 =	vmax.f32 v0, v1;
	v1 =	vld [tilespmem:s24+$0xFFFFFF50]  }
0x2b3: {  	v0 =	vmax.f32 v0, v2;
	v2 =	vld [tilespmem:s24+$0xFFFFFFD0]  }
0x2b4: {  	v0 =	vmax.f32 v0, v3;
	v3 =	vld [tilespmem:s24+$0x50]  }
0x2b5: {  	v0 =	vmax.f32 v0, v4;
	v4 =	vld [tilespmem:s24+$0xD0]  }
0x2b6: {  	v0 =	vmax.f32 v0, v5;
	v5 =	vld [tilespmem:s24+$0x150]  }
0x2b7: {  	v0 =	vmax.f32 v0, v1;
	v1 =	vld [tilespmem:s24+$0x1D0]  }
0x2b8: {  	v0 =	vmax.f32 v0, v2;
	v2 =	vld [tilespmem:s24+$0x250]  }
0x2b9: {  	v0 =	vmax.f32 v0, v3;
	v3 =	vld [tilespmem:s24+$0x2D0]  }
0x2ba: {  	v0 =	vmax.f32 v0, v4;
	v4 =	vld [tilespmem:s24+$0x350]  }
0x2bb: {  	v0 =	vmax.f32 v0, v5;
	v5 =	vld [tilespmem:s24+$0x3D0]  }
0x2bc: {  	v0 =	vmax.f32 v0, v1  }
0x2bd: {  	v0 =	vmax.f32 v0, v2  }
0x2be: {  	v0 =	vmax.f32 v0, v3  }
0x2bf: {  	v0 =	vmax.f32 v0, v4  }
0x2c0: {  	v0 =	vmax.f32 v0, v5  }
0x2c1: {  	[tilespmem:s22+$0x10250] =	vst v0  }
0x2c2: {  	v0 =	vld [tilespmem:s24+$0xFFFFFC60]  }
0x2c3: {  	v1 =	vld [tilespmem:s24+$0xFFFFFCE0]  }
0x2c4: {  	v2 =	vld [tilespmem:s24+$0xFFFFFD60]  }
0x2c5: {  	v3 =	vld [tilespmem:s24+$0xFFFFFDE0]  }
0x2c6: {  	v4 =	vld [tilespmem:s24+$0xFFFFFE60]  }
0x2c7: {  	v5 =	vld [tilespmem:s24+$0xFFFFFEE0]  }
0x2c8: {  	v0 =	vmax.f32 v0, v1;
	v1 =	vld [tilespmem:s24+$0xFFFFFF60]  }
0x2c9: {  	v0 =	vmax.f32 v0, v2;
	v2 =	vld [tilespmem:s24+$0xFFFFFFE0]  }
0x2ca: {  	v0 =	vmax.f32 v0, v3;
	v3 =	vld [tilespmem:s24+$0x60]  }
0x2cb: {  	v0 =	vmax.f32 v0, v4;
	v4 =	vld [tilespmem:s24+$0xE0]  }
0x2cc: {  	v0 =	vmax.f32 v0, v5;
	v5 =	vld [tilespmem:s24+$0x160]  }
0x2cd: {  	v0 =	vmax.f32 v0, v1;
	v1 =	vld [tilespmem:s24+$0x1E0]  }
0x2ce: {  	v0 =	vmax.f32 v0, v2;
	v2 =	vld [tilespmem:s24+$0x260]  }
0x2cf: {  	v0 =	vmax.f32 v0, v3;
	v3 =	vld [tilespmem:s24+$0x2E0]  }
0x2d0: {  	v0 =	vmax.f32 v0, v4;
	v4 =	vld [tilespmem:s24+$0x360]  }
0x2d1: {  	v0 =	vmax.f32 v0, v5;
	v5 =	vld [tilespmem:s24+$0x3E0]  }
0x2d2: {  	v0 =	vmax.f32 v0, v1  }
0x2d3: {  	v0 =	vmax.f32 v0, v2  }
0x2d4: {  	v0 =	vmax.f32 v0, v3  }
0x2d5: {  	v0 =	vmax.f32 v0, v4  }
0x2d6: {  	v0 =	vmax.f32 v0, v5  }
0x2d7: {  	[tilespmem:s22+$0x10260] =	vst v0  }
0x2d8: {  	v0 =	vld [tilespmem:s24+$0xFFFFFC70]  }
0x2d9: {  	v1 =	vld [tilespmem:s24+$0xFFFFFCF0]  }
0x2da: {  	v2 =	vld [tilespmem:s24+$0xFFFFFD70]  }
0x2db: {  	v3 =	vld [tilespmem:s24+$0xFFFFFDF0]  }
0x2dc: {  	v5 =	vld [tilespmem:s24+$0xFFFFFE70]  }
0x2dd: {  	v6 =	vld [tilespmem:s24+$0xFFFFFEF0]  }
0x2de: {  	v0 =	vmax.f32 v0, v1;
	v7 =	vld [tilespmem:s24+$0xFFFFFF70]  }
0x2df: {  	v0 =	vmax.f32 v0, v2;
	v8 =	vld [tilespmem:s24+$0xFFFFFFF0]  }
.Ltmp1:
0x2e0: {  	v0 =	vmax.f32 v0, v3;
	v4 =	vld [tilespmem:s24+$0x70];
	(pc) =	sbr.rel @p0 .LBB2_5-.Ltmp1, $4  }
0x2e1: {  	v0 =	vmax.f32 v0, v5;
	v1 =	vld [tilespmem:s24+$0xF0]  }
0x2e2: {  	v0 =	vmax.f32 v0, v6;
	v2 =	vld [tilespmem:s24+$0x170]  }
0x2e3: {  	v3 =	vmax.f32 v0, v7;
	v0 =	vld [tilespmem:s24+$0x1F0]  }
0x2e4: {  	v5 =	vmax.f32 v3, v8;
	v3 =	vld [tilespmem:s24+$0x270]  }
0x2e5: {  	v4 =	vmax.f32 v5, v4;
	v61 =	vld [tilespmem:s21+$0x2F0]  }
0x2e6: {  	v62 =	vld [tilespmem:s21+$0x370];
	v1 =	vmax.f32 v4, v1  }
0x2e7: {  	v63 =	vld [tilespmem:s21+$0x3F0];
	v1 =	vmax.f32 v1, v2  }
0x2e8: {  	v0 =	vmax.f32 v1, v0  }
0x2e9: {  	v0 =	vmax.f32 v0, v3  }
0x2ea: {  	s20 =	sshll.u32 s20, $0xB;
	v0 =	vmax.f32 v0, v61  }
0x2eb: {  	s19 =	sadd.s32 $0x1, s19;
	s20 =	sadd.s32 s8, s20;
	v0 =	vmax.f32 v0, v62  }
0x2ec: {  	p0 =	sne.s32 s19, $0xA;
	s20 =	sshrl.u32 s20, $0x3;
	v0 =	vmax.f32 v0, v63  }
.Ltmp2:
0x2ed: {  	s20 =	sadd.s32 s6, s20;
	[tilespmem:s22+$0x10270] =	vst v0;
	(pc) =	sbr.rel @p0 .LBB2_2-.Ltmp2, $4  }
0x2ee: {  	[hbm4b:s20+s3] =	stream.linear.scatter [tilespmem:s16], [sflag:$0x3], $0x800, $0x38;
	[tilespmem:$0x10A00] =	vst v63  }
0x2ef: {  	_ =	swait.ge [sflag:s11], $0x800  }
0x2f0: {  	[sflag:s11] =	ssyncset.done $0x0  }
0x2f1: {  	[sflag:s11] =	ssyncadd.s32 $0xFFFFF800  }
0x2f2: {  	s18 =	sadd.s32 $0x1, s18  }
0x2f3: {  	p0 =	sne.s32 s18, s10  }
.Ltmp3:
0x2f4: {  	_ = 	snop;
	(pc) =	sbr.rel @p0 .LBB2_1-.Ltmp3, $1  }
0x2f5: {  	_ =	sdelay $0x3  }
0x2f6: {  	_ =	sfence.sel $0x180000  }
0x2f7: {  	[bflag:$0x0] =	sbarrier.arrive $0xFFFF  }
0x2f8: {  	p0 =	sne.s32 s0, $0x0;
	_ =	strace $0x90000047  }
0x2f9: {  	s0 =	sadd.s32 @!p0 $0x100000, s1;
	[bflag:$0x2] =	sbarrier.arrive $0xFFFF  }
0x2fa: {  	[sflag:s0] =	ssyncadd.tile.s32 @!p0 $0x1;
	_ =	shalt  }
.Lfunc_end2:
_tile_overlayer_lowered:
.L_overlay_start_2:
0x2fb: {  	(tag) =	ssettag $0x2  }
0x2fc: {  	s0 =	rddreg [dreg:$0x0];
	s2 =	stileid.u32  }
0x2fd: {  	s1 =	rddreg [dreg:$0x1];
	p0 =	sne.s32 s2, $0x0  }
0x2fe: {  	s3 =	rddreg [dreg:$0x2];
	[bflag:$0x3] =	sbarrier.arrive $0xFFFF;
	s2 =	simm.s32 @!p0 $0x1C03  }
0x2ff: {  	[timem:s3], [sflag:s2] =	dma.local @!p0 [hbm:s0], s1  }
0x300: {  	s0 =	simm.s32 @!p0 $0x3  }
0x301: {  	_ =	swait.ge @!p0 [sflag:s0], s1  }
0x302: {  	s1 =	ssub.s32 @!p0 $0x0, s1;
	[sflag:s0] =	ssyncset.done @!p0 $0x0  }
0x303: {  	[sflag:s0] =	ssyncadd.s32 @!p0 s1  }
0x304: {  	[bflag:$0x3] =	sbarrier.arrive $0xFFFF  }
0x305: {  	_ =	shalt  }

</sc_bundles>
